<compile_context>
chip_gen: v7x
topology: tpu7x:2x2x1
jax: 0.10.2.dev20260603
libtpu: 0.0.44.dev20260713+nightly
codegen_flags: <defaults>
</compile_context>

<pallas_src>
import functools

import jax
import jax.numpy as jnp
from jax import lax
from jax.experimental import pallas as pl
from jax.experimental.pallas import tpu as pltpu
from jax.experimental.pallas import tpu_sc as plsc

TAU = 0.2
EPS = 1e-12
NEG = -1e30
K_SEL = 32
BLK = 4096
CHUNK = 128


def _row_normalize(x):
    n = jnp.sqrt(jnp.sum(x * x, axis=1, keepdims=True))
    return x / jnp.maximum(n, EPS)


def _extract_topk(vals, payload, k):
    q, n = vals.shape
    col = jax.lax.broadcasted_iota(jnp.int32, (q, n), 1)
    big = jnp.int32(2 ** 30)
    out_v = []
    out_p = []
    for _ in range(k):
        m = jnp.max(vals, axis=1, keepdims=True)
        eq = vals == m
        pos = jnp.min(jnp.where(eq, col, big), axis=1, keepdims=True)
        sel = col == pos
        out_v.append(m)
        out_p.append(jnp.sum(jnp.where(sel, payload, 0), axis=1, keepdims=True))
        vals = jnp.where(sel, NEG, vals)
    return jnp.concatenate(out_v, axis=1), jnp.concatenate(out_p, axis=1)


def _pass1_body(m_total, nbm, q_ref, k_ref, wk_ref, w_ref, win_ref,
                logit_ref, cmax_ref):
    i = pl.program_id(0)
    q = q_ref[...]
    qn = _row_normalize(q)

    @pl.when(i < nbm)
    def _mem_side():
        kb = k_ref[...]
        lg = jax.lax.dot_general(
            qn, kb, (((1,), (1,)), ((), ())),
            preferred_element_type=jnp.float32) * (1.0 / TAU)
        nq, nb = lg.shape
        colg = i * nb + jax.lax.broadcasted_iota(jnp.int32, (1, nb), 1)
        dead = jnp.logical_or(w_ref[0, :].reshape(1, nb) >= 0,
                              colg >= m_total)
        lg3 = jnp.where(dead, NEG, lg).reshape(nq, nb // CHUNK, CHUNK)
        logit_ref[...] = lg3
        cmax_ref[0] = jnp.max(lg3, axis=2)

    @pl.when(i >= nbm)
    def _write_side():
        wk = wk_ref[...]
        kn = _row_normalize(wk)
        lg = jax.lax.dot_general(
            qn, kn, (((1,), (1,)), ((), ())),
            preferred_element_type=jnp.float32) * (1.0 / TAU)
        nq, nb = lg.shape
        loser = win_ref[0, :].reshape(1, nb) == 0
        lg3 = jnp.where(loser, NEG, lg).reshape(nq, nb // CHUNK, CHUNK)
        logit_ref[...] = lg3
        cmax_ref[0] = jnp.max(lg3, axis=2)


def _chunktop_body(nchunks, cmax_ref, surv_ref, flat_ref):
    cm = cmax_ref[...]
    nq, nc = cm.shape
    chunk_id = jax.lax.broadcasted_iota(jnp.int32, (nq, nc), 1)
    _, surv = _extract_topk(cm, chunk_id, K_SEL)
    surv_ref[...] = surv
    row = jax.lax.broadcasted_iota(jnp.int32, (nq, K_SEL), 0)
    flat_ref[...] = row * nchunks + surv


def _sc_gather_rows(table, idx, d):
    info = plsc.get_sparse_core_info()
    nw = info.num_cores * info.num_subcores
    b = idx.shape[0]
    b_per_w = b // nw
    mesh = plsc.VectorSubcoreMesh(core_axis_name="c", subcore_axis_name="s")

    @functools.partial(
        pl.kernel, mesh=mesh,
        out_type=jax.ShapeDtypeStruct((b, d), jnp.float32),
        scratch_types=[
            pltpu.VMEM((b_per_w,), jnp.int32),
            pltpu.VMEM((b_per_w, d), jnp.float32),
            pltpu.SemaphoreType.DMA,
        ],
    )
    def gathered(table_hbm, idx_hbm, out_hbm, idx_v, rows_v, sem):
        wid = lax.axis_index("s") * info.num_cores + lax.axis_index("c")
        base = wid * b_per_w
        pltpu.sync_copy(idx_hbm.at[pl.ds(base, b_per_w)], idx_v)
        pltpu.async_copy(table_hbm.at[idx_v], rows_v, sem).wait()
        pltpu.sync_copy(rows_v, out_hbm.at[pl.ds(base, b_per_w)])

    return gathered(table, idx)


def _final_body(gath_ref, payload_ref, attn_ref, idx_ref):
    v, p = _extract_topk(gath_ref[...], payload_ref[...], K_SEL)
    m = jnp.max(v, axis=1, keepdims=True)
    e = jnp.exp(v - m)
    attn_ref[...] = e / jnp.sum(e, axis=1, keepdims=True)
    idx_ref[...] = p


def kernel(mem_K, mem_V, write_keys, write_vals, query, write_idx, topk):
    m, d = mem_K.shape
    b = write_keys.shape[0]
    nq = query.shape[0]

    nbm = -(-m // BLK)
    nbw = -(-b // BLK)
    nblk = nbm + nbw
    m_pad = nbm * BLK
    b_pad = nbw * BLK
    ncols = m_pad + b_pad
    nchunks = ncols // CHUNK

    order = jnp.arange(b, dtype=jnp.float32)
    winner_f = (jnp.full((m_pad,), -1.0, jnp.float32)
                .at[write_idx].max(order, mode='promise_in_bounds'))
    win_b = (winner_f.at[write_idx].get(mode='promise_in_bounds')
             == order).astype(jnp.int32)
    winner = winner_f.astype(jnp.int32)
    if b_pad != b:
        win_b = jnp.pad(win_b, (0, b_pad - b))
    winner3 = winner.reshape(nbm, 1, BLK)
    win3 = win_b.reshape(nbw, 1, BLK)

    logits, cmax = pl.pallas_call(
        functools.partial(_pass1_body, m, nbm),
        grid=(nblk,),
        in_specs=[
            pl.BlockSpec((nq, d), lambda i: (0, 0)),
            pl.BlockSpec((BLK, d), lambda i: (jnp.minimum(i, nbm - 1), 0)),
            pl.BlockSpec((BLK, d), lambda i: (jnp.maximum(i - nbm, 0), 0)),
            pl.BlockSpec((1, 1, BLK), lambda i: (jnp.minimum(i, nbm - 1), 0, 0)),
            pl.BlockSpec((1, 1, BLK), lambda i: (jnp.maximum(i - nbm, 0), 0, 0)),
        ],
        out_specs=[
            pl.BlockSpec((nq, BLK // CHUNK, CHUNK), lambda i: (0, i, 0)),
            pl.BlockSpec((1, nq, BLK // CHUNK), lambda i: (i, 0, 0)),
        ],
        out_shape=[
            jax.ShapeDtypeStruct((nq, nchunks, CHUNK), jnp.float32),
            jax.ShapeDtypeStruct((nblk, nq, BLK // CHUNK), jnp.float32),
        ],
    )(query, mem_K, write_keys, winner3, win3)
    cmax = jnp.transpose(cmax, (1, 0, 2)).reshape(nq, nchunks)

    surv, flat = pl.pallas_call(
        functools.partial(_chunktop_body, nchunks),
        out_shape=[
            jax.ShapeDtypeStruct((nq, K_SEL), jnp.int32),
            jax.ShapeDtypeStruct((nq, K_SEL), jnp.int32),
        ],
    )(cmax)

    table = logits.reshape(nq * nchunks, CHUNK)
    gath = _sc_gather_rows(table, flat.reshape(nq * K_SEL), CHUNK)
    gath = gath.reshape(nq, K_SEL * CHUNK)

    payload = (surv[:, :, None] * CHUNK +
               jnp.arange(CHUNK, dtype=jnp.int32)[None, None, :])
    payload = payload.reshape(nq, K_SEL * CHUNK)

    attn, idx = pl.pallas_call(
        _final_body,
        out_shape=[
            jax.ShapeDtypeStruct((nq, K_SEL), jnp.float32),
            jax.ShapeDtypeStruct((nq, K_SEL), jnp.int32),
        ],
    )(gath, payload)

    from_mem = idx < m_pad
    mem_rows = jnp.take(mem_V, jnp.minimum(idx, m - 1), axis=0, mode='clip')
    wr_rows = jnp.take(write_vals, jnp.clip(idx - m_pad, 0, b - 1), axis=0,
                       mode='clip')
    v_sel = jnp.where(from_mem[..., None], mem_rows, wr_rows)
    out = jnp.einsum('qk,qkd->qd', attn, v_sel)
    return out

# --- scband reference (transcript-rebuilt; emitter-appended) ---
"""Pipeline reference for scband-hippocampus-48017734369418 (READ-ONLY COPY).

The authoritative reference and input builder live on the scoring server;
editing this copy changes nothing except your own understanding.
"""

import jax, jax.numpy as jnp
import numpy as np

TAU = 0.2
EPS = 1e-12


def _normalize(x):
    n = jnp.linalg.norm(x, axis=-1, keepdims=True)
    return x / jnp.maximum(n, EPS)


def setup_inputs(seed: int = 0) -> dict:
    key = jax.random.key(seed)
    k1, k2, k3, k4, k5, k6 = jax.random.split(key, 6)
    M, d, B, Q = 100000, 64, 16384, 64
    return {
        "mem_K": _normalize(jax.random.normal(k1, (M, d), dtype=jnp.float32)),
        "mem_V": jax.random.normal(k2, (M, d), dtype=jnp.float32),
        "write_keys": jax.random.normal(k3, (B, d), dtype=jnp.float32),
        "write_vals": jax.random.normal(k4, (B, d), dtype=jnp.float32),
        "query": jax.random.normal(k5, (Q, d), dtype=jnp.float32),
        "write_idx": jax.random.randint(k6, (B,), 0, M, dtype=jnp.int32),
        "topk": 32,
    }


def reference(mem_K, mem_V, write_keys, write_vals, query, write_idx, topk):
    # FastHebbMemory.write: normalized keys / raw values scattered into memory slots
    kn = _normalize(write_keys)
    K = mem_K.at[write_idx].set(kn)
    V = mem_V.at[write_idx].set(write_vals)
    # FastHebbMemory.read: cosine-similarity addressing with temperature tau,
    # top-k selection, softmax over selected logits, gather values, weighted sum
    qn = _normalize(query)
    logits = (qn @ K.T) / TAU
    TOPK_STATIC = 32
    vals, idxs = jax.lax.top_k(logits, TOPK_STATIC)
    attn = jax.nn.softmax(vals, axis=-1)
    V_sel = jnp.take(V, idxs, axis=0)  # [Q, topk, d] gather
    out = jnp.einsum('qk,qkd->qd', attn, V_sel)
    out = out + (jnp.asarray(topk, out.dtype) - TOPK_STATIC) * 0.0
    return out

if __name__ == "__main__":
    import jax
    _d = setup_inputs()
    print(jax.jit(kernel)(*tuple(_d.values())))

</pallas_src>

<mosaic_0001>
#map = affine_map<(d0, d1) -> (0, 0)>
#map1 = affine_map<(d0, d1) -> (0)>
module attributes {stable_mosaic.version = 14 : i64} {
  func.func @gathered(%arg0: i32, %arg1: i32, %arg2: memref<59392x128xf32, #tpu.memory_space<hbm>>, %arg3: memref<2048xi32, #tpu.memory_space<hbm>>, %arg4: memref<2048x128xf32, #tpu.memory_space<hbm>>, %arg5: memref<64xi32, #tpu.memory_space<vmem>>, %arg6: memref<64x128xf32, #tpu.memory_space<vmem>>, %arg7: memref<!tpu.dma_semaphore, #tpu.memory_space<semaphore_mem>>) attributes {dimension_semantics = [#tpu.dimension_semantics<core_parallel>, #tpu.dimension_semantics<subcore_parallel>], iteration_bounds = array<i64: 2, 16>, scalar_prefetch = 0 : i64, scratch_operands = 3 : i64, tpu.core_type = #tpu.core_type<sc_vector_subcore>, window_params = [{transform_indices = #map}, {transform_indices = #map1}, {transform_indices = #map}]} {
    %mul3A = arith.constant 2 : i32
    %mul3A_0 = arith.muli %arg1, %mul3A : i32
    %add3A = arith.addi %mul3A_0, %arg0 : i32
    %mul3A_1 = arith.constant 64 : i32
    %mul3A_2 = arith.muli %add3A, %mul3A_1 : i32
    "tpu.region"() ({
      %run_scoped3A = tpu.sem_alloc : memref<!tpu.dma_semaphore, #tpu.memory_space<semaphore_mem>>
      %dma_start3A_7 = tpu.memref_slice %arg3[%mul3A_2] : memref<2048xi32, #tpu.memory_space<hbm>> -> memref<64xi32, #tpu.memory_space<hbm>>
      %dma_start3A_8 = tpu.memref_slice %arg3[%mul3A_2] : memref<2048xi32, #tpu.memory_space<hbm>> -> memref<64xi32, #tpu.memory_space<hbm>>
      tpu.enqueue_dma source(%dma_start3A_8 : memref<64xi32, #tpu.memory_space<hbm>>) target(%arg5 : memref<64xi32, #tpu.memory_space<vmem>>) target_semaphore(%run_scoped3A : memref<!tpu.dma_semaphore, #tpu.memory_space<semaphore_mem>>)
      %dma_wait3A_9 = tpu.memref_slice %arg3[%mul3A_2] : memref<2048xi32, #tpu.memory_space<hbm>> -> memref<64xi32, #tpu.memory_space<hbm>>
      %dma_wait3A_10 = tpu.memref_slice %arg3[%mul3A_2] : memref<2048xi32, #tpu.memory_space<hbm>> -> memref<64xi32, #tpu.memory_space<hbm>>
      tpu.wait_dma2 semaphore(%run_scoped3A : memref<!tpu.dma_semaphore, #tpu.memory_space<semaphore_mem>>) src(%dma_wait3A_10 : memref<64xi32, #tpu.memory_space<hbm>>) dst(%arg5 : memref<64xi32, #tpu.memory_space<vmem>>)
      tpu.yield
    }) : () -> ()
    %dma_start3A = arith.constant 0 : i32
    %dma_start3A_3 = arith.constant 0 : i32
    %dma_start3A_4 = tpu.memref_slice %arg2[%dma_start3A, %dma_start3A_3] : memref<59392x128xf32, #tpu.memory_space<hbm>> -> memref<59392x128xf32, #tpu.memory_space<hbm>>
    tpu.enqueue_indirect_dma source(%dma_start3A_4 : memref<59392x128xf32, #tpu.memory_space<hbm>>) target(%arg6 : memref<64x128xf32, #tpu.memory_space<vmem>>) offsets(%arg5 : memref<64xi32, #tpu.memory_space<vmem>>) semaphore(%arg7 : memref<!tpu.dma_semaphore, #tpu.memory_space<semaphore_mem>>)
    %dma_wait3A = arith.constant 0 : i32
    %dma_wait3A_5 = arith.constant 0 : i32
    %dma_wait3A_6 = tpu.memref_slice %arg2[%dma_wait3A, %dma_wait3A_5] : memref<59392x128xf32, #tpu.memory_space<hbm>> -> memref<59392x128xf32, #tpu.memory_space<hbm>>
    tpu.wait_indirect_dma semaphore(%arg7 : memref<!tpu.dma_semaphore, #tpu.memory_space<semaphore_mem>>) src(%dma_wait3A_6 : memref<59392x128xf32, #tpu.memory_space<hbm>>) dst(%arg6 : memref<64x128xf32, #tpu.memory_space<vmem>>)
    "tpu.region"() ({
      %run_scoped3A = tpu.sem_alloc : memref<!tpu.dma_semaphore, #tpu.memory_space<semaphore_mem>>
      %dma_start3A_7 = arith.constant 0 : i32
      %dma_start3A_8 = tpu.memref_slice %arg4[%mul3A_2, %dma_start3A_7] : memref<2048x128xf32, #tpu.memory_space<hbm>> -> memref<64x128xf32, #tpu.memory_space<hbm>>
      %dma_start3A_9 = arith.constant 0 : i32
      %dma_start3A_10 = tpu.memref_slice %arg4[%mul3A_2, %dma_start3A_9] : memref<2048x128xf32, #tpu.memory_space<hbm>> -> memref<64x128xf32, #tpu.memory_space<hbm>>
      tpu.enqueue_dma source(%arg6 : memref<64x128xf32, #tpu.memory_space<vmem>>) target(%dma_start3A_10 : memref<64x128xf32, #tpu.memory_space<hbm>>) target_semaphore(%run_scoped3A : memref<!tpu.dma_semaphore, #tpu.memory_space<semaphore_mem>>)
      %dma_wait3A_11 = arith.constant 0 : i32
      %dma_wait3A_12 = tpu.memref_slice %arg4[%mul3A_2, %dma_wait3A_11] : memref<2048x128xf32, #tpu.memory_space<hbm>> -> memref<64x128xf32, #tpu.memory_space<hbm>>
      %dma_wait3A_13 = arith.constant 0 : i32
      %dma_wait3A_14 = tpu.memref_slice %arg4[%mul3A_2, %dma_wait3A_13] : memref<2048x128xf32, #tpu.memory_space<hbm>> -> memref<64x128xf32, #tpu.memory_space<hbm>>
      tpu.wait_dma2 semaphore(%run_scoped3A : memref<!tpu.dma_semaphore, #tpu.memory_space<semaphore_mem>>) src(%arg6 : memref<64x128xf32, #tpu.memory_space<vmem>>) dst(%dma_wait3A_14 : memref<64x128xf32, #tpu.memory_space<hbm>>)
      tpu.yield
    }) : () -> ()
    return
  }
}

module attributes {stable_mosaic.version = 14 : i64} {
  func.func @_pass1_body(%arg0: i32, %arg1: memref<64x64xf32, #tpu.memory_space<vmem>>, %arg2: memref<4096x64xf32, #tpu.memory_space<vmem>>, %arg3: memref<4096x64xf32, #tpu.memory_space<vmem>>, %arg4: memref<1x1x4096xi32, #tpu.memory_space<vmem>>, %arg5: memref<1x1x4096xi32, #tpu.memory_space<vmem>>, %arg6: memref<64x32x128xf32, #tpu.memory_space<vmem>>, %arg7: memref<1x64x32xf32, #tpu.memory_space<vmem>>) attributes {dimension_semantics = [#tpu.dimension_semantics<arbitrary>], iteration_bounds = array<i64: 29>, scalar_prefetch = 0 : i64, scratch_operands = 0 : i64, tpu.core_type = #tpu.core_type<tc>, window_params = [{pipeline_mode = #tpu.pipeline_mode<synchronous>, transform_indices = @transform_0, window_bounds = array<i64: 64, 64>}, {transform_indices = @transform_1, window_bounds = array<i64: 4096, 64>}, {transform_indices = @transform_2, window_bounds = array<i64: 4096, 64>}, {transform_indices = @transform_3, window_bounds = array<i64: 1, 1, 4096>}, {transform_indices = @transform_4, window_bounds = array<i64: 1, 1, 4096>}, {transform_indices = @transform_5, window_bounds = array<i64: 64, 32, 128>}, {transform_indices = @transform_6, window_bounds = array<i64: 1, 64, 32>}]} {
    %get3A = arith.constant 0 : index
    %get3A_0 = arith.constant 0 : index
    %get3A_1 = vector.load %arg1[%get3A, %get3A_0] : memref<64x64xf32, #tpu.memory_space<vmem>>, vector<64x64xf32>
    %mul3A = arith.mulf %get3A_1, %get3A_1 : vector<64x64xf32>
    %reduce_sum3A = arith.constant dense<0.000000e+00> : vector<64xf32>
    %reduce_sum3A_2 = vector.multi_reduction <add>, %mul3A, %reduce_sum3A [1] : vector<64x64xf32> to vector<64xf32>
    %broadcast_in_dim3A = vector.shape_cast %reduce_sum3A_2 : vector<64xf32> to vector<64x1xf32>
    %sqrt3A = math.sqrt %broadcast_in_dim3A : vector<64x1xf32>
    %max3A = arith.constant 9.99999996E-13 : f32
    %max3A_3 = vector.broadcast %max3A : f32 to vector<64x1xf32>
    %max3A_4 = arith.maximumf %sqrt3A, %max3A_3 : vector<64x1xf32>
    %div3A = vector.broadcast %max3A_4 : vector<64x1xf32> to vector<64x64xf32>
    %div3A_5 = arith.divf %get3A_1, %div3A : vector<64x64xf32>
    %lt3A = arith.constant 25 : i32
    %lt3A_6 = arith.cmpi slt, %arg0, %lt3A : i32
    %convert_element_type3A = arith.extui %lt3A_6 : i1 to i32
    %cond3A = arith.constant 0 : i32
    %cond3A_7 = arith.cmpi ne, %convert_element_type3A, %cond3A : i32
    scf.if %cond3A_7 {
      %get3A_12 = arith.constant 0 : index
      %get3A_13 = arith.constant 0 : index
      %get3A_14 = vector.load %arg2[%get3A_12, %get3A_13] : memref<4096x64xf32, #tpu.memory_space<vmem>>, vector<4096x64xf32>
      %dot_general3A = arith.constant dense<0.000000e+00> : vector<64x4096xf32>
      %dot_general3A_15 = tpu.matmul %div3A_5, %get3A_14, %dot_general3A {dimension_numbers = #tpu.dot_dimension_numbers<[1], [1], [0], [0], [0, 0, 1, 0], [], []>, transpose_lhs_hint = false} : vector<64x64xf32>, vector<4096x64xf32>, vector<64x4096xf32> -> vector<64x4096xf32>
      %mul3A_16 = arith.constant 5.000000e+00 : f32
      %mul3A_17 = vector.broadcast %mul3A_16 : f32 to vector<64x4096xf32>
      %mul3A_18 = arith.mulf %dot_general3A_15, %mul3A_17 : vector<64x4096xf32>
      %mul3A_19 = arith.constant 4096 : i32
      %mul3A_20 = arith.muli %arg0, %mul3A_19 : i32
      %iota3A = tpu.iota {dimensions = array<i32: 1>} : vector<1x4096xi32>
      %add3A = vector.broadcast %mul3A_20 : i32 to vector<1x4096xi32>
      %add3A_21 = arith.addi %add3A, %iota3A : vector<1x4096xi32>
      %get3A_22 = arith.constant 0 : index
      %get3A_23 = arith.constant 0 : index
      %get3A_24 = arith.constant 0 : index
      %get3A_25 = vector.load %arg4[%get3A_22, %get3A_23, %get3A_24] : memref<1x1x4096xi32, #tpu.memory_space<vmem>>, vector<1x1x4096xi32>
      %get3A_26 = vector.shape_cast %get3A_25 : vector<1x1x4096xi32> to vector<1x4096xi32>
      %ge3A_27 = arith.constant 0 : i32
      %ge3A_28 = vector.broadcast %ge3A_27 : i32 to vector<1x4096xi32>
      %ge3A_29 = arith.cmpi sge, %get3A_26, %ge3A_28 : vector<1x4096xi32>
      %ge3A_30 = arith.constant 100000 : i32
      %ge3A_31 = vector.broadcast %ge3A_30 : i32 to vector<1x4096xi32>
      %ge3A_32 = arith.cmpi sge, %add3A_21, %ge3A_31 : vector<1x4096xi32>
      %or3A = arith.ori %ge3A_29, %ge3A_32 : vector<1x4096xi1>
      %jit3A = arith.constant -1.000000e+30 : f32
      %broadcast_in_dim3A_33 = vector.shape_cast %or3A : vector<1x4096xi1> to vector<1x4096xi1>
      %broadcast_in_dim3A_34 = vector.broadcast %broadcast_in_dim3A_33 : vector<1x4096xi1> to vector<64x4096xi1>
      %broadcast_in_dim3A_35 = vector.broadcast %jit3A : f32 to vector<64x4096xf32>
      %select_n3A = arith.select %broadcast_in_dim3A_34, %broadcast_in_dim3A_35, %mul3A_18 : vector<64x4096xi1>, vector<64x4096xf32>
      %reshape3A = vector.shape_cast %select_n3A : vector<64x4096xf32> to vector<64x32x128xf32>
      %swap3A = arith.constant 0 : index
      %swap3A_36 = arith.constant 0 : index
      %swap3A_37 = arith.constant 0 : index
      %swap3A_38 = vector.load %arg6[%swap3A, %swap3A_36, %swap3A_37] : memref<64x32x128xf32, #tpu.memory_space<vmem>>, vector<64x32x128xf32>
      tpu.vector_store %arg6[%swap3A, %swap3A_36, %swap3A_37], %reshape3A {strides = array<i32>} : memref<64x32x128xf32, #tpu.memory_space<vmem>>, vector<64x32x128xf32>,
      %reduce_max3A = arith.constant dense<0xFF800000> : vector<64x32xf32>
      %reduce_max3A_39 = vector.multi_reduction <maximumf>, %reshape3A, %reduce_max3A [2] : vector<64x32x128xf32> to vector<64x32xf32>
      %swap3A_40 = arith.constant 0 : index
      %swap3A_41 = arith.constant 0 : index
      %swap3A_42 = arith.constant 0 : index
      %swap3A_43 = vector.load %arg7[%swap3A_40, %swap3A_41, %swap3A_42] : memref<1x64x32xf32, #tpu.memory_space<vmem>>, vector<1x64x32xf32>
      %swap3A_44 = vector.shape_cast %swap3A_43 : vector<1x64x32xf32> to vector<64x32xf32>
      %swap3A_45 = vector.shape_cast %reduce_max3A_39 : vector<64x32xf32> to vector<1x64x32xf32>
      tpu.vector_store %arg7[%swap3A_40, %swap3A_41, %swap3A_42], %swap3A_45 {strides = array<i32>} : memref<1x64x32xf32, #tpu.memory_space<vmem>>, vector<1x64x32xf32>,
    } else {
    }
    %ge3A = arith.constant 25 : i32
    %ge3A_8 = arith.cmpi sge, %arg0, %ge3A : i32
    %convert_element_type3A_9 = arith.extui %ge3A_8 : i1 to i32
    %cond3A_10 = arith.constant 0 : i32
    %cond3A_11 = arith.cmpi ne, %convert_element_type3A_9, %cond3A_10 : i32
    scf.if %cond3A_11 {
      %get3A_12 = arith.constant 0 : index
      %get3A_13 = arith.constant 0 : index
      %get3A_14 = vector.load %arg3[%get3A_12, %get3A_13] : memref<4096x64xf32, #tpu.memory_space<vmem>>, vector<4096x64xf32>
      %mul3A_15 = arith.mulf %get3A_14, %get3A_14 : vector<4096x64xf32>
      %reduce_sum3A_16 = arith.constant dense<0.000000e+00> : vector<4096xf32>
      %reduce_sum3A_17 = vector.multi_reduction <add>, %mul3A_15, %reduce_sum3A_16 [1] : vector<4096x64xf32> to vector<4096xf32>
      %broadcast_in_dim3A_18 = vector.shape_cast %reduce_sum3A_17 : vector<4096xf32> to vector<4096x1xf32>
      %sqrt3A_19 = math.sqrt %broadcast_in_dim3A_18 : vector<4096x1xf32>
      %max3A_20 = arith.constant 9.99999996E-13 : f32
      %max3A_21 = vector.broadcast %max3A_20 : f32 to vector<4096x1xf32>
      %max3A_22 = arith.maximumf %sqrt3A_19, %max3A_21 : vector<4096x1xf32>
      %div3A_23 = vector.broadcast %max3A_22 : vector<4096x1xf32> to vector<4096x64xf32>
      %div3A_24 = arith.divf %get3A_14, %div3A_23 : vector<4096x64xf32>
      %dot_general3A = arith.constant dense<0.000000e+00> : vector<64x4096xf32>
      %dot_general3A_25 = tpu.matmul %div3A_5, %div3A_24, %dot_general3A {dimension_numbers = #tpu.dot_dimension_numbers<[1], [1], [0], [0], [0, 0, 1, 0], [], []>, transpose_lhs_hint = false} : vector<64x64xf32>, vector<4096x64xf32>, vector<64x4096xf32> -> vector<64x4096xf32>
      %mul3A_26 = arith.constant 5.000000e+00 : f32
      %mul3A_27 = vector.broadcast %mul3A_26 : f32 to vector<64x4096xf32>
      %mul3A_28 = arith.mulf %dot_general3A_25, %mul3A_27 : vector<64x4096xf32>
      %get3A_29 = arith.constant 0 : index
      %get3A_30 = arith.constant 0 : index
      %get3A_31 = arith.constant 0 : index
      %get3A_32 = vector.load %arg5[%get3A_29, %get3A_30, %get3A_31] : memref<1x1x4096xi32, #tpu.memory_space<vmem>>, vector<1x1x4096xi32>
      %get3A_33 = vector.shape_cast %get3A_32 : vector<1x1x4096xi32> to vector<1x4096xi32>
      %eq3A = arith.constant 0 : i32
      %eq3A_34 = vector.broadcast %eq3A : i32 to vector<1x4096xi32>
      %eq3A_35 = arith.cmpi eq, %get3A_33, %eq3A_34 : vector<1x4096xi32>
      %jit3A = arith.constant -1.000000e+30 : f32
      %broadcast_in_dim3A_36 = vector.shape_cast %eq3A_35 : vector<1x4096xi1> to vector<1x4096xi1>
      %broadcast_in_dim3A_37 = vector.broadcast %broadcast_in_dim3A_36 : vector<1x4096xi1> to vector<64x4096xi1>
      %broadcast_in_dim3A_38 = vector.broadcast %jit3A : f32 to vector<64x4096xf32>
      %select_n3A = arith.select %broadcast_in_dim3A_37, %broadcast_in_dim3A_38, %mul3A_28 : vector<64x4096xi1>, vector<64x4096xf32>
      %reshape3A = vector.shape_cast %select_n3A : vector<64x4096xf32> to vector<64x32x128xf32>
      %swap3A = arith.constant 0 : index
      %swap3A_39 = arith.constant 0 : index
      %swap3A_40 = arith.constant 0 : index
      %swap3A_41 = vector.load %arg6[%swap3A, %swap3A_39, %swap3A_40] : memref<64x32x128xf32, #tpu.memory_space<vmem>>, vector<64x32x128xf32>
      tpu.vector_store %arg6[%swap3A, %swap3A_39, %swap3A_40], %reshape3A {strides = array<i32>} : memref<64x32x128xf32, #tpu.memory_space<vmem>>, vector<64x32x128xf32>,
      %reduce_max3A = arith.constant dense<0xFF800000> : vector<64x32xf32>
      %reduce_max3A_42 = vector.multi_reduction <maximumf>, %reshape3A, %reduce_max3A [2] : vector<64x32x128xf32> to vector<64x32xf32>
      %swap3A_43 = arith.constant 0 : index
      %swap3A_44 = arith.constant 0 : index
      %swap3A_45 = arith.constant 0 : index
      %swap3A_46 = vector.load %arg7[%swap3A_43, %swap3A_44, %swap3A_45] : memref<1x64x32xf32, #tpu.memory_space<vmem>>, vector<1x64x32xf32>
      %swap3A_47 = vector.shape_cast %swap3A_46 : vector<1x64x32xf32> to vector<64x32xf32>
      %swap3A_48 = vector.shape_cast %reduce_max3A_42 : vector<64x32xf32> to vector<1x64x32xf32>
      tpu.vector_store %arg7[%swap3A_43, %swap3A_44, %swap3A_45], %swap3A_48 {strides = array<i32>} : memref<1x64x32xf32, #tpu.memory_space<vmem>>, vector<1x64x32xf32>,
    } else {
    }
    return
  }
  func.func @transform_0(%arg0: i32) -> (i32, i32) {
    %c0_i32 = arith.constant 0 : i32
    %c0_i32_0 = arith.constant 0 : i32
    %c0_i32_1 = arith.constant 0 : i32
    return %c0_i32, %c0_i32_0 : i32, i32
  }
  func.func @transform_1(%arg0: i32) -> (i32, i32) {
    %min3A = arith.constant 24 : i32
    %min3A_0 = arith.minsi %arg0, %min3A : i32
    %c0_i32 = arith.constant 0 : i32
    %c0_i32_1 = arith.constant 0 : i32
    return %min3A_0, %c0_i32 : i32, i32
  }
  func.func @transform_2(%arg0: i32) -> (i32, i32) {
    %sub3A = arith.constant 25 : i32
    %sub3A_0 = arith.subi %arg0, %sub3A : i32
    %max3A = arith.constant 0 : i32
    %max3A_1 = arith.maxsi %sub3A_0, %max3A : i32
    %c0_i32 = arith.constant 0 : i32
    %c0_i32_2 = arith.constant 0 : i32
    return %max3A_1, %c0_i32 : i32, i32
  }
  func.func @transform_3(%arg0: i32) -> (i32, i32, i32) {
    %min3A = arith.constant 24 : i32
    %min3A_0 = arith.minsi %arg0, %min3A : i32
    %c0_i32 = arith.constant 0 : i32
    %c0_i32_1 = arith.constant 0 : i32
    %c0_i32_2 = arith.constant 0 : i32
    return %min3A_0, %c0_i32, %c0_i32_1 : i32, i32, i32
  }
  func.func @transform_4(%arg0: i32) -> (i32, i32, i32) {
    %sub3A = arith.constant 25 : i32
    %sub3A_0 = arith.subi %arg0, %sub3A : i32
    %max3A = arith.constant 0 : i32
    %max3A_1 = arith.maxsi %sub3A_0, %max3A : i32
    %c0_i32 = arith.constant 0 : i32
    %c0_i32_2 = arith.constant 0 : i32
    %c0_i32_3 = arith.constant 0 : i32
    return %max3A_1, %c0_i32, %c0_i32_2 : i32, i32, i32
  }
  func.func @transform_5(%arg0: i32) -> (i32, i32, i32) {
    %c0_i32 = arith.constant 0 : i32
    %c0_i32_0 = arith.constant 0 : i32
    %c0_i32_1 = arith.constant 0 : i32
    return %c0_i32, %arg0, %c0_i32_0 : i32, i32, i32
  }
  func.func @transform_6(%arg0: i32) -> (i32, i32, i32) {
    %c0_i32 = arith.constant 0 : i32
    %c0_i32_0 = arith.constant 0 : i32
    %c0_i32_1 = arith.constant 0 : i32
    return %arg0, %c0_i32, %c0_i32_0 : i32, i32, i32
  }
}

module attributes {stable_mosaic.version = 14 : i64} {
  func.func @_chunktop_body(%arg0: memref<64x928xf32, #tpu.memory_space<vmem>>, %arg1: memref<64x32xi32, #tpu.memory_space<vmem>>, %arg2: memref<64x32xi32, #tpu.memory_space<vmem>>) attributes {dimension_semantics = [], scalar_prefetch = 0 : i64, scratch_operands = 0 : i64, tpu.core_type = #tpu.core_type<tc>} {
    %get3A = arith.constant 0 : index
    %get3A_0 = arith.constant 0 : index
    %get3A_1 = vector.load %arg0[%get3A, %get3A_0] : memref<64x928xf32, #tpu.memory_space<vmem>>, vector<64x928xf32>
    %iota3A = tpu.iota {dimensions = array<i32: 1>} : vector<64x928xi32>
    %iota3A_2 = tpu.iota {dimensions = array<i32: 1>} : vector<64x928xi32>
    %reduce_max3A = arith.constant dense<0xFF800000> : vector<64xf32>
    %reduce_max3A_3 = vector.multi_reduction <maximumf>, %get3A_1, %reduce_max3A [1] : vector<64x928xf32> to vector<64xf32>
    %broadcast_in_dim3A = vector.shape_cast %reduce_max3A_3 : vector<64xf32> to vector<64x1xf32>
    %eq3A = vector.broadcast %broadcast_in_dim3A : vector<64x1xf32> to vector<64x928xf32>
    %eq3A_4 = arith.cmpf oeq, %get3A_1, %eq3A : vector<64x928xf32>
    %jit3A = arith.constant 1073741824 : i32
    %broadcast_in_dim3A_5 = vector.broadcast %jit3A : i32 to vector<64x928xi32>
    %select_n3A = arith.select %eq3A_4, %iota3A_2, %broadcast_in_dim3A_5 : vector<64x928xi1>, vector<64x928xi32>
    %reduce_min3A = arith.constant dense<2147483647> : vector<64xi32>
    %reduce_min3A_6 = vector.multi_reduction <minsi>, %select_n3A, %reduce_min3A [1] : vector<64x928xi32> to vector<64xi32>
    %broadcast_in_dim3A_7 = vector.shape_cast %reduce_min3A_6 : vector<64xi32> to vector<64x1xi32>
    %eq3A_8 = vector.broadcast %broadcast_in_dim3A_7 : vector<64x1xi32> to vector<64x928xi32>
    %eq3A_9 = arith.cmpi eq, %iota3A_2, %eq3A_8 : vector<64x928xi32>
    %jit3A_10 = arith.constant 0 : i32
    %broadcast_in_dim3A_11 = vector.broadcast %jit3A_10 : i32 to vector<64x928xi32>
    %select_n3A_12 = arith.select %eq3A_9, %iota3A, %broadcast_in_dim3A_11 : vector<64x928xi1>, vector<64x928xi32>
    %reduce_sum3A = arith.constant dense<0> : vector<64xi32>
    %reduce_sum3A_13 = vector.multi_reduction <add>, %select_n3A_12, %reduce_sum3A [1] : vector<64x928xi32> to vector<64xi32>
    %broadcast_in_dim3A_14 = vector.shape_cast %reduce_sum3A_13 : vector<64xi32> to vector<64x1xi32>
    %jit3A_15 = arith.constant -1.000000e+30 : f32
    %broadcast_in_dim3A_16 = vector.broadcast %jit3A_15 : f32 to vector<64x928xf32>
    %select_n3A_17 = arith.select %eq3A_9, %broadcast_in_dim3A_16, %get3A_1 : vector<64x928xi1>, vector<64x928xf32>
    %reduce_max3A_18 = arith.constant dense<0xFF800000> : vector<64xf32>
    %reduce_max3A_19 = vector.multi_reduction <maximumf>, %select_n3A_17, %reduce_max3A_18 [1] : vector<64x928xf32> to vector<64xf32>
    %broadcast_in_dim3A_20 = vector.shape_cast %reduce_max3A_19 : vector<64xf32> to vector<64x1xf32>
    %eq3A_21 = vector.broadcast %broadcast_in_dim3A_20 : vector<64x1xf32> to vector<64x928xf32>
    %eq3A_22 = arith.cmpf oeq, %select_n3A_17, %eq3A_21 : vector<64x928xf32>
    %jit3A_23 = arith.constant 1073741824 : i32
    %broadcast_in_dim3A_24 = vector.broadcast %jit3A_23 : i32 to vector<64x928xi32>
    %select_n3A_25 = arith.select %eq3A_22, %iota3A_2, %broadcast_in_dim3A_24 : vector<64x928xi1>, vector<64x928xi32>
    %reduce_min3A_26 = arith.constant dense<2147483647> : vector<64xi32>
    %reduce_min3A_27 = vector.multi_reduction <minsi>, %select_n3A_25, %reduce_min3A_26 [1] : vector<64x928xi32> to vector<64xi32>
    %broadcast_in_dim3A_28 = vector.shape_cast %reduce_min3A_27 : vector<64xi32> to vector<64x1xi32>
    %eq3A_29 = vector.broadcast %broadcast_in_dim3A_28 : vector<64x1xi32> to vector<64x928xi32>
    %eq3A_30 = arith.cmpi eq, %iota3A_2, %eq3A_29 : vector<64x928xi32>
    %jit3A_31 = arith.constant 0 : i32
    %broadcast_in_dim3A_32 = vector.broadcast %jit3A_31 : i32 to vector<64x928xi32>
    %select_n3A_33 = arith.select %eq3A_30, %iota3A, %broadcast_in_dim3A_32 : vector<64x928xi1>, vector<64x928xi32>
    %reduce_sum3A_34 = arith.constant dense<0> : vector<64xi32>
    %reduce_sum3A_35 = vector.multi_reduction <add>, %select_n3A_33, %reduce_sum3A_34 [1] : vector<64x928xi32> to vector<64xi32>
    %broadcast_in_dim3A_36 = vector.shape_cast %reduce_sum3A_35 : vector<64xi32> to vector<64x1xi32>
    %jit3A_37 = arith.constant -1.000000e+30 : f32
    %broadcast_in_dim3A_38 = vector.broadcast %jit3A_37 : f32 to vector<64x928xf32>
    %select_n3A_39 = arith.select %eq3A_30, %broadcast_in_dim3A_38, %select_n3A_17 : vector<64x928xi1>, vector<64x928xf32>
    %reduce_max3A_40 = arith.constant dense<0xFF800000> : vector<64xf32>
    %reduce_max3A_41 = vector.multi_reduction <maximumf>, %select_n3A_39, %reduce_max3A_40 [1] : vector<64x928xf32> to vector<64xf32>
    %broadcast_in_dim3A_42 = vector.shape_cast %reduce_max3A_41 : vector<64xf32> to vector<64x1xf32>
    %eq3A_43 = vector.broadcast %broadcast_in_dim3A_42 : vector<64x1xf32> to vector<64x928xf32>
    %eq3A_44 = arith.cmpf oeq, %select_n3A_39, %eq3A_43 : vector<64x928xf32>
    %jit3A_45 = arith.constant 1073741824 : i32
    %broadcast_in_dim3A_46 = vector.broadcast %jit3A_45 : i32 to vector<64x928xi32>
    %select_n3A_47 = arith.select %eq3A_44, %iota3A_2, %broadcast_in_dim3A_46 : vector<64x928xi1>, vector<64x928xi32>
    %reduce_min3A_48 = arith.constant dense<2147483647> : vector<64xi32>
    %reduce_min3A_49 = vector.multi_reduction <minsi>, %select_n3A_47, %reduce_min3A_48 [1] : vector<64x928xi32> to vector<64xi32>
    %broadcast_in_dim3A_50 = vector.shape_cast %reduce_min3A_49 : vector<64xi32> to vector<64x1xi32>
    %eq3A_51 = vector.broadcast %broadcast_in_dim3A_50 : vector<64x1xi32> to vector<64x928xi32>
    %eq3A_52 = arith.cmpi eq, %iota3A_2, %eq3A_51 : vector<64x928xi32>
    %jit3A_53 = arith.constant 0 : i32
    %broadcast_in_dim3A_54 = vector.broadcast %jit3A_53 : i32 to vector<64x928xi32>
    %select_n3A_55 = arith.select %eq3A_52, %iota3A, %broadcast_in_dim3A_54 : vector<64x928xi1>, vector<64x928xi32>
    %reduce_sum3A_56 = arith.constant dense<0> : vector<64xi32>
    %reduce_sum3A_57 = vector.multi_reduction <add>, %select_n3A_55, %reduce_sum3A_56 [1] : vector<64x928xi32> to vector<64xi32>
    %broadcast_in_dim3A_58 = vector.shape_cast %reduce_sum3A_57 : vector<64xi32> to vector<64x1xi32>
    %jit3A_59 = arith.constant -1.000000e+30 : f32
    %broadcast_in_dim3A_60 = vector.broadcast %jit3A_59 : f32 to vector<64x928xf32>
    %select_n3A_61 = arith.select %eq3A_52, %broadcast_in_dim3A_60, %select_n3A_39 : vector<64x928xi1>, vector<64x928xf32>
    %reduce_max3A_62 = arith.constant dense<0xFF800000> : vector<64xf32>
    %reduce_max3A_63 = vector.multi_reduction <maximumf>, %select_n3A_61, %reduce_max3A_62 [1] : vector<64x928xf32> to vector<64xf32>
    %broadcast_in_dim3A_64 = vector.shape_cast %reduce_max3A_63 : vector<64xf32> to vector<64x1xf32>
    %eq3A_65 = vector.broadcast %broadcast_in_dim3A_64 : vector<64x1xf32> to vector<64x928xf32>
    %eq3A_66 = arith.cmpf oeq, %select_n3A_61, %eq3A_65 : vector<64x928xf32>
    %jit3A_67 = arith.constant 1073741824 : i32
    %broadcast_in_dim3A_68 = vector.broadcast %jit3A_67 : i32 to vector<64x928xi32>
    %select_n3A_69 = arith.select %eq3A_66, %iota3A_2, %broadcast_in_dim3A_68 : vector<64x928xi1>, vector<64x928xi32>
    %reduce_min3A_70 = arith.constant dense<2147483647> : vector<64xi32>
    %reduce_min3A_71 = vector.multi_reduction <minsi>, %select_n3A_69, %reduce_min3A_70 [1] : vector<64x928xi32> to vector<64xi32>
    %broadcast_in_dim3A_72 = vector.shape_cast %reduce_min3A_71 : vector<64xi32> to vector<64x1xi32>
    %eq3A_73 = vector.broadcast %broadcast_in_dim3A_72 : vector<64x1xi32> to vector<64x928xi32>
    %eq3A_74 = arith.cmpi eq, %iota3A_2, %eq3A_73 : vector<64x928xi32>
    %jit3A_75 = arith.constant 0 : i32
    %broadcast_in_dim3A_76 = vector.broadcast %jit3A_75 : i32 to vector<64x928xi32>
    %select_n3A_77 = arith.select %eq3A_74, %iota3A, %broadcast_in_dim3A_76 : vector<64x928xi1>, vector<64x928xi32>
    %reduce_sum3A_78 = arith.constant dense<0> : vector<64xi32>
    %reduce_sum3A_79 = vector.multi_reduction <add>, %select_n3A_77, %reduce_sum3A_78 [1] : vector<64x928xi32> to vector<64xi32>
    %broadcast_in_dim3A_80 = vector.shape_cast %reduce_sum3A_79 : vector<64xi32> to vector<64x1xi32>
    %jit3A_81 = arith.constant -1.000000e+30 : f32
    %broadcast_in_dim3A_82 = vector.broadcast %jit3A_81 : f32 to vector<64x928xf32>
    %select_n3A_83 = arith.select %eq3A_74, %broadcast_in_dim3A_82, %select_n3A_61 : vector<64x928xi1>, vector<64x928xf32>
    %reduce_max3A_84 = arith.constant dense<0xFF800000> : vector<64xf32>
    %reduce_max3A_85 = vector.multi_reduction <maximumf>, %select_n3A_83, %reduce_max3A_84 [1] : vector<64x928xf32> to vector<64xf32>
    %broadcast_in_dim3A_86 = vector.shape_cast %reduce_max3A_85 : vector<64xf32> to vector<64x1xf32>
    %eq3A_87 = vector.broadcast %broadcast_in_dim3A_86 : vector<64x1xf32> to vector<64x928xf32>
    %eq3A_88 = arith.cmpf oeq, %select_n3A_83, %eq3A_87 : vector<64x928xf32>
    %jit3A_89 = arith.constant 1073741824 : i32
    %broadcast_in_dim3A_90 = vector.broadcast %jit3A_89 : i32 to vector<64x928xi32>
    %select_n3A_91 = arith.select %eq3A_88, %iota3A_2, %broadcast_in_dim3A_90 : vector<64x928xi1>, vector<64x928xi32>
    %reduce_min3A_92 = arith.constant dense<2147483647> : vector<64xi32>
    %reduce_min3A_93 = vector.multi_reduction <minsi>, %select_n3A_91, %reduce_min3A_92 [1] : vector<64x928xi32> to vector<64xi32>
    %broadcast_in_dim3A_94 = vector.shape_cast %reduce_min3A_93 : vector<64xi32> to vector<64x1xi32>
    %eq3A_95 = vector.broadcast %broadcast_in_dim3A_94 : vector<64x1xi32> to vector<64x928xi32>
    %eq3A_96 = arith.cmpi eq, %iota3A_2, %eq3A_95 : vector<64x928xi32>
    %jit3A_97 = arith.constant 0 : i32
    %broadcast_in_dim3A_98 = vector.broadcast %jit3A_97 : i32 to vector<64x928xi32>
    %select_n3A_99 = arith.select %eq3A_96, %iota3A, %broadcast_in_dim3A_98 : vector<64x928xi1>, vector<64x928xi32>
    %reduce_sum3A_100 = arith.constant dense<0> : vector<64xi32>
    %reduce_sum3A_101 = vector.multi_reduction <add>, %select_n3A_99, %reduce_sum3A_100 [1] : vector<64x928xi32> to vector<64xi32>
    %broadcast_in_dim3A_102 = vector.shape_cast %reduce_sum3A_101 : vector<64xi32> to vector<64x1xi32>
    %jit3A_103 = arith.constant -1.000000e+30 : f32
    %broadcast_in_dim3A_104 = vector.broadcast %jit3A_103 : f32 to vector<64x928xf32>
    %select_n3A_105 = arith.select %eq3A_96, %broadcast_in_dim3A_104, %select_n3A_83 : vector<64x928xi1>, vector<64x928xf32>
    %reduce_max3A_106 = arith.constant dense<0xFF800000> : vector<64xf32>
    %reduce_max3A_107 = vector.multi_reduction <maximumf>, %select_n3A_105, %reduce_max3A_106 [1] : vector<64x928xf32> to vector<64xf32>
    %broadcast_in_dim3A_108 = vector.shape_cast %reduce_max3A_107 : vector<64xf32> to vector<64x1xf32>
    %eq3A_109 = vector.broadcast %broadcast_in_dim3A_108 : vector<64x1xf32> to vector<64x928xf32>
    %eq3A_110 = arith.cmpf oeq, %select_n3A_105, %eq3A_109 : vector<64x928xf32>
    %jit3A_111 = arith.constant 1073741824 : i32
    %broadcast_in_dim3A_112 = vector.broadcast %jit3A_111 : i32 to vector<64x928xi32>
    %select_n3A_113 = arith.select %eq3A_110, %iota3A_2, %broadcast_in_dim3A_112 : vector<64x928xi1>, vector<64x928xi32>
    %reduce_min3A_114 = arith.constant dense<2147483647> : vector<64xi32>
    %reduce_min3A_115 = vector.multi_reduction <minsi>, %select_n3A_113, %reduce_min3A_114 [1] : vector<64x928xi32> to vector<64xi32>
    %broadcast_in_dim3A_116 = vector.shape_cast %reduce_min3A_115 : vector<64xi32> to vector<64x1xi32>
    %eq3A_117 = vector.broadcast %broadcast_in_dim3A_116 : vector<64x1xi32> to vector<64x928xi32>
    %eq3A_118 = arith.cmpi eq, %iota3A_2, %eq3A_117 : vector<64x928xi32>
    %jit3A_119 = arith.constant 0 : i32
    %broadcast_in_dim3A_120 = vector.broadcast %jit3A_119 : i32 to vector<64x928xi32>
    %select_n3A_121 = arith.select %eq3A_118, %iota3A, %broadcast_in_dim3A_120 : vector<64x928xi1>, vector<64x928xi32>
    %reduce_sum3A_122 = arith.constant dense<0> : vector<64xi32>
    %reduce_sum3A_123 = vector.multi_reduction <add>, %select_n3A_121, %reduce_sum3A_122 [1] : vector<64x928xi32> to vector<64xi32>
    %broadcast_in_dim3A_124 = vector.shape_cast %reduce_sum3A_123 : vector<64xi32> to vector<64x1xi32>
    %jit3A_125 = arith.constant -1.000000e+30 : f32
    %broadcast_in_dim3A_126 = vector.broadcast %jit3A_125 : f32 to vector<64x928xf32>
    %select_n3A_127 = arith.select %eq3A_118, %broadcast_in_dim3A_126, %select_n3A_105 : vector<64x928xi1>, vector<64x928xf32>
    %reduce_max3A_128 = arith.constant dense<0xFF800000> : vector<64xf32>
    %reduce_max3A_129 = vector.multi_reduction <maximumf>, %select_n3A_127, %reduce_max3A_128 [1] : vector<64x928xf32> to vector<64xf32>
    %broadcast_in_dim3A_130 = vector.shape_cast %reduce_max3A_129 : vector<64xf32> to vector<64x1xf32>
    %eq3A_131 = vector.broadcast %broadcast_in_dim3A_130 : vector<64x1xf32> to vector<64x928xf32>
    %eq3A_132 = arith.cmpf oeq, %select_n3A_127, %eq3A_131 : vector<64x928xf32>
    %jit3A_133 = arith.constant 1073741824 : i32
    %broadcast_in_dim3A_134 = vector.broadcast %jit3A_133 : i32 to vector<64x928xi32>
    %select_n3A_135 = arith.select %eq3A_132, %iota3A_2, %broadcast_in_dim3A_134 : vector<64x928xi1>, vector<64x928xi32>
    %reduce_min3A_136 = arith.constant dense<2147483647> : vector<64xi32>
    %reduce_min3A_137 = vector.multi_reduction <minsi>, %select_n3A_135, %reduce_min3A_136 [1] : vector<64x928xi32> to vector<64xi32>
    %broadcast_in_dim3A_138 = vector.shape_cast %reduce_min3A_137 : vector<64xi32> to vector<64x1xi32>
    %eq3A_139 = vector.broadcast %broadcast_in_dim3A_138 : vector<64x1xi32> to vector<64x928xi32>
    %eq3A_140 = arith.cmpi eq, %iota3A_2, %eq3A_139 : vector<64x928xi32>
    %jit3A_141 = arith.constant 0 : i32
    %broadcast_in_dim3A_142 = vector.broadcast %jit3A_141 : i32 to vector<64x928xi32>
    %select_n3A_143 = arith.select %eq3A_140, %iota3A, %broadcast_in_dim3A_142 : vector<64x928xi1>, vector<64x928xi32>
    %reduce_sum3A_144 = arith.constant dense<0> : vector<64xi32>
    %reduce_sum3A_145 = vector.multi_reduction <add>, %select_n3A_143, %reduce_sum3A_144 [1] : vector<64x928xi32> to vector<64xi32>
    %broadcast_in_dim3A_146 = vector.shape_cast %reduce_sum3A_145 : vector<64xi32> to vector<64x1xi32>
    %jit3A_147 = arith.constant -1.000000e+30 : f32
    %broadcast_in_dim3A_148 = vector.broadcast %jit3A_147 : f32 to vector<64x928xf32>
    %select_n3A_149 = arith.select %eq3A_140, %broadcast_in_dim3A_148, %select_n3A_127 : vector<64x928xi1>, vector<64x928xf32>
    %reduce_max3A_150 = arith.constant dense<0xFF800000> : vector<64xf32>
    %reduce_max3A_151 = vector.multi_reduction <maximumf>, %select_n3A_149, %reduce_max3A_150 [1] : vector<64x928xf32> to vector<64xf32>
    %broadcast_in_dim3A_152 = vector.shape_cast %reduce_max3A_151 : vector<64xf32> to vector<64x1xf32>
    %eq3A_153 = vector.broadcast %broadcast_in_dim3A_152 : vector<64x1xf32> to vector<64x928xf32>
    %eq3A_154 = arith.cmpf oeq, %select_n3A_149, %eq3A_153 : vector<64x928xf32>
    %jit3A_155 = arith.constant 1073741824 : i32
    %broadcast_in_dim3A_156 = vector.broadcast %jit3A_155 : i32 to vector<64x928xi32>
    %select_n3A_157 = arith.select %eq3A_154, %iota3A_2, %broadcast_in_dim3A_156 : vector<64x928xi1>, vector<64x928xi32>
    %reduce_min3A_158 = arith.constant dense<2147483647> : vector<64xi32>
    %reduce_min3A_159 = vector.multi_reduction <minsi>, %select_n3A_157, %reduce_min3A_158 [1] : vector<64x928xi32> to vector<64xi32>
    %broadcast_in_dim3A_160 = vector.shape_cast %reduce_min3A_159 : vector<64xi32> to vector<64x1xi32>
    %eq3A_161 = vector.broadcast %broadcast_in_dim3A_160 : vector<64x1xi32> to vector<64x928xi32>
    %eq3A_162 = arith.cmpi eq, %iota3A_2, %eq3A_161 : vector<64x928xi32>
    %jit3A_163 = arith.constant 0 : i32
    %broadcast_in_dim3A_164 = vector.broadcast %jit3A_163 : i32 to vector<64x928xi32>
    %select_n3A_165 = arith.select %eq3A_162, %iota3A, %broadcast_in_dim3A_164 : vector<64x928xi1>, vector<64x928xi32>
    %reduce_sum3A_166 = arith.constant dense<0> : vector<64xi32>
    %reduce_sum3A_167 = vector.multi_reduction <add>, %select_n3A_165, %reduce_sum3A_166 [1] : vector<64x928xi32> to vector<64xi32>
    %broadcast_in_dim3A_168 = vector.shape_cast %reduce_sum3A_167 : vector<64xi32> to vector<64x1xi32>
    %jit3A_169 = arith.constant -1.000000e+30 : f32
    %broadcast_in_dim3A_170 = vector.broadcast %jit3A_169 : f32 to vector<64x928xf32>
    %select_n3A_171 = arith.select %eq3A_162, %broadcast_in_dim3A_170, %select_n3A_149 : vector<64x928xi1>, vector<64x928xf32>
    %reduce_max3A_172 = arith.constant dense<0xFF800000> : vector<64xf32>
    %reduce_max3A_173 = vector.multi_reduction <maximumf>, %select_n3A_171, %reduce_max3A_172 [1] : vector<64x928xf32> to vector<64xf32>
    %broadcast_in_dim3A_174 = vector.shape_cast %reduce_max3A_173 : vector<64xf32> to vector<64x1xf32>
    %eq3A_175 = vector.broadcast %broadcast_in_dim3A_174 : vector<64x1xf32> to vector<64x928xf32>
    %eq3A_176 = arith.cmpf oeq, %select_n3A_171, %eq3A_175 : vector<64x928xf32>
    %jit3A_177 = arith.constant 1073741824 : i32
    %broadcast_in_dim3A_178 = vector.broadcast %jit3A_177 : i32 to vector<64x928xi32>
    %select_n3A_179 = arith.select %eq3A_176, %iota3A_2, %broadcast_in_dim3A_178 : vector<64x928xi1>, vector<64x928xi32>
    %reduce_min3A_180 = arith.constant dense<2147483647> : vector<64xi32>
    %reduce_min3A_181 = vector.multi_reduction <minsi>, %select_n3A_179, %reduce_min3A_180 [1] : vector<64x928xi32> to vector<64xi32>
    %broadcast_in_dim3A_182 = vector.shape_cast %reduce_min3A_181 : vector<64xi32> to vector<64x1xi32>
    %eq3A_183 = vector.broadcast %broadcast_in_dim3A_182 : vector<64x1xi32> to vector<64x928xi32>
    %eq3A_184 = arith.cmpi eq, %iota3A_2, %eq3A_183 : vector<64x928xi32>
    %jit3A_185 = arith.constant 0 : i32
    %broadcast_in_dim3A_186 = vector.broadcast %jit3A_185 : i32 to vector<64x928xi32>
    %select_n3A_187 = arith.select %eq3A_184, %iota3A, %broadcast_in_dim3A_186 : vector<64x928xi1>, vector<64x928xi32>
    %reduce_sum3A_188 = arith.constant dense<0> : vector<64xi32>
    %reduce_sum3A_189 = vector.multi_reduction <add>, %select_n3A_187, %reduce_sum3A_188 [1] : vector<64x928xi32> to vector<64xi32>
    %broadcast_in_dim3A_190 = vector.shape_cast %reduce_sum3A_189 : vector<64xi32> to vector<64x1xi32>
    %jit3A_191 = arith.constant -1.000000e+30 : f32
    %broadcast_in_dim3A_192 = vector.broadcast %jit3A_191 : f32 to vector<64x928xf32>
    %select_n3A_193 = arith.select %eq3A_184, %broadcast_in_dim3A_192, %select_n3A_171 : vector<64x928xi1>, vector<64x928xf32>
    %reduce_max3A_194 = arith.constant dense<0xFF800000> : vector<64xf32>
    %reduce_max3A_195 = vector.multi_reduction <maximumf>, %select_n3A_193, %reduce_max3A_194 [1] : vector<64x928xf32> to vector<64xf32>
    %broadcast_in_dim3A_196 = vector.shape_cast %reduce_max3A_195 : vector<64xf32> to vector<64x1xf32>
    %eq3A_197 = vector.broadcast %broadcast_in_dim3A_196 : vector<64x1xf32> to vector<64x928xf32>
    %eq3A_198 = arith.cmpf oeq, %select_n3A_193, %eq3A_197 : vector<64x928xf32>
    %jit3A_199 = arith.constant 1073741824 : i32
    %broadcast_in_dim3A_200 = vector.broadcast %jit3A_199 : i32 to vector<64x928xi32>
    %select_n3A_201 = arith.select %eq3A_198, %iota3A_2, %broadcast_in_dim3A_200 : vector<64x928xi1>, vector<64x928xi32>
    %reduce_min3A_202 = arith.constant dense<2147483647> : vector<64xi32>
    %reduce_min3A_203 = vector.multi_reduction <minsi>, %select_n3A_201, %reduce_min3A_202 [1] : vector<64x928xi32> to vector<64xi32>
    %broadcast_in_dim3A_204 = vector.shape_cast %reduce_min3A_203 : vector<64xi32> to vector<64x1xi32>
    %eq3A_205 = vector.broadcast %broadcast_in_dim3A_204 : vector<64x1xi32> to vector<64x928xi32>
    %eq3A_206 = arith.cmpi eq, %iota3A_2, %eq3A_205 : vector<64x928xi32>
    %jit3A_207 = arith.constant 0 : i32
    %broadcast_in_dim3A_208 = vector.broadcast %jit3A_207 : i32 to vector<64x928xi32>
    %select_n3A_209 = arith.select %eq3A_206, %iota3A, %broadcast_in_dim3A_208 : vector<64x928xi1>, vector<64x928xi32>
    %reduce_sum3A_210 = arith.constant dense<0> : vector<64xi32>
    %reduce_sum3A_211 = vector.multi_reduction <add>, %select_n3A_209, %reduce_sum3A_210 [1] : vector<64x928xi32> to vector<64xi32>
    %broadcast_in_dim3A_212 = vector.shape_cast %reduce_sum3A_211 : vector<64xi32> to vector<64x1xi32>
    %jit3A_213 = arith.constant -1.000000e+30 : f32
    %broadcast_in_dim3A_214 = vector.broadcast %jit3A_213 : f32 to vector<64x928xf32>
    %select_n3A_215 = arith.select %eq3A_206, %broadcast_in_dim3A_214, %select_n3A_193 : vector<64x928xi1>, vector<64x928xf32>
    %reduce_max3A_216 = arith.constant dense<0xFF800000> : vector<64xf32>
    %reduce_max3A_217 = vector.multi_reduction <maximumf>, %select_n3A_215, %reduce_max3A_216 [1] : vector<64x928xf32> to vector<64xf32>
    %broadcast_in_dim3A_218 = vector.shape_cast %reduce_max3A_217 : vector<64xf32> to vector<64x1xf32>
    %eq3A_219 = vector.broadcast %broadcast_in_dim3A_218 : vector<64x1xf32> to vector<64x928xf32>
    %eq3A_220 = arith.cmpf oeq, %select_n3A_215, %eq3A_219 : vector<64x928xf32>
    %jit3A_221 = arith.constant 1073741824 : i32
    %broadcast_in_dim3A_222 = vector.broadcast %jit3A_221 : i32 to vector<64x928xi32>
    %select_n3A_223 = arith.select %eq3A_220, %iota3A_2, %broadcast_in_dim3A_222 : vector<64x928xi1>, vector<64x928xi32>
    %reduce_min3A_224 = arith.constant dense<2147483647> : vector<64xi32>
    %reduce_min3A_225 = vector.multi_reduction <minsi>, %select_n3A_223, %reduce_min3A_224 [1] : vector<64x928xi32> to vector<64xi32>
    %broadcast_in_dim3A_226 = vector.shape_cast %reduce_min3A_225 : vector<64xi32> to vector<64x1xi32>
    %eq3A_227 = vector.broadcast %broadcast_in_dim3A_226 : vector<64x1xi32> to vector<64x928xi32>
    %eq3A_228 = arith.cmpi eq, %iota3A_2, %eq3A_227 : vector<64x928xi32>
    %jit3A_229 = arith.constant 0 : i32
    %broadcast_in_dim3A_230 = vector.broadcast %jit3A_229 : i32 to vector<64x928xi32>
    %select_n3A_231 = arith.select %eq3A_228, %iota3A, %broadcast_in_dim3A_230 : vector<64x928xi1>, vector<64x928xi32>
    %reduce_sum3A_232 = arith.constant dense<0> : vector<64xi32>
    %reduce_sum3A_233 = vector.multi_reduction <add>, %select_n3A_231, %reduce_sum3A_232 [1] : vector<64x928xi32> to vector<64xi32>
    %broadcast_in_dim3A_234 = vector.shape_cast %reduce_sum3A_233 : vector<64xi32> to vector<64x1xi32>
    %jit3A_235 = arith.constant -1.000000e+30 : f32
    %broadcast_in_dim3A_236 = vector.broadcast %jit3A_235 : f32 to vector<64x928xf32>
    %select_n3A_237 = arith.select %eq3A_228, %broadcast_in_dim3A_236, %select_n3A_215 : vector<64x928xi1>, vector<64x928xf32>
    %reduce_max3A_238 = arith.constant dense<0xFF800000> : vector<64xf32>
    %reduce_max3A_239 = vector.multi_reduction <maximumf>, %select_n3A_237, %reduce_max3A_238 [1] : vector<64x928xf32> to vector<64xf32>
    %broadcast_in_dim3A_240 = vector.shape_cast %reduce_max3A_239 : vector<64xf32> to vector<64x1xf32>
    %eq3A_241 = vector.broadcast %broadcast_in_dim3A_240 : vector<64x1xf32> to vector<64x928xf32>
    %eq3A_242 = arith.cmpf oeq, %select_n3A_237, %eq3A_241 : vector<64x928xf32>
    %jit3A_243 = arith.constant 1073741824 : i32
    %broadcast_in_dim3A_244 = vector.broadcast %jit3A_243 : i32 to vector<64x928xi32>
    %select_n3A_245 = arith.select %eq3A_242, %iota3A_2, %broadcast_in_dim3A_244 : vector<64x928xi1>, vector<64x928xi32>
    %reduce_min3A_246 = arith.constant dense<2147483647> : vector<64xi32>
    %reduce_min3A_247 = vector.multi_reduction <minsi>, %select_n3A_245, %reduce_min3A_246 [1] : vector<64x928xi32> to vector<64xi32>
    %broadcast_in_dim3A_248 = vector.shape_cast %reduce_min3A_247 : vector<64xi32> to vector<64x1xi32>
    %eq3A_249 = vector.broadcast %broadcast_in_dim3A_248 : vector<64x1xi32> to vector<64x928xi32>
    %eq3A_250 = arith.cmpi eq, %iota3A_2, %eq3A_249 : vector<64x928xi32>
    %jit3A_251 = arith.constant 0 : i32
    %broadcast_in_dim3A_252 = vector.broadcast %jit3A_251 : i32 to vector<64x928xi32>
    %select_n3A_253 = arith.select %eq3A_250, %iota3A, %broadcast_in_dim3A_252 : vector<64x928xi1>, vector<64x928xi32>
    %reduce_sum3A_254 = arith.constant dense<0> : vector<64xi32>
    %reduce_sum3A_255 = vector.multi_reduction <add>, %select_n3A_253, %reduce_sum3A_254 [1] : vector<64x928xi32> to vector<64xi32>
    %broadcast_in_dim3A_256 = vector.shape_cast %reduce_sum3A_255 : vector<64xi32> to vector<64x1xi32>
    %jit3A_257 = arith.constant -1.000000e+30 : f32
    %broadcast_in_dim3A_258 = vector.broadcast %jit3A_257 : f32 to vector<64x928xf32>
    %select_n3A_259 = arith.select %eq3A_250, %broadcast_in_dim3A_258, %select_n3A_237 : vector<64x928xi1>, vector<64x928xf32>
    %reduce_max3A_260 = arith.constant dense<0xFF800000> : vector<64xf32>
    %reduce_max3A_261 = vector.multi_reduction <maximumf>, %select_n3A_259, %reduce_max3A_260 [1] : vector<64x928xf32> to vector<64xf32>
    %broadcast_in_dim3A_262 = vector.shape_cast %reduce_max3A_261 : vector<64xf32> to vector<64x1xf32>
    %eq3A_263 = vector.broadcast %broadcast_in_dim3A_262 : vector<64x1xf32> to vector<64x928xf32>
    %eq3A_264 = arith.cmpf oeq, %select_n3A_259, %eq3A_263 : vector<64x928xf32>
    %jit3A_265 = arith.constant 1073741824 : i32
    %broadcast_in_dim3A_266 = vector.broadcast %jit3A_265 : i32 to vector<64x928xi32>
    %select_n3A_267 = arith.select %eq3A_264, %iota3A_2, %broadcast_in_dim3A_266 : vector<64x928xi1>, vector<64x928xi32>
    %reduce_min3A_268 = arith.constant dense<2147483647> : vector<64xi32>
    %reduce_min3A_269 = vector.multi_reduction <minsi>, %select_n3A_267, %reduce_min3A_268 [1] : vector<64x928xi32> to vector<64xi32>
    %broadcast_in_dim3A_270 = vector.shape_cast %reduce_min3A_269 : vector<64xi32> to vector<64x1xi32>
    %eq3A_271 = vector.broadcast %broadcast_in_dim3A_270 : vector<64x1xi32> to vector<64x928xi32>
    %eq3A_272 = arith.cmpi eq, %iota3A_2, %eq3A_271 : vector<64x928xi32>
    %jit3A_273 = arith.constant 0 : i32
    %broadcast_in_dim3A_274 = vector.broadcast %jit3A_273 : i32 to vector<64x928xi32>
    %select_n3A_275 = arith.select %eq3A_272, %iota3A, %broadcast_in_dim3A_274 : vector<64x928xi1>, vector<64x928xi32>
    %reduce_sum3A_276 = arith.constant dense<0> : vector<64xi32>
    %reduce_sum3A_277 = vector.multi_reduction <add>, %select_n3A_275, %reduce_sum3A_276 [1] : vector<64x928xi32> to vector<64xi32>
    %broadcast_in_dim3A_278 = vector.shape_cast %reduce_sum3A_277 : vector<64xi32> to vector<64x1xi32>
    %jit3A_279 = arith.constant -1.000000e+30 : f32
    %broadcast_in_dim3A_280 = vector.broadcast %jit3A_279 : f32 to vector<64x928xf32>
    %select_n3A_281 = arith.select %eq3A_272, %broadcast_in_dim3A_280, %select_n3A_259 : vector<64x928xi1>, vector<64x928xf32>
    %reduce_max3A_282 = arith.constant dense<0xFF800000> : vector<64xf32>
    %reduce_max3A_283 = vector.multi_reduction <maximumf>, %select_n3A_281, %reduce_max3A_282 [1] : vector<64x928xf32> to vector<64xf32>
    %broadcast_in_dim3A_284 = vector.shape_cast %reduce_max3A_283 : vector<64xf32> to vector<64x1xf32>
    %eq3A_285 = vector.broadcast %broadcast_in_dim3A_284 : vector<64x1xf32> to vector<64x928xf32>
    %eq3A_286 = arith.cmpf oeq, %select_n3A_281, %eq3A_285 : vector<64x928xf32>
    %jit3A_287 = arith.constant 1073741824 : i32
    %broadcast_in_dim3A_288 = vector.broadcast %jit3A_287 : i32 to vector<64x928xi32>
    %select_n3A_289 = arith.select %eq3A_286, %iota3A_2, %broadcast_in_dim3A_288 : vector<64x928xi1>, vector<64x928xi32>
    %reduce_min3A_290 = arith.constant dense<2147483647> : vector<64xi32>
    %reduce_min3A_291 = vector.multi_reduction <minsi>, %select_n3A_289, %reduce_min3A_290 [1] : vector<64x928xi32> to vector<64xi32>
    %broadcast_in_dim3A_292 = vector.shape_cast %reduce_min3A_291 : vector<64xi32> to vector<64x1xi32>
    %eq3A_293 = vector.broadcast %broadcast_in_dim3A_292 : vector<64x1xi32> to vector<64x928xi32>
    %eq3A_294 = arith.cmpi eq, %iota3A_2, %eq3A_293 : vector<64x928xi32>
    %jit3A_295 = arith.constant 0 : i32
    %broadcast_in_dim3A_296 = vector.broadcast %jit3A_295 : i32 to vector<64x928xi32>
    %select_n3A_297 = arith.select %eq3A_294, %iota3A, %broadcast_in_dim3A_296 : vector<64x928xi1>, vector<64x928xi32>
    %reduce_sum3A_298 = arith.constant dense<0> : vector<64xi32>
    %reduce_sum3A_299 = vector.multi_reduction <add>, %select_n3A_297, %reduce_sum3A_298 [1] : vector<64x928xi32> to vector<64xi32>
    %broadcast_in_dim3A_300 = vector.shape_cast %reduce_sum3A_299 : vector<64xi32> to vector<64x1xi32>
    %jit3A_301 = arith.constant -1.000000e+30 : f32
    %broadcast_in_dim3A_302 = vector.broadcast %jit3A_301 : f32 to vector<64x928xf32>
    %select_n3A_303 = arith.select %eq3A_294, %broadcast_in_dim3A_302, %select_n3A_281 : vector<64x928xi1>, vector<64x928xf32>
    %reduce_max3A_304 = arith.constant dense<0xFF800000> : vector<64xf32>
    %reduce_max3A_305 = vector.multi_reduction <maximumf>, %select_n3A_303, %reduce_max3A_304 [1] : vector<64x928xf32> to vector<64xf32>
    %broadcast_in_dim3A_306 = vector.shape_cast %reduce_max3A_305 : vector<64xf32> to vector<64x1xf32>
    %eq3A_307 = vector.broadcast %broadcast_in_dim3A_306 : vector<64x1xf32> to vector<64x928xf32>
    %eq3A_308 = arith.cmpf oeq, %select_n3A_303, %eq3A_307 : vector<64x928xf32>
    %jit3A_309 = arith.constant 1073741824 : i32
    %broadcast_in_dim3A_310 = vector.broadcast %jit3A_309 : i32 to vector<64x928xi32>
    %select_n3A_311 = arith.select %eq3A_308, %iota3A_2, %broadcast_in_dim3A_310 : vector<64x928xi1>, vector<64x928xi32>
    %reduce_min3A_312 = arith.constant dense<2147483647> : vector<64xi32>
    %reduce_min3A_313 = vector.multi_reduction <minsi>, %select_n3A_311, %reduce_min3A_312 [1] : vector<64x928xi32> to vector<64xi32>
    %broadcast_in_dim3A_314 = vector.shape_cast %reduce_min3A_313 : vector<64xi32> to vector<64x1xi32>
    %eq3A_315 = vector.broadcast %broadcast_in_dim3A_314 : vector<64x1xi32> to vector<64x928xi32>
    %eq3A_316 = arith.cmpi eq, %iota3A_2, %eq3A_315 : vector<64x928xi32>
    %jit3A_317 = arith.constant 0 : i32
    %broadcast_in_dim3A_318 = vector.broadcast %jit3A_317 : i32 to vector<64x928xi32>
    %select_n3A_319 = arith.select %eq3A_316, %iota3A, %broadcast_in_dim3A_318 : vector<64x928xi1>, vector<64x928xi32>
    %reduce_sum3A_320 = arith.constant dense<0> : vector<64xi32>
    %reduce_sum3A_321 = vector.multi_reduction <add>, %select_n3A_319, %reduce_sum3A_320 [1] : vector<64x928xi32> to vector<64xi32>
    %broadcast_in_dim3A_322 = vector.shape_cast %reduce_sum3A_321 : vector<64xi32> to vector<64x1xi32>
    %jit3A_323 = arith.constant -1.000000e+30 : f32
    %broadcast_in_dim3A_324 = vector.broadcast %jit3A_323 : f32 to vector<64x928xf32>
    %select_n3A_325 = arith.select %eq3A_316, %broadcast_in_dim3A_324, %select_n3A_303 : vector<64x928xi1>, vector<64x928xf32>
    %reduce_max3A_326 = arith.constant dense<0xFF800000> : vector<64xf32>
    %reduce_max3A_327 = vector.multi_reduction <maximumf>, %select_n3A_325, %reduce_max3A_326 [1] : vector<64x928xf32> to vector<64xf32>
    %broadcast_in_dim3A_328 = vector.shape_cast %reduce_max3A_327 : vector<64xf32> to vector<64x1xf32>
    %eq3A_329 = vector.broadcast %broadcast_in_dim3A_328 : vector<64x1xf32> to vector<64x928xf32>
    %eq3A_330 = arith.cmpf oeq, %select_n3A_325, %eq3A_329 : vector<64x928xf32>
    %jit3A_331 = arith.constant 1073741824 : i32
    %broadcast_in_dim3A_332 = vector.broadcast %jit3A_331 : i32 to vector<64x928xi32>
    %select_n3A_333 = arith.select %eq3A_330, %iota3A_2, %broadcast_in_dim3A_332 : vector<64x928xi1>, vector<64x928xi32>
    %reduce_min3A_334 = arith.constant dense<2147483647> : vector<64xi32>
    %reduce_min3A_335 = vector.multi_reduction <minsi>, %select_n3A_333, %reduce_min3A_334 [1] : vector<64x928xi32> to vector<64xi32>
    %broadcast_in_dim3A_336 = vector.shape_cast %reduce_min3A_335 : vector<64xi32> to vector<64x1xi32>
    %eq3A_337 = vector.broadcast %broadcast_in_dim3A_336 : vector<64x1xi32> to vector<64x928xi32>
    %eq3A_338 = arith.cmpi eq, %iota3A_2, %eq3A_337 : vector<64x928xi32>
    %jit3A_339 = arith.constant 0 : i32
    %broadcast_in_dim3A_340 = vector.broadcast %jit3A_339 : i32 to vector<64x928xi32>
    %select_n3A_341 = arith.select %eq3A_338, %iota3A, %broadcast_in_dim3A_340 : vector<64x928xi1>, vector<64x928xi32>
    %reduce_sum3A_342 = arith.constant dense<0> : vector<64xi32>
    %reduce_sum3A_343 = vector.multi_reduction <add>, %select_n3A_341, %reduce_sum3A_342 [1] : vector<64x928xi32> to vector<64xi32>
    %broadcast_in_dim3A_344 = vector.shape_cast %reduce_sum3A_343 : vector<64xi32> to vector<64x1xi32>
    %jit3A_345 = arith.constant -1.000000e+30 : f32
    %broadcast_in_dim3A_346 = vector.broadcast %jit3A_345 : f32 to vector<64x928xf32>
    %select_n3A_347 = arith.select %eq3A_338, %broadcast_in_dim3A_346, %select_n3A_325 : vector<64x928xi1>, vector<64x928xf32>
    %reduce_max3A_348 = arith.constant dense<0xFF800000> : vector<64xf32>
    %reduce_max3A_349 = vector.multi_reduction <maximumf>, %select_n3A_347, %reduce_max3A_348 [1] : vector<64x928xf32> to vector<64xf32>
    %broadcast_in_dim3A_350 = vector.shape_cast %reduce_max3A_349 : vector<64xf32> to vector<64x1xf32>
    %eq3A_351 = vector.broadcast %broadcast_in_dim3A_350 : vector<64x1xf32> to vector<64x928xf32>
    %eq3A_352 = arith.cmpf oeq, %select_n3A_347, %eq3A_351 : vector<64x928xf32>
    %jit3A_353 = arith.constant 1073741824 : i32
    %broadcast_in_dim3A_354 = vector.broadcast %jit3A_353 : i32 to vector<64x928xi32>
    %select_n3A_355 = arith.select %eq3A_352, %iota3A_2, %broadcast_in_dim3A_354 : vector<64x928xi1>, vector<64x928xi32>
    %reduce_min3A_356 = arith.constant dense<2147483647> : vector<64xi32>
    %reduce_min3A_357 = vector.multi_reduction <minsi>, %select_n3A_355, %reduce_min3A_356 [1] : vector<64x928xi32> to vector<64xi32>
    %broadcast_in_dim3A_358 = vector.shape_cast %reduce_min3A_357 : vector<64xi32> to vector<64x1xi32>
    %eq3A_359 = vector.broadcast %broadcast_in_dim3A_358 : vector<64x1xi32> to vector<64x928xi32>
    %eq3A_360 = arith.cmpi eq, %iota3A_2, %eq3A_359 : vector<64x928xi32>
    %jit3A_361 = arith.constant 0 : i32
    %broadcast_in_dim3A_362 = vector.broadcast %jit3A_361 : i32 to vector<64x928xi32>
    %select_n3A_363 = arith.select %eq3A_360, %iota3A, %broadcast_in_dim3A_362 : vector<64x928xi1>, vector<64x928xi32>
    %reduce_sum3A_364 = arith.constant dense<0> : vector<64xi32>
    %reduce_sum3A_365 = vector.multi_reduction <add>, %select_n3A_363, %reduce_sum3A_364 [1] : vector<64x928xi32> to vector<64xi32>
    %broadcast_in_dim3A_366 = vector.shape_cast %reduce_sum3A_365 : vector<64xi32> to vector<64x1xi32>
    %jit3A_367 = arith.constant -1.000000e+30 : f32
    %broadcast_in_dim3A_368 = vector.broadcast %jit3A_367 : f32 to vector<64x928xf32>
    %select_n3A_369 = arith.select %eq3A_360, %broadcast_in_dim3A_368, %select_n3A_347 : vector<64x928xi1>, vector<64x928xf32>
    %reduce_max3A_370 = arith.constant dense<0xFF800000> : vector<64xf32>
    %reduce_max3A_371 = vector.multi_reduction <maximumf>, %select_n3A_369, %reduce_max3A_370 [1] : vector<64x928xf32> to vector<64xf32>
    %broadcast_in_dim3A_372 = vector.shape_cast %reduce_max3A_371 : vector<64xf32> to vector<64x1xf32>
    %eq3A_373 = vector.broadcast %broadcast_in_dim3A_372 : vector<64x1xf32> to vector<64x928xf32>
    %eq3A_374 = arith.cmpf oeq, %select_n3A_369, %eq3A_373 : vector<64x928xf32>
    %jit3A_375 = arith.constant 1073741824 : i32
    %broadcast_in_dim3A_376 = vector.broadcast %jit3A_375 : i32 to vector<64x928xi32>
    %select_n3A_377 = arith.select %eq3A_374, %iota3A_2, %broadcast_in_dim3A_376 : vector<64x928xi1>, vector<64x928xi32>
    %reduce_min3A_378 = arith.constant dense<2147483647> : vector<64xi32>
    %reduce_min3A_379 = vector.multi_reduction <minsi>, %select_n3A_377, %reduce_min3A_378 [1] : vector<64x928xi32> to vector<64xi32>
    %broadcast_in_dim3A_380 = vector.shape_cast %reduce_min3A_379 : vector<64xi32> to vector<64x1xi32>
    %eq3A_381 = vector.broadcast %broadcast_in_dim3A_380 : vector<64x1xi32> to vector<64x928xi32>
    %eq3A_382 = arith.cmpi eq, %iota3A_2, %eq3A_381 : vector<64x928xi32>
    %jit3A_383 = arith.constant 0 : i32
    %broadcast_in_dim3A_384 = vector.broadcast %jit3A_383 : i32 to vector<64x928xi32>
    %select_n3A_385 = arith.select %eq3A_382, %iota3A, %broadcast_in_dim3A_384 : vector<64x928xi1>, vector<64x928xi32>
    %reduce_sum3A_386 = arith.constant dense<0> : vector<64xi32>
    %reduce_sum3A_387 = vector.multi_reduction <add>, %select_n3A_385, %reduce_sum3A_386 [1] : vector<64x928xi32> to vector<64xi32>
    %broadcast_in_dim3A_388 = vector.shape_cast %reduce_sum3A_387 : vector<64xi32> to vector<64x1xi32>
    %jit3A_389 = arith.constant -1.000000e+30 : f32
    %broadcast_in_dim3A_390 = vector.broadcast %jit3A_389 : f32 to vector<64x928xf32>
    %select_n3A_391 = arith.select %eq3A_382, %broadcast_in_dim3A_390, %select_n3A_369 : vector<64x928xi1>, vector<64x928xf32>
    %reduce_max3A_392 = arith.constant dense<0xFF800000> : vector<64xf32>
    %reduce_max3A_393 = vector.multi_reduction <maximumf>, %select_n3A_391, %reduce_max3A_392 [1] : vector<64x928xf32> to vector<64xf32>
    %broadcast_in_dim3A_394 = vector.shape_cast %reduce_max3A_393 : vector<64xf32> to vector<64x1xf32>
    %eq3A_395 = vector.broadcast %broadcast_in_dim3A_394 : vector<64x1xf32> to vector<64x928xf32>
    %eq3A_396 = arith.cmpf oeq, %select_n3A_391, %eq3A_395 : vector<64x928xf32>
    %jit3A_397 = arith.constant 1073741824 : i32
    %broadcast_in_dim3A_398 = vector.broadcast %jit3A_397 : i32 to vector<64x928xi32>
    %select_n3A_399 = arith.select %eq3A_396, %iota3A_2, %broadcast_in_dim3A_398 : vector<64x928xi1>, vector<64x928xi32>
    %reduce_min3A_400 = arith.constant dense<2147483647> : vector<64xi32>
    %reduce_min3A_401 = vector.multi_reduction <minsi>, %select_n3A_399, %reduce_min3A_400 [1] : vector<64x928xi32> to vector<64xi32>
    %broadcast_in_dim3A_402 = vector.shape_cast %reduce_min3A_401 : vector<64xi32> to vector<64x1xi32>
    %eq3A_403 = vector.broadcast %broadcast_in_dim3A_402 : vector<64x1xi32> to vector<64x928xi32>
    %eq3A_404 = arith.cmpi eq, %iota3A_2, %eq3A_403 : vector<64x928xi32>
    %jit3A_405 = arith.constant 0 : i32
    %broadcast_in_dim3A_406 = vector.broadcast %jit3A_405 : i32 to vector<64x928xi32>
    %select_n3A_407 = arith.select %eq3A_404, %iota3A, %broadcast_in_dim3A_406 : vector<64x928xi1>, vector<64x928xi32>
    %reduce_sum3A_408 = arith.constant dense<0> : vector<64xi32>
    %reduce_sum3A_409 = vector.multi_reduction <add>, %select_n3A_407, %reduce_sum3A_408 [1] : vector<64x928xi32> to vector<64xi32>
    %broadcast_in_dim3A_410 = vector.shape_cast %reduce_sum3A_409 : vector<64xi32> to vector<64x1xi32>
    %jit3A_411 = arith.constant -1.000000e+30 : f32
    %broadcast_in_dim3A_412 = vector.broadcast %jit3A_411 : f32 to vector<64x928xf32>
    %select_n3A_413 = arith.select %eq3A_404, %broadcast_in_dim3A_412, %select_n3A_391 : vector<64x928xi1>, vector<64x928xf32>
    %reduce_max3A_414 = arith.constant dense<0xFF800000> : vector<64xf32>
    %reduce_max3A_415 = vector.multi_reduction <maximumf>, %select_n3A_413, %reduce_max3A_414 [1] : vector<64x928xf32> to vector<64xf32>
    %broadcast_in_dim3A_416 = vector.shape_cast %reduce_max3A_415 : vector<64xf32> to vector<64x1xf32>
    %eq3A_417 = vector.broadcast %broadcast_in_dim3A_416 : vector<64x1xf32> to vector<64x928xf32>
    %eq3A_418 = arith.cmpf oeq, %select_n3A_413, %eq3A_417 : vector<64x928xf32>
    %jit3A_419 = arith.constant 1073741824 : i32
    %broadcast_in_dim3A_420 = vector.broadcast %jit3A_419 : i32 to vector<64x928xi32>
    %select_n3A_421 = arith.select %eq3A_418, %iota3A_2, %broadcast_in_dim3A_420 : vector<64x928xi1>, vector<64x928xi32>
    %reduce_min3A_422 = arith.constant dense<2147483647> : vector<64xi32>
    %reduce_min3A_423 = vector.multi_reduction <minsi>, %select_n3A_421, %reduce_min3A_422 [1] : vector<64x928xi32> to vector<64xi32>
    %broadcast_in_dim3A_424 = vector.shape_cast %reduce_min3A_423 : vector<64xi32> to vector<64x1xi32>
    %eq3A_425 = vector.broadcast %broadcast_in_dim3A_424 : vector<64x1xi32> to vector<64x928xi32>
    %eq3A_426 = arith.cmpi eq, %iota3A_2, %eq3A_425 : vector<64x928xi32>
    %jit3A_427 = arith.constant 0 : i32
    %broadcast_in_dim3A_428 = vector.broadcast %jit3A_427 : i32 to vector<64x928xi32>
    %select_n3A_429 = arith.select %eq3A_426, %iota3A, %broadcast_in_dim3A_428 : vector<64x928xi1>, vector<64x928xi32>
    %reduce_sum3A_430 = arith.constant dense<0> : vector<64xi32>
    %reduce_sum3A_431 = vector.multi_reduction <add>, %select_n3A_429, %reduce_sum3A_430 [1] : vector<64x928xi32> to vector<64xi32>
    %broadcast_in_dim3A_432 = vector.shape_cast %reduce_sum3A_431 : vector<64xi32> to vector<64x1xi32>
    %jit3A_433 = arith.constant -1.000000e+30 : f32
    %broadcast_in_dim3A_434 = vector.broadcast %jit3A_433 : f32 to vector<64x928xf32>
    %select_n3A_435 = arith.select %eq3A_426, %broadcast_in_dim3A_434, %select_n3A_413 : vector<64x928xi1>, vector<64x928xf32>
    %reduce_max3A_436 = arith.constant dense<0xFF800000> : vector<64xf32>
    %reduce_max3A_437 = vector.multi_reduction <maximumf>, %select_n3A_435, %reduce_max3A_436 [1] : vector<64x928xf32> to vector<64xf32>
    %broadcast_in_dim3A_438 = vector.shape_cast %reduce_max3A_437 : vector<64xf32> to vector<64x1xf32>
    %eq3A_439 = vector.broadcast %broadcast_in_dim3A_438 : vector<64x1xf32> to vector<64x928xf32>
    %eq3A_440 = arith.cmpf oeq, %select_n3A_435, %eq3A_439 : vector<64x928xf32>
    %jit3A_441 = arith.constant 1073741824 : i32
    %broadcast_in_dim3A_442 = vector.broadcast %jit3A_441 : i32 to vector<64x928xi32>
    %select_n3A_443 = arith.select %eq3A_440, %iota3A_2, %broadcast_in_dim3A_442 : vector<64x928xi1>, vector<64x928xi32>
    %reduce_min3A_444 = arith.constant dense<2147483647> : vector<64xi32>
    %reduce_min3A_445 = vector.multi_reduction <minsi>, %select_n3A_443, %reduce_min3A_444 [1] : vector<64x928xi32> to vector<64xi32>
    %broadcast_in_dim3A_446 = vector.shape_cast %reduce_min3A_445 : vector<64xi32> to vector<64x1xi32>
    %eq3A_447 = vector.broadcast %broadcast_in_dim3A_446 : vector<64x1xi32> to vector<64x928xi32>
    %eq3A_448 = arith.cmpi eq, %iota3A_2, %eq3A_447 : vector<64x928xi32>
    %jit3A_449 = arith.constant 0 : i32
    %broadcast_in_dim3A_450 = vector.broadcast %jit3A_449 : i32 to vector<64x928xi32>
    %select_n3A_451 = arith.select %eq3A_448, %iota3A, %broadcast_in_dim3A_450 : vector<64x928xi1>, vector<64x928xi32>
    %reduce_sum3A_452 = arith.constant dense<0> : vector<64xi32>
    %reduce_sum3A_453 = vector.multi_reduction <add>, %select_n3A_451, %reduce_sum3A_452 [1] : vector<64x928xi32> to vector<64xi32>
    %broadcast_in_dim3A_454 = vector.shape_cast %reduce_sum3A_453 : vector<64xi32> to vector<64x1xi32>
    %jit3A_455 = arith.constant -1.000000e+30 : f32
    %broadcast_in_dim3A_456 = vector.broadcast %jit3A_455 : f32 to vector<64x928xf32>
    %select_n3A_457 = arith.select %eq3A_448, %broadcast_in_dim3A_456, %select_n3A_435 : vector<64x928xi1>, vector<64x928xf32>
    %reduce_max3A_458 = arith.constant dense<0xFF800000> : vector<64xf32>
    %reduce_max3A_459 = vector.multi_reduction <maximumf>, %select_n3A_457, %reduce_max3A_458 [1] : vector<64x928xf32> to vector<64xf32>
    %broadcast_in_dim3A_460 = vector.shape_cast %reduce_max3A_459 : vector<64xf32> to vector<64x1xf32>
    %eq3A_461 = vector.broadcast %broadcast_in_dim3A_460 : vector<64x1xf32> to vector<64x928xf32>
    %eq3A_462 = arith.cmpf oeq, %select_n3A_457, %eq3A_461 : vector<64x928xf32>
    %jit3A_463 = arith.constant 1073741824 : i32
    %broadcast_in_dim3A_464 = vector.broadcast %jit3A_463 : i32 to vector<64x928xi32>
    %select_n3A_465 = arith.select %eq3A_462, %iota3A_2, %broadcast_in_dim3A_464 : vector<64x928xi1>, vector<64x928xi32>
    %reduce_min3A_466 = arith.constant dense<2147483647> : vector<64xi32>
    %reduce_min3A_467 = vector.multi_reduction <minsi>, %select_n3A_465, %reduce_min3A_466 [1] : vector<64x928xi32> to vector<64xi32>
    %broadcast_in_dim3A_468 = vector.shape_cast %reduce_min3A_467 : vector<64xi32> to vector<64x1xi32>
    %eq3A_469 = vector.broadcast %broadcast_in_dim3A_468 : vector<64x1xi32> to vector<64x928xi32>
    %eq3A_470 = arith.cmpi eq, %iota3A_2, %eq3A_469 : vector<64x928xi32>
    %jit3A_471 = arith.constant 0 : i32
    %broadcast_in_dim3A_472 = vector.broadcast %jit3A_471 : i32 to vector<64x928xi32>
    %select_n3A_473 = arith.select %eq3A_470, %iota3A, %broadcast_in_dim3A_472 : vector<64x928xi1>, vector<64x928xi32>
    %reduce_sum3A_474 = arith.constant dense<0> : vector<64xi32>
    %reduce_sum3A_475 = vector.multi_reduction <add>, %select_n3A_473, %reduce_sum3A_474 [1] : vector<64x928xi32> to vector<64xi32>
    %broadcast_in_dim3A_476 = vector.shape_cast %reduce_sum3A_475 : vector<64xi32> to vector<64x1xi32>
    %jit3A_477 = arith.constant -1.000000e+30 : f32
    %broadcast_in_dim3A_478 = vector.broadcast %jit3A_477 : f32 to vector<64x928xf32>
    %select_n3A_479 = arith.select %eq3A_470, %broadcast_in_dim3A_478, %select_n3A_457 : vector<64x928xi1>, vector<64x928xf32>
    %reduce_max3A_480 = arith.constant dense<0xFF800000> : vector<64xf32>
    %reduce_max3A_481 = vector.multi_reduction <maximumf>, %select_n3A_479, %reduce_max3A_480 [1] : vector<64x928xf32> to vector<64xf32>
    %broadcast_in_dim3A_482 = vector.shape_cast %reduce_max3A_481 : vector<64xf32> to vector<64x1xf32>
    %eq3A_483 = vector.broadcast %broadcast_in_dim3A_482 : vector<64x1xf32> to vector<64x928xf32>
    %eq3A_484 = arith.cmpf oeq, %select_n3A_479, %eq3A_483 : vector<64x928xf32>
    %jit3A_485 = arith.constant 1073741824 : i32
    %broadcast_in_dim3A_486 = vector.broadcast %jit3A_485 : i32 to vector<64x928xi32>
    %select_n3A_487 = arith.select %eq3A_484, %iota3A_2, %broadcast_in_dim3A_486 : vector<64x928xi1>, vector<64x928xi32>
    %reduce_min3A_488 = arith.constant dense<2147483647> : vector<64xi32>
    %reduce_min3A_489 = vector.multi_reduction <minsi>, %select_n3A_487, %reduce_min3A_488 [1] : vector<64x928xi32> to vector<64xi32>
    %broadcast_in_dim3A_490 = vector.shape_cast %reduce_min3A_489 : vector<64xi32> to vector<64x1xi32>
    %eq3A_491 = vector.broadcast %broadcast_in_dim3A_490 : vector<64x1xi32> to vector<64x928xi32>
    %eq3A_492 = arith.cmpi eq, %iota3A_2, %eq3A_491 : vector<64x928xi32>
    %jit3A_493 = arith.constant 0 : i32
    %broadcast_in_dim3A_494 = vector.broadcast %jit3A_493 : i32 to vector<64x928xi32>
    %select_n3A_495 = arith.select %eq3A_492, %iota3A, %broadcast_in_dim3A_494 : vector<64x928xi1>, vector<64x928xi32>
    %reduce_sum3A_496 = arith.constant dense<0> : vector<64xi32>
    %reduce_sum3A_497 = vector.multi_reduction <add>, %select_n3A_495, %reduce_sum3A_496 [1] : vector<64x928xi32> to vector<64xi32>
    %broadcast_in_dim3A_498 = vector.shape_cast %reduce_sum3A_497 : vector<64xi32> to vector<64x1xi32>
    %jit3A_499 = arith.constant -1.000000e+30 : f32
    %broadcast_in_dim3A_500 = vector.broadcast %jit3A_499 : f32 to vector<64x928xf32>
    %select_n3A_501 = arith.select %eq3A_492, %broadcast_in_dim3A_500, %select_n3A_479 : vector<64x928xi1>, vector<64x928xf32>
    %reduce_max3A_502 = arith.constant dense<0xFF800000> : vector<64xf32>
    %reduce_max3A_503 = vector.multi_reduction <maximumf>, %select_n3A_501, %reduce_max3A_502 [1] : vector<64x928xf32> to vector<64xf32>
    %broadcast_in_dim3A_504 = vector.shape_cast %reduce_max3A_503 : vector<64xf32> to vector<64x1xf32>
    %eq3A_505 = vector.broadcast %broadcast_in_dim3A_504 : vector<64x1xf32> to vector<64x928xf32>
    %eq3A_506 = arith.cmpf oeq, %select_n3A_501, %eq3A_505 : vector<64x928xf32>
    %jit3A_507 = arith.constant 1073741824 : i32
    %broadcast_in_dim3A_508 = vector.broadcast %jit3A_507 : i32 to vector<64x928xi32>
    %select_n3A_509 = arith.select %eq3A_506, %iota3A_2, %broadcast_in_dim3A_508 : vector<64x928xi1>, vector<64x928xi32>
    %reduce_min3A_510 = arith.constant dense<2147483647> : vector<64xi32>
    %reduce_min3A_511 = vector.multi_reduction <minsi>, %select_n3A_509, %reduce_min3A_510 [1] : vector<64x928xi32> to vector<64xi32>
    %broadcast_in_dim3A_512 = vector.shape_cast %reduce_min3A_511 : vector<64xi32> to vector<64x1xi32>
    %eq3A_513 = vector.broadcast %broadcast_in_dim3A_512 : vector<64x1xi32> to vector<64x928xi32>
    %eq3A_514 = arith.cmpi eq, %iota3A_2, %eq3A_513 : vector<64x928xi32>
    %jit3A_515 = arith.constant 0 : i32
    %broadcast_in_dim3A_516 = vector.broadcast %jit3A_515 : i32 to vector<64x928xi32>
    %select_n3A_517 = arith.select %eq3A_514, %iota3A, %broadcast_in_dim3A_516 : vector<64x928xi1>, vector<64x928xi32>
    %reduce_sum3A_518 = arith.constant dense<0> : vector<64xi32>
    %reduce_sum3A_519 = vector.multi_reduction <add>, %select_n3A_517, %reduce_sum3A_518 [1] : vector<64x928xi32> to vector<64xi32>
    %broadcast_in_dim3A_520 = vector.shape_cast %reduce_sum3A_519 : vector<64xi32> to vector<64x1xi32>
    %jit3A_521 = arith.constant -1.000000e+30 : f32
    %broadcast_in_dim3A_522 = vector.broadcast %jit3A_521 : f32 to vector<64x928xf32>
    %select_n3A_523 = arith.select %eq3A_514, %broadcast_in_dim3A_522, %select_n3A_501 : vector<64x928xi1>, vector<64x928xf32>
    %reduce_max3A_524 = arith.constant dense<0xFF800000> : vector<64xf32>
    %reduce_max3A_525 = vector.multi_reduction <maximumf>, %select_n3A_523, %reduce_max3A_524 [1] : vector<64x928xf32> to vector<64xf32>
    %broadcast_in_dim3A_526 = vector.shape_cast %reduce_max3A_525 : vector<64xf32> to vector<64x1xf32>
    %eq3A_527 = vector.broadcast %broadcast_in_dim3A_526 : vector<64x1xf32> to vector<64x928xf32>
    %eq3A_528 = arith.cmpf oeq, %select_n3A_523, %eq3A_527 : vector<64x928xf32>
    %jit3A_529 = arith.constant 1073741824 : i32
    %broadcast_in_dim3A_530 = vector.broadcast %jit3A_529 : i32 to vector<64x928xi32>
    %select_n3A_531 = arith.select %eq3A_528, %iota3A_2, %broadcast_in_dim3A_530 : vector<64x928xi1>, vector<64x928xi32>
    %reduce_min3A_532 = arith.constant dense<2147483647> : vector<64xi32>
    %reduce_min3A_533 = vector.multi_reduction <minsi>, %select_n3A_531, %reduce_min3A_532 [1] : vector<64x928xi32> to vector<64xi32>
    %broadcast_in_dim3A_534 = vector.shape_cast %reduce_min3A_533 : vector<64xi32> to vector<64x1xi32>
    %eq3A_535 = vector.broadcast %broadcast_in_dim3A_534 : vector<64x1xi32> to vector<64x928xi32>
    %eq3A_536 = arith.cmpi eq, %iota3A_2, %eq3A_535 : vector<64x928xi32>
    %jit3A_537 = arith.constant 0 : i32
    %broadcast_in_dim3A_538 = vector.broadcast %jit3A_537 : i32 to vector<64x928xi32>
    %select_n3A_539 = arith.select %eq3A_536, %iota3A, %broadcast_in_dim3A_538 : vector<64x928xi1>, vector<64x928xi32>
    %reduce_sum3A_540 = arith.constant dense<0> : vector<64xi32>
    %reduce_sum3A_541 = vector.multi_reduction <add>, %select_n3A_539, %reduce_sum3A_540 [1] : vector<64x928xi32> to vector<64xi32>
    %broadcast_in_dim3A_542 = vector.shape_cast %reduce_sum3A_541 : vector<64xi32> to vector<64x1xi32>
    %jit3A_543 = arith.constant -1.000000e+30 : f32
    %broadcast_in_dim3A_544 = vector.broadcast %jit3A_543 : f32 to vector<64x928xf32>
    %select_n3A_545 = arith.select %eq3A_536, %broadcast_in_dim3A_544, %select_n3A_523 : vector<64x928xi1>, vector<64x928xf32>
    %reduce_max3A_546 = arith.constant dense<0xFF800000> : vector<64xf32>
    %reduce_max3A_547 = vector.multi_reduction <maximumf>, %select_n3A_545, %reduce_max3A_546 [1] : vector<64x928xf32> to vector<64xf32>
    %broadcast_in_dim3A_548 = vector.shape_cast %reduce_max3A_547 : vector<64xf32> to vector<64x1xf32>
    %eq3A_549 = vector.broadcast %broadcast_in_dim3A_548 : vector<64x1xf32> to vector<64x928xf32>
    %eq3A_550 = arith.cmpf oeq, %select_n3A_545, %eq3A_549 : vector<64x928xf32>
    %jit3A_551 = arith.constant 1073741824 : i32
    %broadcast_in_dim3A_552 = vector.broadcast %jit3A_551 : i32 to vector<64x928xi32>
    %select_n3A_553 = arith.select %eq3A_550, %iota3A_2, %broadcast_in_dim3A_552 : vector<64x928xi1>, vector<64x928xi32>
    %reduce_min3A_554 = arith.constant dense<2147483647> : vector<64xi32>
    %reduce_min3A_555 = vector.multi_reduction <minsi>, %select_n3A_553, %reduce_min3A_554 [1] : vector<64x928xi32> to vector<64xi32>
    %broadcast_in_dim3A_556 = vector.shape_cast %reduce_min3A_555 : vector<64xi32> to vector<64x1xi32>
    %eq3A_557 = vector.broadcast %broadcast_in_dim3A_556 : vector<64x1xi32> to vector<64x928xi32>
    %eq3A_558 = arith.cmpi eq, %iota3A_2, %eq3A_557 : vector<64x928xi32>
    %jit3A_559 = arith.constant 0 : i32
    %broadcast_in_dim3A_560 = vector.broadcast %jit3A_559 : i32 to vector<64x928xi32>
    %select_n3A_561 = arith.select %eq3A_558, %iota3A, %broadcast_in_dim3A_560 : vector<64x928xi1>, vector<64x928xi32>
    %reduce_sum3A_562 = arith.constant dense<0> : vector<64xi32>
    %reduce_sum3A_563 = vector.multi_reduction <add>, %select_n3A_561, %reduce_sum3A_562 [1] : vector<64x928xi32> to vector<64xi32>
    %broadcast_in_dim3A_564 = vector.shape_cast %reduce_sum3A_563 : vector<64xi32> to vector<64x1xi32>
    %jit3A_565 = arith.constant -1.000000e+30 : f32
    %broadcast_in_dim3A_566 = vector.broadcast %jit3A_565 : f32 to vector<64x928xf32>
    %select_n3A_567 = arith.select %eq3A_558, %broadcast_in_dim3A_566, %select_n3A_545 : vector<64x928xi1>, vector<64x928xf32>
    %reduce_max3A_568 = arith.constant dense<0xFF800000> : vector<64xf32>
    %reduce_max3A_569 = vector.multi_reduction <maximumf>, %select_n3A_567, %reduce_max3A_568 [1] : vector<64x928xf32> to vector<64xf32>
    %broadcast_in_dim3A_570 = vector.shape_cast %reduce_max3A_569 : vector<64xf32> to vector<64x1xf32>
    %eq3A_571 = vector.broadcast %broadcast_in_dim3A_570 : vector<64x1xf32> to vector<64x928xf32>
    %eq3A_572 = arith.cmpf oeq, %select_n3A_567, %eq3A_571 : vector<64x928xf32>
    %jit3A_573 = arith.constant 1073741824 : i32
    %broadcast_in_dim3A_574 = vector.broadcast %jit3A_573 : i32 to vector<64x928xi32>
    %select_n3A_575 = arith.select %eq3A_572, %iota3A_2, %broadcast_in_dim3A_574 : vector<64x928xi1>, vector<64x928xi32>
    %reduce_min3A_576 = arith.constant dense<2147483647> : vector<64xi32>
    %reduce_min3A_577 = vector.multi_reduction <minsi>, %select_n3A_575, %reduce_min3A_576 [1] : vector<64x928xi32> to vector<64xi32>
    %broadcast_in_dim3A_578 = vector.shape_cast %reduce_min3A_577 : vector<64xi32> to vector<64x1xi32>
    %eq3A_579 = vector.broadcast %broadcast_in_dim3A_578 : vector<64x1xi32> to vector<64x928xi32>
    %eq3A_580 = arith.cmpi eq, %iota3A_2, %eq3A_579 : vector<64x928xi32>
    %jit3A_581 = arith.constant 0 : i32
    %broadcast_in_dim3A_582 = vector.broadcast %jit3A_581 : i32 to vector<64x928xi32>
    %select_n3A_583 = arith.select %eq3A_580, %iota3A, %broadcast_in_dim3A_582 : vector<64x928xi1>, vector<64x928xi32>
    %reduce_sum3A_584 = arith.constant dense<0> : vector<64xi32>
    %reduce_sum3A_585 = vector.multi_reduction <add>, %select_n3A_583, %reduce_sum3A_584 [1] : vector<64x928xi32> to vector<64xi32>
    %broadcast_in_dim3A_586 = vector.shape_cast %reduce_sum3A_585 : vector<64xi32> to vector<64x1xi32>
    %jit3A_587 = arith.constant -1.000000e+30 : f32
    %broadcast_in_dim3A_588 = vector.broadcast %jit3A_587 : f32 to vector<64x928xf32>
    %select_n3A_589 = arith.select %eq3A_580, %broadcast_in_dim3A_588, %select_n3A_567 : vector<64x928xi1>, vector<64x928xf32>
    %reduce_max3A_590 = arith.constant dense<0xFF800000> : vector<64xf32>
    %reduce_max3A_591 = vector.multi_reduction <maximumf>, %select_n3A_589, %reduce_max3A_590 [1] : vector<64x928xf32> to vector<64xf32>
    %broadcast_in_dim3A_592 = vector.shape_cast %reduce_max3A_591 : vector<64xf32> to vector<64x1xf32>
    %eq3A_593 = vector.broadcast %broadcast_in_dim3A_592 : vector<64x1xf32> to vector<64x928xf32>
    %eq3A_594 = arith.cmpf oeq, %select_n3A_589, %eq3A_593 : vector<64x928xf32>
    %jit3A_595 = arith.constant 1073741824 : i32
    %broadcast_in_dim3A_596 = vector.broadcast %jit3A_595 : i32 to vector<64x928xi32>
    %select_n3A_597 = arith.select %eq3A_594, %iota3A_2, %broadcast_in_dim3A_596 : vector<64x928xi1>, vector<64x928xi32>
    %reduce_min3A_598 = arith.constant dense<2147483647> : vector<64xi32>
    %reduce_min3A_599 = vector.multi_reduction <minsi>, %select_n3A_597, %reduce_min3A_598 [1] : vector<64x928xi32> to vector<64xi32>
    %broadcast_in_dim3A_600 = vector.shape_cast %reduce_min3A_599 : vector<64xi32> to vector<64x1xi32>
    %eq3A_601 = vector.broadcast %broadcast_in_dim3A_600 : vector<64x1xi32> to vector<64x928xi32>
    %eq3A_602 = arith.cmpi eq, %iota3A_2, %eq3A_601 : vector<64x928xi32>
    %jit3A_603 = arith.constant 0 : i32
    %broadcast_in_dim3A_604 = vector.broadcast %jit3A_603 : i32 to vector<64x928xi32>
    %select_n3A_605 = arith.select %eq3A_602, %iota3A, %broadcast_in_dim3A_604 : vector<64x928xi1>, vector<64x928xi32>
    %reduce_sum3A_606 = arith.constant dense<0> : vector<64xi32>
    %reduce_sum3A_607 = vector.multi_reduction <add>, %select_n3A_605, %reduce_sum3A_606 [1] : vector<64x928xi32> to vector<64xi32>
    %broadcast_in_dim3A_608 = vector.shape_cast %reduce_sum3A_607 : vector<64xi32> to vector<64x1xi32>
    %jit3A_609 = arith.constant -1.000000e+30 : f32
    %broadcast_in_dim3A_610 = vector.broadcast %jit3A_609 : f32 to vector<64x928xf32>
    %select_n3A_611 = arith.select %eq3A_602, %broadcast_in_dim3A_610, %select_n3A_589 : vector<64x928xi1>, vector<64x928xf32>
    %reduce_max3A_612 = arith.constant dense<0xFF800000> : vector<64xf32>
    %reduce_max3A_613 = vector.multi_reduction <maximumf>, %select_n3A_611, %reduce_max3A_612 [1] : vector<64x928xf32> to vector<64xf32>
    %broadcast_in_dim3A_614 = vector.shape_cast %reduce_max3A_613 : vector<64xf32> to vector<64x1xf32>
    %eq3A_615 = vector.broadcast %broadcast_in_dim3A_614 : vector<64x1xf32> to vector<64x928xf32>
    %eq3A_616 = arith.cmpf oeq, %select_n3A_611, %eq3A_615 : vector<64x928xf32>
    %jit3A_617 = arith.constant 1073741824 : i32
    %broadcast_in_dim3A_618 = vector.broadcast %jit3A_617 : i32 to vector<64x928xi32>
    %select_n3A_619 = arith.select %eq3A_616, %iota3A_2, %broadcast_in_dim3A_618 : vector<64x928xi1>, vector<64x928xi32>
    %reduce_min3A_620 = arith.constant dense<2147483647> : vector<64xi32>
    %reduce_min3A_621 = vector.multi_reduction <minsi>, %select_n3A_619, %reduce_min3A_620 [1] : vector<64x928xi32> to vector<64xi32>
    %broadcast_in_dim3A_622 = vector.shape_cast %reduce_min3A_621 : vector<64xi32> to vector<64x1xi32>
    %eq3A_623 = vector.broadcast %broadcast_in_dim3A_622 : vector<64x1xi32> to vector<64x928xi32>
    %eq3A_624 = arith.cmpi eq, %iota3A_2, %eq3A_623 : vector<64x928xi32>
    %jit3A_625 = arith.constant 0 : i32
    %broadcast_in_dim3A_626 = vector.broadcast %jit3A_625 : i32 to vector<64x928xi32>
    %select_n3A_627 = arith.select %eq3A_624, %iota3A, %broadcast_in_dim3A_626 : vector<64x928xi1>, vector<64x928xi32>
    %reduce_sum3A_628 = arith.constant dense<0> : vector<64xi32>
    %reduce_sum3A_629 = vector.multi_reduction <add>, %select_n3A_627, %reduce_sum3A_628 [1] : vector<64x928xi32> to vector<64xi32>
    %broadcast_in_dim3A_630 = vector.shape_cast %reduce_sum3A_629 : vector<64xi32> to vector<64x1xi32>
    %jit3A_631 = arith.constant -1.000000e+30 : f32
    %broadcast_in_dim3A_632 = vector.broadcast %jit3A_631 : f32 to vector<64x928xf32>
    %select_n3A_633 = arith.select %eq3A_624, %broadcast_in_dim3A_632, %select_n3A_611 : vector<64x928xi1>, vector<64x928xf32>
    %reduce_max3A_634 = arith.constant dense<0xFF800000> : vector<64xf32>
    %reduce_max3A_635 = vector.multi_reduction <maximumf>, %select_n3A_633, %reduce_max3A_634 [1] : vector<64x928xf32> to vector<64xf32>
    %broadcast_in_dim3A_636 = vector.shape_cast %reduce_max3A_635 : vector<64xf32> to vector<64x1xf32>
    %eq3A_637 = vector.broadcast %broadcast_in_dim3A_636 : vector<64x1xf32> to vector<64x928xf32>
    %eq3A_638 = arith.cmpf oeq, %select_n3A_633, %eq3A_637 : vector<64x928xf32>
    %jit3A_639 = arith.constant 1073741824 : i32
    %broadcast_in_dim3A_640 = vector.broadcast %jit3A_639 : i32 to vector<64x928xi32>
    %select_n3A_641 = arith.select %eq3A_638, %iota3A_2, %broadcast_in_dim3A_640 : vector<64x928xi1>, vector<64x928xi32>
    %reduce_min3A_642 = arith.constant dense<2147483647> : vector<64xi32>
    %reduce_min3A_643 = vector.multi_reduction <minsi>, %select_n3A_641, %reduce_min3A_642 [1] : vector<64x928xi32> to vector<64xi32>
    %broadcast_in_dim3A_644 = vector.shape_cast %reduce_min3A_643 : vector<64xi32> to vector<64x1xi32>
    %eq3A_645 = vector.broadcast %broadcast_in_dim3A_644 : vector<64x1xi32> to vector<64x928xi32>
    %eq3A_646 = arith.cmpi eq, %iota3A_2, %eq3A_645 : vector<64x928xi32>
    %jit3A_647 = arith.constant 0 : i32
    %broadcast_in_dim3A_648 = vector.broadcast %jit3A_647 : i32 to vector<64x928xi32>
    %select_n3A_649 = arith.select %eq3A_646, %iota3A, %broadcast_in_dim3A_648 : vector<64x928xi1>, vector<64x928xi32>
    %reduce_sum3A_650 = arith.constant dense<0> : vector<64xi32>
    %reduce_sum3A_651 = vector.multi_reduction <add>, %select_n3A_649, %reduce_sum3A_650 [1] : vector<64x928xi32> to vector<64xi32>
    %broadcast_in_dim3A_652 = vector.shape_cast %reduce_sum3A_651 : vector<64xi32> to vector<64x1xi32>
    %jit3A_653 = arith.constant -1.000000e+30 : f32
    %broadcast_in_dim3A_654 = vector.broadcast %jit3A_653 : f32 to vector<64x928xf32>
    %select_n3A_655 = arith.select %eq3A_646, %broadcast_in_dim3A_654, %select_n3A_633 : vector<64x928xi1>, vector<64x928xf32>
    %reduce_max3A_656 = arith.constant dense<0xFF800000> : vector<64xf32>
    %reduce_max3A_657 = vector.multi_reduction <maximumf>, %select_n3A_655, %reduce_max3A_656 [1] : vector<64x928xf32> to vector<64xf32>
    %broadcast_in_dim3A_658 = vector.shape_cast %reduce_max3A_657 : vector<64xf32> to vector<64x1xf32>
    %eq3A_659 = vector.broadcast %broadcast_in_dim3A_658 : vector<64x1xf32> to vector<64x928xf32>
    %eq3A_660 = arith.cmpf oeq, %select_n3A_655, %eq3A_659 : vector<64x928xf32>
    %jit3A_661 = arith.constant 1073741824 : i32
    %broadcast_in_dim3A_662 = vector.broadcast %jit3A_661 : i32 to vector<64x928xi32>
    %select_n3A_663 = arith.select %eq3A_660, %iota3A_2, %broadcast_in_dim3A_662 : vector<64x928xi1>, vector<64x928xi32>
    %reduce_min3A_664 = arith.constant dense<2147483647> : vector<64xi32>
    %reduce_min3A_665 = vector.multi_reduction <minsi>, %select_n3A_663, %reduce_min3A_664 [1] : vector<64x928xi32> to vector<64xi32>
    %broadcast_in_dim3A_666 = vector.shape_cast %reduce_min3A_665 : vector<64xi32> to vector<64x1xi32>
    %eq3A_667 = vector.broadcast %broadcast_in_dim3A_666 : vector<64x1xi32> to vector<64x928xi32>
    %eq3A_668 = arith.cmpi eq, %iota3A_2, %eq3A_667 : vector<64x928xi32>
    %jit3A_669 = arith.constant 0 : i32
    %broadcast_in_dim3A_670 = vector.broadcast %jit3A_669 : i32 to vector<64x928xi32>
    %select_n3A_671 = arith.select %eq3A_668, %iota3A, %broadcast_in_dim3A_670 : vector<64x928xi1>, vector<64x928xi32>
    %reduce_sum3A_672 = arith.constant dense<0> : vector<64xi32>
    %reduce_sum3A_673 = vector.multi_reduction <add>, %select_n3A_671, %reduce_sum3A_672 [1] : vector<64x928xi32> to vector<64xi32>
    %broadcast_in_dim3A_674 = vector.shape_cast %reduce_sum3A_673 : vector<64xi32> to vector<64x1xi32>
    %jit3A_675 = arith.constant -1.000000e+30 : f32
    %broadcast_in_dim3A_676 = vector.broadcast %jit3A_675 : f32 to vector<64x928xf32>
    %select_n3A_677 = arith.select %eq3A_668, %broadcast_in_dim3A_676, %select_n3A_655 : vector<64x928xi1>, vector<64x928xf32>
    %reduce_max3A_678 = arith.constant dense<0xFF800000> : vector<64xf32>
    %reduce_max3A_679 = vector.multi_reduction <maximumf>, %select_n3A_677, %reduce_max3A_678 [1] : vector<64x928xf32> to vector<64xf32>
    %broadcast_in_dim3A_680 = vector.shape_cast %reduce_max3A_679 : vector<64xf32> to vector<64x1xf32>
    %eq3A_681 = vector.broadcast %broadcast_in_dim3A_680 : vector<64x1xf32> to vector<64x928xf32>
    %eq3A_682 = arith.cmpf oeq, %select_n3A_677, %eq3A_681 : vector<64x928xf32>
    %jit3A_683 = arith.constant 1073741824 : i32
    %broadcast_in_dim3A_684 = vector.broadcast %jit3A_683 : i32 to vector<64x928xi32>
    %select_n3A_685 = arith.select %eq3A_682, %iota3A_2, %broadcast_in_dim3A_684 : vector<64x928xi1>, vector<64x928xi32>
    %reduce_min3A_686 = arith.constant dense<2147483647> : vector<64xi32>
    %reduce_min3A_687 = vector.multi_reduction <minsi>, %select_n3A_685, %reduce_min3A_686 [1] : vector<64x928xi32> to vector<64xi32>
    %broadcast_in_dim3A_688 = vector.shape_cast %reduce_min3A_687 : vector<64xi32> to vector<64x1xi32>
    %eq3A_689 = vector.broadcast %broadcast_in_dim3A_688 : vector<64x1xi32> to vector<64x928xi32>
    %eq3A_690 = arith.cmpi eq, %iota3A_2, %eq3A_689 : vector<64x928xi32>
    %jit3A_691 = arith.constant 0 : i32
    %broadcast_in_dim3A_692 = vector.broadcast %jit3A_691 : i32 to vector<64x928xi32>
    %select_n3A_693 = arith.select %eq3A_690, %iota3A, %broadcast_in_dim3A_692 : vector<64x928xi1>, vector<64x928xi32>
    %reduce_sum3A_694 = arith.constant dense<0> : vector<64xi32>
    %reduce_sum3A_695 = vector.multi_reduction <add>, %select_n3A_693, %reduce_sum3A_694 [1] : vector<64x928xi32> to vector<64xi32>
    %broadcast_in_dim3A_696 = vector.shape_cast %reduce_sum3A_695 : vector<64xi32> to vector<64x1xi32>
    %concatenate3A = tpu.concatenate %broadcast_in_dim3A_14, %broadcast_in_dim3A_36, %broadcast_in_dim3A_58, %broadcast_in_dim3A_80, %broadcast_in_dim3A_102, %broadcast_in_dim3A_124, %broadcast_in_dim3A_146, %broadcast_in_dim3A_168, %broadcast_in_dim3A_190, %broadcast_in_dim3A_212, %broadcast_in_dim3A_234, %broadcast_in_dim3A_256, %broadcast_in_dim3A_278, %broadcast_in_dim3A_300, %broadcast_in_dim3A_322, %broadcast_in_dim3A_344, %broadcast_in_dim3A_366, %broadcast_in_dim3A_388, %broadcast_in_dim3A_410, %broadcast_in_dim3A_432, %broadcast_in_dim3A_454, %broadcast_in_dim3A_476, %broadcast_in_dim3A_498, %broadcast_in_dim3A_520, %broadcast_in_dim3A_542, %broadcast_in_dim3A_564, %broadcast_in_dim3A_586, %broadcast_in_dim3A_608, %broadcast_in_dim3A_630, %broadcast_in_dim3A_652, %broadcast_in_dim3A_674, %broadcast_in_dim3A_696 in 1 : vector<64x1xi32>, vector<64x1xi32>, vector<64x1xi32>, vector<64x1xi32>, vector<64x1xi32>, vector<64x1xi32>, vector<64x1xi32>, vector<64x1xi32>, vector<64x1xi32>, vector<64x1xi32>, vector<64x1xi32>, vector<64x1xi32>, vector<64x1xi32>, vector<64x1xi32>, vector<64x1xi32>, vector<64x1xi32>, vector<64x1xi32>, vector<64x1xi32>, vector<64x1xi32>, vector<64x1xi32>, vector<64x1xi32>, vector<64x1xi32>, vector<64x1xi32>, vector<64x1xi32>, vector<64x1xi32>, vector<64x1xi32>, vector<64x1xi32>, vector<64x1xi32>, vector<64x1xi32>, vector<64x1xi32>, vector<64x1xi32>, vector<64x1xi32> -> vector<64x32xi32>
    %swap3A = arith.constant 0 : index
    %swap3A_697 = arith.constant 0 : index
    %swap3A_698 = vector.load %arg1[%swap3A, %swap3A_697] : memref<64x32xi32, #tpu.memory_space<vmem>>, vector<64x32xi32>
    tpu.vector_store %arg1[%swap3A, %swap3A_697], %concatenate3A {strides = array<i32>} : memref<64x32xi32, #tpu.memory_space<vmem>>, vector<64x32xi32>,
    %iota3A_699 = tpu.iota {dimensions = array<i32: 0>} : vector<64x32xi32>
    %mul3A = arith.constant 928 : i32
    %mul3A_700 = vector.broadcast %mul3A : i32 to vector<64x32xi32>
    %mul3A_701 = arith.muli %iota3A_699, %mul3A_700 : vector<64x32xi32>
    %add3A = arith.addi %mul3A_701, %concatenate3A : vector<64x32xi32>
    %swap3A_702 = arith.constant 0 : index
    %swap3A_703 = arith.constant 0 : index
    %swap3A_704 = vector.load %arg2[%swap3A_702, %swap3A_703] : memref<64x32xi32, #tpu.memory_space<vmem>>, vector<64x32xi32>
    tpu.vector_store %arg2[%swap3A_702, %swap3A_703], %add3A {strides = array<i32>} : memref<64x32xi32, #tpu.memory_space<vmem>>, vector<64x32xi32>,
    return
  }
}

module attributes {stable_mosaic.version = 14 : i64} {
  func.func @_final_body(%arg0: memref<64x4096xf32, #tpu.memory_space<vmem>>, %arg1: memref<64x4096xi32, #tpu.memory_space<vmem>>, %arg2: memref<64x32xf32, #tpu.memory_space<vmem>>, %arg3: memref<64x32xi32, #tpu.memory_space<vmem>>) attributes {dimension_semantics = [], scalar_prefetch = 0 : i64, scratch_operands = 0 : i64, tpu.core_type = #tpu.core_type<tc>} {
    %get3A = arith.constant 0 : index
    %get3A_0 = arith.constant 0 : index
    %get3A_1 = vector.load %arg0[%get3A, %get3A_0] : memref<64x4096xf32, #tpu.memory_space<vmem>>, vector<64x4096xf32>
    %get3A_2 = arith.constant 0 : index
    %get3A_3 = arith.constant 0 : index
    %get3A_4 = vector.load %arg1[%get3A_2, %get3A_3] : memref<64x4096xi32, #tpu.memory_space<vmem>>, vector<64x4096xi32>
    %iota3A = tpu.iota {dimensions = array<i32: 1>} : vector<64x4096xi32>
    %reduce_max3A = arith.constant dense<0xFF800000> : vector<64xf32>
    %reduce_max3A_5 = vector.multi_reduction <maximumf>, %get3A_1, %reduce_max3A [1] : vector<64x4096xf32> to vector<64xf32>
    %broadcast_in_dim3A = vector.shape_cast %reduce_max3A_5 : vector<64xf32> to vector<64x1xf32>
    %eq3A = vector.broadcast %broadcast_in_dim3A : vector<64x1xf32> to vector<64x4096xf32>
    %eq3A_6 = arith.cmpf oeq, %get3A_1, %eq3A : vector<64x4096xf32>
    %jit3A = arith.constant 1073741824 : i32
    %broadcast_in_dim3A_7 = vector.broadcast %jit3A : i32 to vector<64x4096xi32>
    %select_n3A = arith.select %eq3A_6, %iota3A, %broadcast_in_dim3A_7 : vector<64x4096xi1>, vector<64x4096xi32>
    %reduce_min3A = arith.constant dense<2147483647> : vector<64xi32>
    %reduce_min3A_8 = vector.multi_reduction <minsi>, %select_n3A, %reduce_min3A [1] : vector<64x4096xi32> to vector<64xi32>
    %broadcast_in_dim3A_9 = vector.shape_cast %reduce_min3A_8 : vector<64xi32> to vector<64x1xi32>
    %eq3A_10 = vector.broadcast %broadcast_in_dim3A_9 : vector<64x1xi32> to vector<64x4096xi32>
    %eq3A_11 = arith.cmpi eq, %iota3A, %eq3A_10 : vector<64x4096xi32>
    %jit3A_12 = arith.constant 0 : i32
    %broadcast_in_dim3A_13 = vector.broadcast %jit3A_12 : i32 to vector<64x4096xi32>
    %select_n3A_14 = arith.select %eq3A_11, %get3A_4, %broadcast_in_dim3A_13 : vector<64x4096xi1>, vector<64x4096xi32>
    %reduce_sum3A = arith.constant dense<0> : vector<64xi32>
    %reduce_sum3A_15 = vector.multi_reduction <add>, %select_n3A_14, %reduce_sum3A [1] : vector<64x4096xi32> to vector<64xi32>
    %broadcast_in_dim3A_16 = vector.shape_cast %reduce_sum3A_15 : vector<64xi32> to vector<64x1xi32>
    %jit3A_17 = arith.constant -1.000000e+30 : f32
    %broadcast_in_dim3A_18 = vector.broadcast %jit3A_17 : f32 to vector<64x4096xf32>
    %select_n3A_19 = arith.select %eq3A_11, %broadcast_in_dim3A_18, %get3A_1 : vector<64x4096xi1>, vector<64x4096xf32>
    %reduce_max3A_20 = arith.constant dense<0xFF800000> : vector<64xf32>
    %reduce_max3A_21 = vector.multi_reduction <maximumf>, %select_n3A_19, %reduce_max3A_20 [1] : vector<64x4096xf32> to vector<64xf32>
    %broadcast_in_dim3A_22 = vector.shape_cast %reduce_max3A_21 : vector<64xf32> to vector<64x1xf32>
    %eq3A_23 = vector.broadcast %broadcast_in_dim3A_22 : vector<64x1xf32> to vector<64x4096xf32>
    %eq3A_24 = arith.cmpf oeq, %select_n3A_19, %eq3A_23 : vector<64x4096xf32>
    %jit3A_25 = arith.constant 1073741824 : i32
    %broadcast_in_dim3A_26 = vector.broadcast %jit3A_25 : i32 to vector<64x4096xi32>
    %select_n3A_27 = arith.select %eq3A_24, %iota3A, %broadcast_in_dim3A_26 : vector<64x4096xi1>, vector<64x4096xi32>
    %reduce_min3A_28 = arith.constant dense<2147483647> : vector<64xi32>
    %reduce_min3A_29 = vector.multi_reduction <minsi>, %select_n3A_27, %reduce_min3A_28 [1] : vector<64x4096xi32> to vector<64xi32>
    %broadcast_in_dim3A_30 = vector.shape_cast %reduce_min3A_29 : vector<64xi32> to vector<64x1xi32>
    %eq3A_31 = vector.broadcast %broadcast_in_dim3A_30 : vector<64x1xi32> to vector<64x4096xi32>
    %eq3A_32 = arith.cmpi eq, %iota3A, %eq3A_31 : vector<64x4096xi32>
    %jit3A_33 = arith.constant 0 : i32
    %broadcast_in_dim3A_34 = vector.broadcast %jit3A_33 : i32 to vector<64x4096xi32>
    %select_n3A_35 = arith.select %eq3A_32, %get3A_4, %broadcast_in_dim3A_34 : vector<64x4096xi1>, vector<64x4096xi32>
    %reduce_sum3A_36 = arith.constant dense<0> : vector<64xi32>
    %reduce_sum3A_37 = vector.multi_reduction <add>, %select_n3A_35, %reduce_sum3A_36 [1] : vector<64x4096xi32> to vector<64xi32>
    %broadcast_in_dim3A_38 = vector.shape_cast %reduce_sum3A_37 : vector<64xi32> to vector<64x1xi32>
    %jit3A_39 = arith.constant -1.000000e+30 : f32
    %broadcast_in_dim3A_40 = vector.broadcast %jit3A_39 : f32 to vector<64x4096xf32>
    %select_n3A_41 = arith.select %eq3A_32, %broadcast_in_dim3A_40, %select_n3A_19 : vector<64x4096xi1>, vector<64x4096xf32>
    %reduce_max3A_42 = arith.constant dense<0xFF800000> : vector<64xf32>
    %reduce_max3A_43 = vector.multi_reduction <maximumf>, %select_n3A_41, %reduce_max3A_42 [1] : vector<64x4096xf32> to vector<64xf32>
    %broadcast_in_dim3A_44 = vector.shape_cast %reduce_max3A_43 : vector<64xf32> to vector<64x1xf32>
    %eq3A_45 = vector.broadcast %broadcast_in_dim3A_44 : vector<64x1xf32> to vector<64x4096xf32>
    %eq3A_46 = arith.cmpf oeq, %select_n3A_41, %eq3A_45 : vector<64x4096xf32>
    %jit3A_47 = arith.constant 1073741824 : i32
    %broadcast_in_dim3A_48 = vector.broadcast %jit3A_47 : i32 to vector<64x4096xi32>
    %select_n3A_49 = arith.select %eq3A_46, %iota3A, %broadcast_in_dim3A_48 : vector<64x4096xi1>, vector<64x4096xi32>
    %reduce_min3A_50 = arith.constant dense<2147483647> : vector<64xi32>
    %reduce_min3A_51 = vector.multi_reduction <minsi>, %select_n3A_49, %reduce_min3A_50 [1] : vector<64x4096xi32> to vector<64xi32>
    %broadcast_in_dim3A_52 = vector.shape_cast %reduce_min3A_51 : vector<64xi32> to vector<64x1xi32>
    %eq3A_53 = vector.broadcast %broadcast_in_dim3A_52 : vector<64x1xi32> to vector<64x4096xi32>
    %eq3A_54 = arith.cmpi eq, %iota3A, %eq3A_53 : vector<64x4096xi32>
    %jit3A_55 = arith.constant 0 : i32
    %broadcast_in_dim3A_56 = vector.broadcast %jit3A_55 : i32 to vector<64x4096xi32>
    %select_n3A_57 = arith.select %eq3A_54, %get3A_4, %broadcast_in_dim3A_56 : vector<64x4096xi1>, vector<64x4096xi32>
    %reduce_sum3A_58 = arith.constant dense<0> : vector<64xi32>
    %reduce_sum3A_59 = vector.multi_reduction <add>, %select_n3A_57, %reduce_sum3A_58 [1] : vector<64x4096xi32> to vector<64xi32>
    %broadcast_in_dim3A_60 = vector.shape_cast %reduce_sum3A_59 : vector<64xi32> to vector<64x1xi32>
    %jit3A_61 = arith.constant -1.000000e+30 : f32
    %broadcast_in_dim3A_62 = vector.broadcast %jit3A_61 : f32 to vector<64x4096xf32>
    %select_n3A_63 = arith.select %eq3A_54, %broadcast_in_dim3A_62, %select_n3A_41 : vector<64x4096xi1>, vector<64x4096xf32>
    %reduce_max3A_64 = arith.constant dense<0xFF800000> : vector<64xf32>
    %reduce_max3A_65 = vector.multi_reduction <maximumf>, %select_n3A_63, %reduce_max3A_64 [1] : vector<64x4096xf32> to vector<64xf32>
    %broadcast_in_dim3A_66 = vector.shape_cast %reduce_max3A_65 : vector<64xf32> to vector<64x1xf32>
    %eq3A_67 = vector.broadcast %broadcast_in_dim3A_66 : vector<64x1xf32> to vector<64x4096xf32>
    %eq3A_68 = arith.cmpf oeq, %select_n3A_63, %eq3A_67 : vector<64x4096xf32>
    %jit3A_69 = arith.constant 1073741824 : i32
    %broadcast_in_dim3A_70 = vector.broadcast %jit3A_69 : i32 to vector<64x4096xi32>
    %select_n3A_71 = arith.select %eq3A_68, %iota3A, %broadcast_in_dim3A_70 : vector<64x4096xi1>, vector<64x4096xi32>
    %reduce_min3A_72 = arith.constant dense<2147483647> : vector<64xi32>
    %reduce_min3A_73 = vector.multi_reduction <minsi>, %select_n3A_71, %reduce_min3A_72 [1] : vector<64x4096xi32> to vector<64xi32>
    %broadcast_in_dim3A_74 = vector.shape_cast %reduce_min3A_73 : vector<64xi32> to vector<64x1xi32>
    %eq3A_75 = vector.broadcast %broadcast_in_dim3A_74 : vector<64x1xi32> to vector<64x4096xi32>
    %eq3A_76 = arith.cmpi eq, %iota3A, %eq3A_75 : vector<64x4096xi32>
    %jit3A_77 = arith.constant 0 : i32
    %broadcast_in_dim3A_78 = vector.broadcast %jit3A_77 : i32 to vector<64x4096xi32>
    %select_n3A_79 = arith.select %eq3A_76, %get3A_4, %broadcast_in_dim3A_78 : vector<64x4096xi1>, vector<64x4096xi32>
    %reduce_sum3A_80 = arith.constant dense<0> : vector<64xi32>
    %reduce_sum3A_81 = vector.multi_reduction <add>, %select_n3A_79, %reduce_sum3A_80 [1] : vector<64x4096xi32> to vector<64xi32>
    %broadcast_in_dim3A_82 = vector.shape_cast %reduce_sum3A_81 : vector<64xi32> to vector<64x1xi32>
    %jit3A_83 = arith.constant -1.000000e+30 : f32
    %broadcast_in_dim3A_84 = vector.broadcast %jit3A_83 : f32 to vector<64x4096xf32>
    %select_n3A_85 = arith.select %eq3A_76, %broadcast_in_dim3A_84, %select_n3A_63 : vector<64x4096xi1>, vector<64x4096xf32>
    %reduce_max3A_86 = arith.constant dense<0xFF800000> : vector<64xf32>
    %reduce_max3A_87 = vector.multi_reduction <maximumf>, %select_n3A_85, %reduce_max3A_86 [1] : vector<64x4096xf32> to vector<64xf32>
    %broadcast_in_dim3A_88 = vector.shape_cast %reduce_max3A_87 : vector<64xf32> to vector<64x1xf32>
    %eq3A_89 = vector.broadcast %broadcast_in_dim3A_88 : vector<64x1xf32> to vector<64x4096xf32>
    %eq3A_90 = arith.cmpf oeq, %select_n3A_85, %eq3A_89 : vector<64x4096xf32>
    %jit3A_91 = arith.constant 1073741824 : i32
    %broadcast_in_dim3A_92 = vector.broadcast %jit3A_91 : i32 to vector<64x4096xi32>
    %select_n3A_93 = arith.select %eq3A_90, %iota3A, %broadcast_in_dim3A_92 : vector<64x4096xi1>, vector<64x4096xi32>
    %reduce_min3A_94 = arith.constant dense<2147483647> : vector<64xi32>
    %reduce_min3A_95 = vector.multi_reduction <minsi>, %select_n3A_93, %reduce_min3A_94 [1] : vector<64x4096xi32> to vector<64xi32>
    %broadcast_in_dim3A_96 = vector.shape_cast %reduce_min3A_95 : vector<64xi32> to vector<64x1xi32>
    %eq3A_97 = vector.broadcast %broadcast_in_dim3A_96 : vector<64x1xi32> to vector<64x4096xi32>
    %eq3A_98 = arith.cmpi eq, %iota3A, %eq3A_97 : vector<64x4096xi32>
    %jit3A_99 = arith.constant 0 : i32
    %broadcast_in_dim3A_100 = vector.broadcast %jit3A_99 : i32 to vector<64x4096xi32>
    %select_n3A_101 = arith.select %eq3A_98, %get3A_4, %broadcast_in_dim3A_100 : vector<64x4096xi1>, vector<64x4096xi32>
    %reduce_sum3A_102 = arith.constant dense<0> : vector<64xi32>
    %reduce_sum3A_103 = vector.multi_reduction <add>, %select_n3A_101, %reduce_sum3A_102 [1] : vector<64x4096xi32> to vector<64xi32>
    %broadcast_in_dim3A_104 = vector.shape_cast %reduce_sum3A_103 : vector<64xi32> to vector<64x1xi32>
    %jit3A_105 = arith.constant -1.000000e+30 : f32
    %broadcast_in_dim3A_106 = vector.broadcast %jit3A_105 : f32 to vector<64x4096xf32>
    %select_n3A_107 = arith.select %eq3A_98, %broadcast_in_dim3A_106, %select_n3A_85 : vector<64x4096xi1>, vector<64x4096xf32>
    %reduce_max3A_108 = arith.constant dense<0xFF800000> : vector<64xf32>
    %reduce_max3A_109 = vector.multi_reduction <maximumf>, %select_n3A_107, %reduce_max3A_108 [1] : vector<64x4096xf32> to vector<64xf32>
    %broadcast_in_dim3A_110 = vector.shape_cast %reduce_max3A_109 : vector<64xf32> to vector<64x1xf32>
    %eq3A_111 = vector.broadcast %broadcast_in_dim3A_110 : vector<64x1xf32> to vector<64x4096xf32>
    %eq3A_112 = arith.cmpf oeq, %select_n3A_107, %eq3A_111 : vector<64x4096xf32>
    %jit3A_113 = arith.constant 1073741824 : i32
    %broadcast_in_dim3A_114 = vector.broadcast %jit3A_113 : i32 to vector<64x4096xi32>
    %select_n3A_115 = arith.select %eq3A_112, %iota3A, %broadcast_in_dim3A_114 : vector<64x4096xi1>, vector<64x4096xi32>
    %reduce_min3A_116 = arith.constant dense<2147483647> : vector<64xi32>
    %reduce_min3A_117 = vector.multi_reduction <minsi>, %select_n3A_115, %reduce_min3A_116 [1] : vector<64x4096xi32> to vector<64xi32>
    %broadcast_in_dim3A_118 = vector.shape_cast %reduce_min3A_117 : vector<64xi32> to vector<64x1xi32>
    %eq3A_119 = vector.broadcast %broadcast_in_dim3A_118 : vector<64x1xi32> to vector<64x4096xi32>
    %eq3A_120 = arith.cmpi eq, %iota3A, %eq3A_119 : vector<64x4096xi32>
    %jit3A_121 = arith.constant 0 : i32
    %broadcast_in_dim3A_122 = vector.broadcast %jit3A_121 : i32 to vector<64x4096xi32>
    %select_n3A_123 = arith.select %eq3A_120, %get3A_4, %broadcast_in_dim3A_122 : vector<64x4096xi1>, vector<64x4096xi32>
    %reduce_sum3A_124 = arith.constant dense<0> : vector<64xi32>
    %reduce_sum3A_125 = vector.multi_reduction <add>, %select_n3A_123, %reduce_sum3A_124 [1] : vector<64x4096xi32> to vector<64xi32>
    %broadcast_in_dim3A_126 = vector.shape_cast %reduce_sum3A_125 : vector<64xi32> to vector<64x1xi32>
    %jit3A_127 = arith.constant -1.000000e+30 : f32
    %broadcast_in_dim3A_128 = vector.broadcast %jit3A_127 : f32 to vector<64x4096xf32>
    %select_n3A_129 = arith.select %eq3A_120, %broadcast_in_dim3A_128, %select_n3A_107 : vector<64x4096xi1>, vector<64x4096xf32>
    %reduce_max3A_130 = arith.constant dense<0xFF800000> : vector<64xf32>
    %reduce_max3A_131 = vector.multi_reduction <maximumf>, %select_n3A_129, %reduce_max3A_130 [1] : vector<64x4096xf32> to vector<64xf32>
    %broadcast_in_dim3A_132 = vector.shape_cast %reduce_max3A_131 : vector<64xf32> to vector<64x1xf32>
    %eq3A_133 = vector.broadcast %broadcast_in_dim3A_132 : vector<64x1xf32> to vector<64x4096xf32>
    %eq3A_134 = arith.cmpf oeq, %select_n3A_129, %eq3A_133 : vector<64x4096xf32>
    %jit3A_135 = arith.constant 1073741824 : i32
    %broadcast_in_dim3A_136 = vector.broadcast %jit3A_135 : i32 to vector<64x4096xi32>
    %select_n3A_137 = arith.select %eq3A_134, %iota3A, %broadcast_in_dim3A_136 : vector<64x4096xi1>, vector<64x4096xi32>
    %reduce_min3A_138 = arith.constant dense<2147483647> : vector<64xi32>
    %reduce_min3A_139 = vector.multi_reduction <minsi>, %select_n3A_137, %reduce_min3A_138 [1] : vector<64x4096xi32> to vector<64xi32>
    %broadcast_in_dim3A_140 = vector.shape_cast %reduce_min3A_139 : vector<64xi32> to vector<64x1xi32>
    %eq3A_141 = vector.broadcast %broadcast_in_dim3A_140 : vector<64x1xi32> to vector<64x4096xi32>
    %eq3A_142 = arith.cmpi eq, %iota3A, %eq3A_141 : vector<64x4096xi32>
    %jit3A_143 = arith.constant 0 : i32
    %broadcast_in_dim3A_144 = vector.broadcast %jit3A_143 : i32 to vector<64x4096xi32>
    %select_n3A_145 = arith.select %eq3A_142, %get3A_4, %broadcast_in_dim3A_144 : vector<64x4096xi1>, vector<64x4096xi32>
    %reduce_sum3A_146 = arith.constant dense<0> : vector<64xi32>
    %reduce_sum3A_147 = vector.multi_reduction <add>, %select_n3A_145, %reduce_sum3A_146 [1] : vector<64x4096xi32> to vector<64xi32>
    %broadcast_in_dim3A_148 = vector.shape_cast %reduce_sum3A_147 : vector<64xi32> to vector<64x1xi32>
    %jit3A_149 = arith.constant -1.000000e+30 : f32
    %broadcast_in_dim3A_150 = vector.broadcast %jit3A_149 : f32 to vector<64x4096xf32>
    %select_n3A_151 = arith.select %eq3A_142, %broadcast_in_dim3A_150, %select_n3A_129 : vector<64x4096xi1>, vector<64x4096xf32>
    %reduce_max3A_152 = arith.constant dense<0xFF800000> : vector<64xf32>
    %reduce_max3A_153 = vector.multi_reduction <maximumf>, %select_n3A_151, %reduce_max3A_152 [1] : vector<64x4096xf32> to vector<64xf32>
    %broadcast_in_dim3A_154 = vector.shape_cast %reduce_max3A_153 : vector<64xf32> to vector<64x1xf32>
    %eq3A_155 = vector.broadcast %broadcast_in_dim3A_154 : vector<64x1xf32> to vector<64x4096xf32>
    %eq3A_156 = arith.cmpf oeq, %select_n3A_151, %eq3A_155 : vector<64x4096xf32>
    %jit3A_157 = arith.constant 1073741824 : i32
    %broadcast_in_dim3A_158 = vector.broadcast %jit3A_157 : i32 to vector<64x4096xi32>
    %select_n3A_159 = arith.select %eq3A_156, %iota3A, %broadcast_in_dim3A_158 : vector<64x4096xi1>, vector<64x4096xi32>
    %reduce_min3A_160 = arith.constant dense<2147483647> : vector<64xi32>
    %reduce_min3A_161 = vector.multi_reduction <minsi>, %select_n3A_159, %reduce_min3A_160 [1] : vector<64x4096xi32> to vector<64xi32>
    %broadcast_in_dim3A_162 = vector.shape_cast %reduce_min3A_161 : vector<64xi32> to vector<64x1xi32>
    %eq3A_163 = vector.broadcast %broadcast_in_dim3A_162 : vector<64x1xi32> to vector<64x4096xi32>
    %eq3A_164 = arith.cmpi eq, %iota3A, %eq3A_163 : vector<64x4096xi32>
    %jit3A_165 = arith.constant 0 : i32
    %broadcast_in_dim3A_166 = vector.broadcast %jit3A_165 : i32 to vector<64x4096xi32>
    %select_n3A_167 = arith.select %eq3A_164, %get3A_4, %broadcast_in_dim3A_166 : vector<64x4096xi1>, vector<64x4096xi32>
    %reduce_sum3A_168 = arith.constant dense<0> : vector<64xi32>
    %reduce_sum3A_169 = vector.multi_reduction <add>, %select_n3A_167, %reduce_sum3A_168 [1] : vector<64x4096xi32> to vector<64xi32>
    %broadcast_in_dim3A_170 = vector.shape_cast %reduce_sum3A_169 : vector<64xi32> to vector<64x1xi32>
    %jit3A_171 = arith.constant -1.000000e+30 : f32
    %broadcast_in_dim3A_172 = vector.broadcast %jit3A_171 : f32 to vector<64x4096xf32>
    %select_n3A_173 = arith.select %eq3A_164, %broadcast_in_dim3A_172, %select_n3A_151 : vector<64x4096xi1>, vector<64x4096xf32>
    %reduce_max3A_174 = arith.constant dense<0xFF800000> : vector<64xf32>
    %reduce_max3A_175 = vector.multi_reduction <maximumf>, %select_n3A_173, %reduce_max3A_174 [1] : vector<64x4096xf32> to vector<64xf32>
    %broadcast_in_dim3A_176 = vector.shape_cast %reduce_max3A_175 : vector<64xf32> to vector<64x1xf32>
    %eq3A_177 = vector.broadcast %broadcast_in_dim3A_176 : vector<64x1xf32> to vector<64x4096xf32>
    %eq3A_178 = arith.cmpf oeq, %select_n3A_173, %eq3A_177 : vector<64x4096xf32>
    %jit3A_179 = arith.constant 1073741824 : i32
    %broadcast_in_dim3A_180 = vector.broadcast %jit3A_179 : i32 to vector<64x4096xi32>
    %select_n3A_181 = arith.select %eq3A_178, %iota3A, %broadcast_in_dim3A_180 : vector<64x4096xi1>, vector<64x4096xi32>
    %reduce_min3A_182 = arith.constant dense<2147483647> : vector<64xi32>
    %reduce_min3A_183 = vector.multi_reduction <minsi>, %select_n3A_181, %reduce_min3A_182 [1] : vector<64x4096xi32> to vector<64xi32>
    %broadcast_in_dim3A_184 = vector.shape_cast %reduce_min3A_183 : vector<64xi32> to vector<64x1xi32>
    %eq3A_185 = vector.broadcast %broadcast_in_dim3A_184 : vector<64x1xi32> to vector<64x4096xi32>
    %eq3A_186 = arith.cmpi eq, %iota3A, %eq3A_185 : vector<64x4096xi32>
    %jit3A_187 = arith.constant 0 : i32
    %broadcast_in_dim3A_188 = vector.broadcast %jit3A_187 : i32 to vector<64x4096xi32>
    %select_n3A_189 = arith.select %eq3A_186, %get3A_4, %broadcast_in_dim3A_188 : vector<64x4096xi1>, vector<64x4096xi32>
    %reduce_sum3A_190 = arith.constant dense<0> : vector<64xi32>
    %reduce_sum3A_191 = vector.multi_reduction <add>, %select_n3A_189, %reduce_sum3A_190 [1] : vector<64x4096xi32> to vector<64xi32>
    %broadcast_in_dim3A_192 = vector.shape_cast %reduce_sum3A_191 : vector<64xi32> to vector<64x1xi32>
    %jit3A_193 = arith.constant -1.000000e+30 : f32
    %broadcast_in_dim3A_194 = vector.broadcast %jit3A_193 : f32 to vector<64x4096xf32>
    %select_n3A_195 = arith.select %eq3A_186, %broadcast_in_dim3A_194, %select_n3A_173 : vector<64x4096xi1>, vector<64x4096xf32>
    %reduce_max3A_196 = arith.constant dense<0xFF800000> : vector<64xf32>
    %reduce_max3A_197 = vector.multi_reduction <maximumf>, %select_n3A_195, %reduce_max3A_196 [1] : vector<64x4096xf32> to vector<64xf32>
    %broadcast_in_dim3A_198 = vector.shape_cast %reduce_max3A_197 : vector<64xf32> to vector<64x1xf32>
    %eq3A_199 = vector.broadcast %broadcast_in_dim3A_198 : vector<64x1xf32> to vector<64x4096xf32>
    %eq3A_200 = arith.cmpf oeq, %select_n3A_195, %eq3A_199 : vector<64x4096xf32>
    %jit3A_201 = arith.constant 1073741824 : i32
    %broadcast_in_dim3A_202 = vector.broadcast %jit3A_201 : i32 to vector<64x4096xi32>
    %select_n3A_203 = arith.select %eq3A_200, %iota3A, %broadcast_in_dim3A_202 : vector<64x4096xi1>, vector<64x4096xi32>
    %reduce_min3A_204 = arith.constant dense<2147483647> : vector<64xi32>
    %reduce_min3A_205 = vector.multi_reduction <minsi>, %select_n3A_203, %reduce_min3A_204 [1] : vector<64x4096xi32> to vector<64xi32>
    %broadcast_in_dim3A_206 = vector.shape_cast %reduce_min3A_205 : vector<64xi32> to vector<64x1xi32>
    %eq3A_207 = vector.broadcast %broadcast_in_dim3A_206 : vector<64x1xi32> to vector<64x4096xi32>
    %eq3A_208 = arith.cmpi eq, %iota3A, %eq3A_207 : vector<64x4096xi32>
    %jit3A_209 = arith.constant 0 : i32
    %broadcast_in_dim3A_210 = vector.broadcast %jit3A_209 : i32 to vector<64x4096xi32>
    %select_n3A_211 = arith.select %eq3A_208, %get3A_4, %broadcast_in_dim3A_210 : vector<64x4096xi1>, vector<64x4096xi32>
    %reduce_sum3A_212 = arith.constant dense<0> : vector<64xi32>
    %reduce_sum3A_213 = vector.multi_reduction <add>, %select_n3A_211, %reduce_sum3A_212 [1] : vector<64x4096xi32> to vector<64xi32>
    %broadcast_in_dim3A_214 = vector.shape_cast %reduce_sum3A_213 : vector<64xi32> to vector<64x1xi32>
    %jit3A_215 = arith.constant -1.000000e+30 : f32
    %broadcast_in_dim3A_216 = vector.broadcast %jit3A_215 : f32 to vector<64x4096xf32>
    %select_n3A_217 = arith.select %eq3A_208, %broadcast_in_dim3A_216, %select_n3A_195 : vector<64x4096xi1>, vector<64x4096xf32>
    %reduce_max3A_218 = arith.constant dense<0xFF800000> : vector<64xf32>
    %reduce_max3A_219 = vector.multi_reduction <maximumf>, %select_n3A_217, %reduce_max3A_218 [1] : vector<64x4096xf32> to vector<64xf32>
    %broadcast_in_dim3A_220 = vector.shape_cast %reduce_max3A_219 : vector<64xf32> to vector<64x1xf32>
    %eq3A_221 = vector.broadcast %broadcast_in_dim3A_220 : vector<64x1xf32> to vector<64x4096xf32>
    %eq3A_222 = arith.cmpf oeq, %select_n3A_217, %eq3A_221 : vector<64x4096xf32>
    %jit3A_223 = arith.constant 1073741824 : i32
    %broadcast_in_dim3A_224 = vector.broadcast %jit3A_223 : i32 to vector<64x4096xi32>
    %select_n3A_225 = arith.select %eq3A_222, %iota3A, %broadcast_in_dim3A_224 : vector<64x4096xi1>, vector<64x4096xi32>
    %reduce_min3A_226 = arith.constant dense<2147483647> : vector<64xi32>
    %reduce_min3A_227 = vector.multi_reduction <minsi>, %select_n3A_225, %reduce_min3A_226 [1] : vector<64x4096xi32> to vector<64xi32>
    %broadcast_in_dim3A_228 = vector.shape_cast %reduce_min3A_227 : vector<64xi32> to vector<64x1xi32>
    %eq3A_229 = vector.broadcast %broadcast_in_dim3A_228 : vector<64x1xi32> to vector<64x4096xi32>
    %eq3A_230 = arith.cmpi eq, %iota3A, %eq3A_229 : vector<64x4096xi32>
    %jit3A_231 = arith.constant 0 : i32
    %broadcast_in_dim3A_232 = vector.broadcast %jit3A_231 : i32 to vector<64x4096xi32>
    %select_n3A_233 = arith.select %eq3A_230, %get3A_4, %broadcast_in_dim3A_232 : vector<64x4096xi1>, vector<64x4096xi32>
    %reduce_sum3A_234 = arith.constant dense<0> : vector<64xi32>
    %reduce_sum3A_235 = vector.multi_reduction <add>, %select_n3A_233, %reduce_sum3A_234 [1] : vector<64x4096xi32> to vector<64xi32>
    %broadcast_in_dim3A_236 = vector.shape_cast %reduce_sum3A_235 : vector<64xi32> to vector<64x1xi32>
    %jit3A_237 = arith.constant -1.000000e+30 : f32
    %broadcast_in_dim3A_238 = vector.broadcast %jit3A_237 : f32 to vector<64x4096xf32>
    %select_n3A_239 = arith.select %eq3A_230, %broadcast_in_dim3A_238, %select_n3A_217 : vector<64x4096xi1>, vector<64x4096xf32>
    %reduce_max3A_240 = arith.constant dense<0xFF800000> : vector<64xf32>
    %reduce_max3A_241 = vector.multi_reduction <maximumf>, %select_n3A_239, %reduce_max3A_240 [1] : vector<64x4096xf32> to vector<64xf32>
    %broadcast_in_dim3A_242 = vector.shape_cast %reduce_max3A_241 : vector<64xf32> to vector<64x1xf32>
    %eq3A_243 = vector.broadcast %broadcast_in_dim3A_242 : vector<64x1xf32> to vector<64x4096xf32>
    %eq3A_244 = arith.cmpf oeq, %select_n3A_239, %eq3A_243 : vector<64x4096xf32>
    %jit3A_245 = arith.constant 1073741824 : i32
    %broadcast_in_dim3A_246 = vector.broadcast %jit3A_245 : i32 to vector<64x4096xi32>
    %select_n3A_247 = arith.select %eq3A_244, %iota3A, %broadcast_in_dim3A_246 : vector<64x4096xi1>, vector<64x4096xi32>
    %reduce_min3A_248 = arith.constant dense<2147483647> : vector<64xi32>
    %reduce_min3A_249 = vector.multi_reduction <minsi>, %select_n3A_247, %reduce_min3A_248 [1] : vector<64x4096xi32> to vector<64xi32>
    %broadcast_in_dim3A_250 = vector.shape_cast %reduce_min3A_249 : vector<64xi32> to vector<64x1xi32>
    %eq3A_251 = vector.broadcast %broadcast_in_dim3A_250 : vector<64x1xi32> to vector<64x4096xi32>
    %eq3A_252 = arith.cmpi eq, %iota3A, %eq3A_251 : vector<64x4096xi32>
    %jit3A_253 = arith.constant 0 : i32
    %broadcast_in_dim3A_254 = vector.broadcast %jit3A_253 : i32 to vector<64x4096xi32>
    %select_n3A_255 = arith.select %eq3A_252, %get3A_4, %broadcast_in_dim3A_254 : vector<64x4096xi1>, vector<64x4096xi32>
    %reduce_sum3A_256 = arith.constant dense<0> : vector<64xi32>
    %reduce_sum3A_257 = vector.multi_reduction <add>, %select_n3A_255, %reduce_sum3A_256 [1] : vector<64x4096xi32> to vector<64xi32>
    %broadcast_in_dim3A_258 = vector.shape_cast %reduce_sum3A_257 : vector<64xi32> to vector<64x1xi32>
    %jit3A_259 = arith.constant -1.000000e+30 : f32
    %broadcast_in_dim3A_260 = vector.broadcast %jit3A_259 : f32 to vector<64x4096xf32>
    %select_n3A_261 = arith.select %eq3A_252, %broadcast_in_dim3A_260, %select_n3A_239 : vector<64x4096xi1>, vector<64x4096xf32>
    %reduce_max3A_262 = arith.constant dense<0xFF800000> : vector<64xf32>
    %reduce_max3A_263 = vector.multi_reduction <maximumf>, %select_n3A_261, %reduce_max3A_262 [1] : vector<64x4096xf32> to vector<64xf32>
    %broadcast_in_dim3A_264 = vector.shape_cast %reduce_max3A_263 : vector<64xf32> to vector<64x1xf32>
    %eq3A_265 = vector.broadcast %broadcast_in_dim3A_264 : vector<64x1xf32> to vector<64x4096xf32>
    %eq3A_266 = arith.cmpf oeq, %select_n3A_261, %eq3A_265 : vector<64x4096xf32>
    %jit3A_267 = arith.constant 1073741824 : i32
    %broadcast_in_dim3A_268 = vector.broadcast %jit3A_267 : i32 to vector<64x4096xi32>
    %select_n3A_269 = arith.select %eq3A_266, %iota3A, %broadcast_in_dim3A_268 : vector<64x4096xi1>, vector<64x4096xi32>
    %reduce_min3A_270 = arith.constant dense<2147483647> : vector<64xi32>
    %reduce_min3A_271 = vector.multi_reduction <minsi>, %select_n3A_269, %reduce_min3A_270 [1] : vector<64x4096xi32> to vector<64xi32>
    %broadcast_in_dim3A_272 = vector.shape_cast %reduce_min3A_271 : vector<64xi32> to vector<64x1xi32>
    %eq3A_273 = vector.broadcast %broadcast_in_dim3A_272 : vector<64x1xi32> to vector<64x4096xi32>
    %eq3A_274 = arith.cmpi eq, %iota3A, %eq3A_273 : vector<64x4096xi32>
    %jit3A_275 = arith.constant 0 : i32
    %broadcast_in_dim3A_276 = vector.broadcast %jit3A_275 : i32 to vector<64x4096xi32>
    %select_n3A_277 = arith.select %eq3A_274, %get3A_4, %broadcast_in_dim3A_276 : vector<64x4096xi1>, vector<64x4096xi32>
    %reduce_sum3A_278 = arith.constant dense<0> : vector<64xi32>
    %reduce_sum3A_279 = vector.multi_reduction <add>, %select_n3A_277, %reduce_sum3A_278 [1] : vector<64x4096xi32> to vector<64xi32>
    %broadcast_in_dim3A_280 = vector.shape_cast %reduce_sum3A_279 : vector<64xi32> to vector<64x1xi32>
    %jit3A_281 = arith.constant -1.000000e+30 : f32
    %broadcast_in_dim3A_282 = vector.broadcast %jit3A_281 : f32 to vector<64x4096xf32>
    %select_n3A_283 = arith.select %eq3A_274, %broadcast_in_dim3A_282, %select_n3A_261 : vector<64x4096xi1>, vector<64x4096xf32>
    %reduce_max3A_284 = arith.constant dense<0xFF800000> : vector<64xf32>
    %reduce_max3A_285 = vector.multi_reduction <maximumf>, %select_n3A_283, %reduce_max3A_284 [1] : vector<64x4096xf32> to vector<64xf32>
    %broadcast_in_dim3A_286 = vector.shape_cast %reduce_max3A_285 : vector<64xf32> to vector<64x1xf32>
    %eq3A_287 = vector.broadcast %broadcast_in_dim3A_286 : vector<64x1xf32> to vector<64x4096xf32>
    %eq3A_288 = arith.cmpf oeq, %select_n3A_283, %eq3A_287 : vector<64x4096xf32>
    %jit3A_289 = arith.constant 1073741824 : i32
    %broadcast_in_dim3A_290 = vector.broadcast %jit3A_289 : i32 to vector<64x4096xi32>
    %select_n3A_291 = arith.select %eq3A_288, %iota3A, %broadcast_in_dim3A_290 : vector<64x4096xi1>, vector<64x4096xi32>
    %reduce_min3A_292 = arith.constant dense<2147483647> : vector<64xi32>
    %reduce_min3A_293 = vector.multi_reduction <minsi>, %select_n3A_291, %reduce_min3A_292 [1] : vector<64x4096xi32> to vector<64xi32>
    %broadcast_in_dim3A_294 = vector.shape_cast %reduce_min3A_293 : vector<64xi32> to vector<64x1xi32>
    %eq3A_295 = vector.broadcast %broadcast_in_dim3A_294 : vector<64x1xi32> to vector<64x4096xi32>
    %eq3A_296 = arith.cmpi eq, %iota3A, %eq3A_295 : vector<64x4096xi32>
    %jit3A_297 = arith.constant 0 : i32
    %broadcast_in_dim3A_298 = vector.broadcast %jit3A_297 : i32 to vector<64x4096xi32>
    %select_n3A_299 = arith.select %eq3A_296, %get3A_4, %broadcast_in_dim3A_298 : vector<64x4096xi1>, vector<64x4096xi32>
    %reduce_sum3A_300 = arith.constant dense<0> : vector<64xi32>
    %reduce_sum3A_301 = vector.multi_reduction <add>, %select_n3A_299, %reduce_sum3A_300 [1] : vector<64x4096xi32> to vector<64xi32>
    %broadcast_in_dim3A_302 = vector.shape_cast %reduce_sum3A_301 : vector<64xi32> to vector<64x1xi32>
    %jit3A_303 = arith.constant -1.000000e+30 : f32
    %broadcast_in_dim3A_304 = vector.broadcast %jit3A_303 : f32 to vector<64x4096xf32>
    %select_n3A_305 = arith.select %eq3A_296, %broadcast_in_dim3A_304, %select_n3A_283 : vector<64x4096xi1>, vector<64x4096xf32>
    %reduce_max3A_306 = arith.constant dense<0xFF800000> : vector<64xf32>
    %reduce_max3A_307 = vector.multi_reduction <maximumf>, %select_n3A_305, %reduce_max3A_306 [1] : vector<64x4096xf32> to vector<64xf32>
    %broadcast_in_dim3A_308 = vector.shape_cast %reduce_max3A_307 : vector<64xf32> to vector<64x1xf32>
    %eq3A_309 = vector.broadcast %broadcast_in_dim3A_308 : vector<64x1xf32> to vector<64x4096xf32>
    %eq3A_310 = arith.cmpf oeq, %select_n3A_305, %eq3A_309 : vector<64x4096xf32>
    %jit3A_311 = arith.constant 1073741824 : i32
    %broadcast_in_dim3A_312 = vector.broadcast %jit3A_311 : i32 to vector<64x4096xi32>
    %select_n3A_313 = arith.select %eq3A_310, %iota3A, %broadcast_in_dim3A_312 : vector<64x4096xi1>, vector<64x4096xi32>
    %reduce_min3A_314 = arith.constant dense<2147483647> : vector<64xi32>
    %reduce_min3A_315 = vector.multi_reduction <minsi>, %select_n3A_313, %reduce_min3A_314 [1] : vector<64x4096xi32> to vector<64xi32>
    %broadcast_in_dim3A_316 = vector.shape_cast %reduce_min3A_315 : vector<64xi32> to vector<64x1xi32>
    %eq3A_317 = vector.broadcast %broadcast_in_dim3A_316 : vector<64x1xi32> to vector<64x4096xi32>
    %eq3A_318 = arith.cmpi eq, %iota3A, %eq3A_317 : vector<64x4096xi32>
    %jit3A_319 = arith.constant 0 : i32
    %broadcast_in_dim3A_320 = vector.broadcast %jit3A_319 : i32 to vector<64x4096xi32>
    %select_n3A_321 = arith.select %eq3A_318, %get3A_4, %broadcast_in_dim3A_320 : vector<64x4096xi1>, vector<64x4096xi32>
    %reduce_sum3A_322 = arith.constant dense<0> : vector<64xi32>
    %reduce_sum3A_323 = vector.multi_reduction <add>, %select_n3A_321, %reduce_sum3A_322 [1] : vector<64x4096xi32> to vector<64xi32>
    %broadcast_in_dim3A_324 = vector.shape_cast %reduce_sum3A_323 : vector<64xi32> to vector<64x1xi32>
    %jit3A_325 = arith.constant -1.000000e+30 : f32
    %broadcast_in_dim3A_326 = vector.broadcast %jit3A_325 : f32 to vector<64x4096xf32>
    %select_n3A_327 = arith.select %eq3A_318, %broadcast_in_dim3A_326, %select_n3A_305 : vector<64x4096xi1>, vector<64x4096xf32>
    %reduce_max3A_328 = arith.constant dense<0xFF800000> : vector<64xf32>
    %reduce_max3A_329 = vector.multi_reduction <maximumf>, %select_n3A_327, %reduce_max3A_328 [1] : vector<64x4096xf32> to vector<64xf32>
    %broadcast_in_dim3A_330 = vector.shape_cast %reduce_max3A_329 : vector<64xf32> to vector<64x1xf32>
    %eq3A_331 = vector.broadcast %broadcast_in_dim3A_330 : vector<64x1xf32> to vector<64x4096xf32>
    %eq3A_332 = arith.cmpf oeq, %select_n3A_327, %eq3A_331 : vector<64x4096xf32>
    %jit3A_333 = arith.constant 1073741824 : i32
    %broadcast_in_dim3A_334 = vector.broadcast %jit3A_333 : i32 to vector<64x4096xi32>
    %select_n3A_335 = arith.select %eq3A_332, %iota3A, %broadcast_in_dim3A_334 : vector<64x4096xi1>, vector<64x4096xi32>
    %reduce_min3A_336 = arith.constant dense<2147483647> : vector<64xi32>
    %reduce_min3A_337 = vector.multi_reduction <minsi>, %select_n3A_335, %reduce_min3A_336 [1] : vector<64x4096xi32> to vector<64xi32>
    %broadcast_in_dim3A_338 = vector.shape_cast %reduce_min3A_337 : vector<64xi32> to vector<64x1xi32>
    %eq3A_339 = vector.broadcast %broadcast_in_dim3A_338 : vector<64x1xi32> to vector<64x4096xi32>
    %eq3A_340 = arith.cmpi eq, %iota3A, %eq3A_339 : vector<64x4096xi32>
    %jit3A_341 = arith.constant 0 : i32
    %broadcast_in_dim3A_342 = vector.broadcast %jit3A_341 : i32 to vector<64x4096xi32>
    %select_n3A_343 = arith.select %eq3A_340, %get3A_4, %broadcast_in_dim3A_342 : vector<64x4096xi1>, vector<64x4096xi32>
    %reduce_sum3A_344 = arith.constant dense<0> : vector<64xi32>
    %reduce_sum3A_345 = vector.multi_reduction <add>, %select_n3A_343, %reduce_sum3A_344 [1] : vector<64x4096xi32> to vector<64xi32>
    %broadcast_in_dim3A_346 = vector.shape_cast %reduce_sum3A_345 : vector<64xi32> to vector<64x1xi32>
    %jit3A_347 = arith.constant -1.000000e+30 : f32
    %broadcast_in_dim3A_348 = vector.broadcast %jit3A_347 : f32 to vector<64x4096xf32>
    %select_n3A_349 = arith.select %eq3A_340, %broadcast_in_dim3A_348, %select_n3A_327 : vector<64x4096xi1>, vector<64x4096xf32>
    %reduce_max3A_350 = arith.constant dense<0xFF800000> : vector<64xf32>
    %reduce_max3A_351 = vector.multi_reduction <maximumf>, %select_n3A_349, %reduce_max3A_350 [1] : vector<64x4096xf32> to vector<64xf32>
    %broadcast_in_dim3A_352 = vector.shape_cast %reduce_max3A_351 : vector<64xf32> to vector<64x1xf32>
    %eq3A_353 = vector.broadcast %broadcast_in_dim3A_352 : vector<64x1xf32> to vector<64x4096xf32>
    %eq3A_354 = arith.cmpf oeq, %select_n3A_349, %eq3A_353 : vector<64x4096xf32>
    %jit3A_355 = arith.constant 1073741824 : i32
    %broadcast_in_dim3A_356 = vector.broadcast %jit3A_355 : i32 to vector<64x4096xi32>
    %select_n3A_357 = arith.select %eq3A_354, %iota3A, %broadcast_in_dim3A_356 : vector<64x4096xi1>, vector<64x4096xi32>
    %reduce_min3A_358 = arith.constant dense<2147483647> : vector<64xi32>
    %reduce_min3A_359 = vector.multi_reduction <minsi>, %select_n3A_357, %reduce_min3A_358 [1] : vector<64x4096xi32> to vector<64xi32>
    %broadcast_in_dim3A_360 = vector.shape_cast %reduce_min3A_359 : vector<64xi32> to vector<64x1xi32>
    %eq3A_361 = vector.broadcast %broadcast_in_dim3A_360 : vector<64x1xi32> to vector<64x4096xi32>
    %eq3A_362 = arith.cmpi eq, %iota3A, %eq3A_361 : vector<64x4096xi32>
    %jit3A_363 = arith.constant 0 : i32
    %broadcast_in_dim3A_364 = vector.broadcast %jit3A_363 : i32 to vector<64x4096xi32>
    %select_n3A_365 = arith.select %eq3A_362, %get3A_4, %broadcast_in_dim3A_364 : vector<64x4096xi1>, vector<64x4096xi32>
    %reduce_sum3A_366 = arith.constant dense<0> : vector<64xi32>
    %reduce_sum3A_367 = vector.multi_reduction <add>, %select_n3A_365, %reduce_sum3A_366 [1] : vector<64x4096xi32> to vector<64xi32>
    %broadcast_in_dim3A_368 = vector.shape_cast %reduce_sum3A_367 : vector<64xi32> to vector<64x1xi32>
    %jit3A_369 = arith.constant -1.000000e+30 : f32
    %broadcast_in_dim3A_370 = vector.broadcast %jit3A_369 : f32 to vector<64x4096xf32>
    %select_n3A_371 = arith.select %eq3A_362, %broadcast_in_dim3A_370, %select_n3A_349 : vector<64x4096xi1>, vector<64x4096xf32>
    %reduce_max3A_372 = arith.constant dense<0xFF800000> : vector<64xf32>
    %reduce_max3A_373 = vector.multi_reduction <maximumf>, %select_n3A_371, %reduce_max3A_372 [1] : vector<64x4096xf32> to vector<64xf32>
    %broadcast_in_dim3A_374 = vector.shape_cast %reduce_max3A_373 : vector<64xf32> to vector<64x1xf32>
    %eq3A_375 = vector.broadcast %broadcast_in_dim3A_374 : vector<64x1xf32> to vector<64x4096xf32>
    %eq3A_376 = arith.cmpf oeq, %select_n3A_371, %eq3A_375 : vector<64x4096xf32>
    %jit3A_377 = arith.constant 1073741824 : i32
    %broadcast_in_dim3A_378 = vector.broadcast %jit3A_377 : i32 to vector<64x4096xi32>
    %select_n3A_379 = arith.select %eq3A_376, %iota3A, %broadcast_in_dim3A_378 : vector<64x4096xi1>, vector<64x4096xi32>
    %reduce_min3A_380 = arith.constant dense<2147483647> : vector<64xi32>
    %reduce_min3A_381 = vector.multi_reduction <minsi>, %select_n3A_379, %reduce_min3A_380 [1] : vector<64x4096xi32> to vector<64xi32>
    %broadcast_in_dim3A_382 = vector.shape_cast %reduce_min3A_381 : vector<64xi32> to vector<64x1xi32>
    %eq3A_383 = vector.broadcast %broadcast_in_dim3A_382 : vector<64x1xi32> to vector<64x4096xi32>
    %eq3A_384 = arith.cmpi eq, %iota3A, %eq3A_383 : vector<64x4096xi32>
    %jit3A_385 = arith.constant 0 : i32
    %broadcast_in_dim3A_386 = vector.broadcast %jit3A_385 : i32 to vector<64x4096xi32>
    %select_n3A_387 = arith.select %eq3A_384, %get3A_4, %broadcast_in_dim3A_386 : vector<64x4096xi1>, vector<64x4096xi32>
    %reduce_sum3A_388 = arith.constant dense<0> : vector<64xi32>
    %reduce_sum3A_389 = vector.multi_reduction <add>, %select_n3A_387, %reduce_sum3A_388 [1] : vector<64x4096xi32> to vector<64xi32>
    %broadcast_in_dim3A_390 = vector.shape_cast %reduce_sum3A_389 : vector<64xi32> to vector<64x1xi32>
    %jit3A_391 = arith.constant -1.000000e+30 : f32
    %broadcast_in_dim3A_392 = vector.broadcast %jit3A_391 : f32 to vector<64x4096xf32>
    %select_n3A_393 = arith.select %eq3A_384, %broadcast_in_dim3A_392, %select_n3A_371 : vector<64x4096xi1>, vector<64x4096xf32>
    %reduce_max3A_394 = arith.constant dense<0xFF800000> : vector<64xf32>
    %reduce_max3A_395 = vector.multi_reduction <maximumf>, %select_n3A_393, %reduce_max3A_394 [1] : vector<64x4096xf32> to vector<64xf32>
    %broadcast_in_dim3A_396 = vector.shape_cast %reduce_max3A_395 : vector<64xf32> to vector<64x1xf32>
    %eq3A_397 = vector.broadcast %broadcast_in_dim3A_396 : vector<64x1xf32> to vector<64x4096xf32>
    %eq3A_398 = arith.cmpf oeq, %select_n3A_393, %eq3A_397 : vector<64x4096xf32>
    %jit3A_399 = arith.constant 1073741824 : i32
    %broadcast_in_dim3A_400 = vector.broadcast %jit3A_399 : i32 to vector<64x4096xi32>
    %select_n3A_401 = arith.select %eq3A_398, %iota3A, %broadcast_in_dim3A_400 : vector<64x4096xi1>, vector<64x4096xi32>
    %reduce_min3A_402 = arith.constant dense<2147483647> : vector<64xi32>
    %reduce_min3A_403 = vector.multi_reduction <minsi>, %select_n3A_401, %reduce_min3A_402 [1] : vector<64x4096xi32> to vector<64xi32>
    %broadcast_in_dim3A_404 = vector.shape_cast %reduce_min3A_403 : vector<64xi32> to vector<64x1xi32>
    %eq3A_405 = vector.broadcast %broadcast_in_dim3A_404 : vector<64x1xi32> to vector<64x4096xi32>
    %eq3A_406 = arith.cmpi eq, %iota3A, %eq3A_405 : vector<64x4096xi32>
    %jit3A_407 = arith.constant 0 : i32
    %broadcast_in_dim3A_408 = vector.broadcast %jit3A_407 : i32 to vector<64x4096xi32>
    %select_n3A_409 = arith.select %eq3A_406, %get3A_4, %broadcast_in_dim3A_408 : vector<64x4096xi1>, vector<64x4096xi32>
    %reduce_sum3A_410 = arith.constant dense<0> : vector<64xi32>
    %reduce_sum3A_411 = vector.multi_reduction <add>, %select_n3A_409, %reduce_sum3A_410 [1] : vector<64x4096xi32> to vector<64xi32>
    %broadcast_in_dim3A_412 = vector.shape_cast %reduce_sum3A_411 : vector<64xi32> to vector<64x1xi32>
    %jit3A_413 = arith.constant -1.000000e+30 : f32
    %broadcast_in_dim3A_414 = vector.broadcast %jit3A_413 : f32 to vector<64x4096xf32>
    %select_n3A_415 = arith.select %eq3A_406, %broadcast_in_dim3A_414, %select_n3A_393 : vector<64x4096xi1>, vector<64x4096xf32>
    %reduce_max3A_416 = arith.constant dense<0xFF800000> : vector<64xf32>
    %reduce_max3A_417 = vector.multi_reduction <maximumf>, %select_n3A_415, %reduce_max3A_416 [1] : vector<64x4096xf32> to vector<64xf32>
    %broadcast_in_dim3A_418 = vector.shape_cast %reduce_max3A_417 : vector<64xf32> to vector<64x1xf32>
    %eq3A_419 = vector.broadcast %broadcast_in_dim3A_418 : vector<64x1xf32> to vector<64x4096xf32>
    %eq3A_420 = arith.cmpf oeq, %select_n3A_415, %eq3A_419 : vector<64x4096xf32>
    %jit3A_421 = arith.constant 1073741824 : i32
    %broadcast_in_dim3A_422 = vector.broadcast %jit3A_421 : i32 to vector<64x4096xi32>
    %select_n3A_423 = arith.select %eq3A_420, %iota3A, %broadcast_in_dim3A_422 : vector<64x4096xi1>, vector<64x4096xi32>
    %reduce_min3A_424 = arith.constant dense<2147483647> : vector<64xi32>
    %reduce_min3A_425 = vector.multi_reduction <minsi>, %select_n3A_423, %reduce_min3A_424 [1] : vector<64x4096xi32> to vector<64xi32>
    %broadcast_in_dim3A_426 = vector.shape_cast %reduce_min3A_425 : vector<64xi32> to vector<64x1xi32>
    %eq3A_427 = vector.broadcast %broadcast_in_dim3A_426 : vector<64x1xi32> to vector<64x4096xi32>
    %eq3A_428 = arith.cmpi eq, %iota3A, %eq3A_427 : vector<64x4096xi32>
    %jit3A_429 = arith.constant 0 : i32
    %broadcast_in_dim3A_430 = vector.broadcast %jit3A_429 : i32 to vector<64x4096xi32>
    %select_n3A_431 = arith.select %eq3A_428, %get3A_4, %broadcast_in_dim3A_430 : vector<64x4096xi1>, vector<64x4096xi32>
    %reduce_sum3A_432 = arith.constant dense<0> : vector<64xi32>
    %reduce_sum3A_433 = vector.multi_reduction <add>, %select_n3A_431, %reduce_sum3A_432 [1] : vector<64x4096xi32> to vector<64xi32>
    %broadcast_in_dim3A_434 = vector.shape_cast %reduce_sum3A_433 : vector<64xi32> to vector<64x1xi32>
    %jit3A_435 = arith.constant -1.000000e+30 : f32
    %broadcast_in_dim3A_436 = vector.broadcast %jit3A_435 : f32 to vector<64x4096xf32>
    %select_n3A_437 = arith.select %eq3A_428, %broadcast_in_dim3A_436, %select_n3A_415 : vector<64x4096xi1>, vector<64x4096xf32>
    %reduce_max3A_438 = arith.constant dense<0xFF800000> : vector<64xf32>
    %reduce_max3A_439 = vector.multi_reduction <maximumf>, %select_n3A_437, %reduce_max3A_438 [1] : vector<64x4096xf32> to vector<64xf32>
    %broadcast_in_dim3A_440 = vector.shape_cast %reduce_max3A_439 : vector<64xf32> to vector<64x1xf32>
    %eq3A_441 = vector.broadcast %broadcast_in_dim3A_440 : vector<64x1xf32> to vector<64x4096xf32>
    %eq3A_442 = arith.cmpf oeq, %select_n3A_437, %eq3A_441 : vector<64x4096xf32>
    %jit3A_443 = arith.constant 1073741824 : i32
    %broadcast_in_dim3A_444 = vector.broadcast %jit3A_443 : i32 to vector<64x4096xi32>
    %select_n3A_445 = arith.select %eq3A_442, %iota3A, %broadcast_in_dim3A_444 : vector<64x4096xi1>, vector<64x4096xi32>
    %reduce_min3A_446 = arith.constant dense<2147483647> : vector<64xi32>
    %reduce_min3A_447 = vector.multi_reduction <minsi>, %select_n3A_445, %reduce_min3A_446 [1] : vector<64x4096xi32> to vector<64xi32>
    %broadcast_in_dim3A_448 = vector.shape_cast %reduce_min3A_447 : vector<64xi32> to vector<64x1xi32>
    %eq3A_449 = vector.broadcast %broadcast_in_dim3A_448 : vector<64x1xi32> to vector<64x4096xi32>
    %eq3A_450 = arith.cmpi eq, %iota3A, %eq3A_449 : vector<64x4096xi32>
    %jit3A_451 = arith.constant 0 : i32
    %broadcast_in_dim3A_452 = vector.broadcast %jit3A_451 : i32 to vector<64x4096xi32>
    %select_n3A_453 = arith.select %eq3A_450, %get3A_4, %broadcast_in_dim3A_452 : vector<64x4096xi1>, vector<64x4096xi32>
    %reduce_sum3A_454 = arith.constant dense<0> : vector<64xi32>
    %reduce_sum3A_455 = vector.multi_reduction <add>, %select_n3A_453, %reduce_sum3A_454 [1] : vector<64x4096xi32> to vector<64xi32>
    %broadcast_in_dim3A_456 = vector.shape_cast %reduce_sum3A_455 : vector<64xi32> to vector<64x1xi32>
    %jit3A_457 = arith.constant -1.000000e+30 : f32
    %broadcast_in_dim3A_458 = vector.broadcast %jit3A_457 : f32 to vector<64x4096xf32>
    %select_n3A_459 = arith.select %eq3A_450, %broadcast_in_dim3A_458, %select_n3A_437 : vector<64x4096xi1>, vector<64x4096xf32>
    %reduce_max3A_460 = arith.constant dense<0xFF800000> : vector<64xf32>
    %reduce_max3A_461 = vector.multi_reduction <maximumf>, %select_n3A_459, %reduce_max3A_460 [1] : vector<64x4096xf32> to vector<64xf32>
    %broadcast_in_dim3A_462 = vector.shape_cast %reduce_max3A_461 : vector<64xf32> to vector<64x1xf32>
    %eq3A_463 = vector.broadcast %broadcast_in_dim3A_462 : vector<64x1xf32> to vector<64x4096xf32>
    %eq3A_464 = arith.cmpf oeq, %select_n3A_459, %eq3A_463 : vector<64x4096xf32>
    %jit3A_465 = arith.constant 1073741824 : i32
    %broadcast_in_dim3A_466 = vector.broadcast %jit3A_465 : i32 to vector<64x4096xi32>
    %select_n3A_467 = arith.select %eq3A_464, %iota3A, %broadcast_in_dim3A_466 : vector<64x4096xi1>, vector<64x4096xi32>
    %reduce_min3A_468 = arith.constant dense<2147483647> : vector<64xi32>
    %reduce_min3A_469 = vector.multi_reduction <minsi>, %select_n3A_467, %reduce_min3A_468 [1] : vector<64x4096xi32> to vector<64xi32>
    %broadcast_in_dim3A_470 = vector.shape_cast %reduce_min3A_469 : vector<64xi32> to vector<64x1xi32>
    %eq3A_471 = vector.broadcast %broadcast_in_dim3A_470 : vector<64x1xi32> to vector<64x4096xi32>
    %eq3A_472 = arith.cmpi eq, %iota3A, %eq3A_471 : vector<64x4096xi32>
    %jit3A_473 = arith.constant 0 : i32
    %broadcast_in_dim3A_474 = vector.broadcast %jit3A_473 : i32 to vector<64x4096xi32>
    %select_n3A_475 = arith.select %eq3A_472, %get3A_4, %broadcast_in_dim3A_474 : vector<64x4096xi1>, vector<64x4096xi32>
    %reduce_sum3A_476 = arith.constant dense<0> : vector<64xi32>
    %reduce_sum3A_477 = vector.multi_reduction <add>, %select_n3A_475, %reduce_sum3A_476 [1] : vector<64x4096xi32> to vector<64xi32>
    %broadcast_in_dim3A_478 = vector.shape_cast %reduce_sum3A_477 : vector<64xi32> to vector<64x1xi32>
    %jit3A_479 = arith.constant -1.000000e+30 : f32
    %broadcast_in_dim3A_480 = vector.broadcast %jit3A_479 : f32 to vector<64x4096xf32>
    %select_n3A_481 = arith.select %eq3A_472, %broadcast_in_dim3A_480, %select_n3A_459 : vector<64x4096xi1>, vector<64x4096xf32>
    %reduce_max3A_482 = arith.constant dense<0xFF800000> : vector<64xf32>
    %reduce_max3A_483 = vector.multi_reduction <maximumf>, %select_n3A_481, %reduce_max3A_482 [1] : vector<64x4096xf32> to vector<64xf32>
    %broadcast_in_dim3A_484 = vector.shape_cast %reduce_max3A_483 : vector<64xf32> to vector<64x1xf32>
    %eq3A_485 = vector.broadcast %broadcast_in_dim3A_484 : vector<64x1xf32> to vector<64x4096xf32>
    %eq3A_486 = arith.cmpf oeq, %select_n3A_481, %eq3A_485 : vector<64x4096xf32>
    %jit3A_487 = arith.constant 1073741824 : i32
    %broadcast_in_dim3A_488 = vector.broadcast %jit3A_487 : i32 to vector<64x4096xi32>
    %select_n3A_489 = arith.select %eq3A_486, %iota3A, %broadcast_in_dim3A_488 : vector<64x4096xi1>, vector<64x4096xi32>
    %reduce_min3A_490 = arith.constant dense<2147483647> : vector<64xi32>
    %reduce_min3A_491 = vector.multi_reduction <minsi>, %select_n3A_489, %reduce_min3A_490 [1] : vector<64x4096xi32> to vector<64xi32>
    %broadcast_in_dim3A_492 = vector.shape_cast %reduce_min3A_491 : vector<64xi32> to vector<64x1xi32>
    %eq3A_493 = vector.broadcast %broadcast_in_dim3A_492 : vector<64x1xi32> to vector<64x4096xi32>
    %eq3A_494 = arith.cmpi eq, %iota3A, %eq3A_493 : vector<64x4096xi32>
    %jit3A_495 = arith.constant 0 : i32
    %broadcast_in_dim3A_496 = vector.broadcast %jit3A_495 : i32 to vector<64x4096xi32>
    %select_n3A_497 = arith.select %eq3A_494, %get3A_4, %broadcast_in_dim3A_496 : vector<64x4096xi1>, vector<64x4096xi32>
    %reduce_sum3A_498 = arith.constant dense<0> : vector<64xi32>
    %reduce_sum3A_499 = vector.multi_reduction <add>, %select_n3A_497, %reduce_sum3A_498 [1] : vector<64x4096xi32> to vector<64xi32>
    %broadcast_in_dim3A_500 = vector.shape_cast %reduce_sum3A_499 : vector<64xi32> to vector<64x1xi32>
    %jit3A_501 = arith.constant -1.000000e+30 : f32
    %broadcast_in_dim3A_502 = vector.broadcast %jit3A_501 : f32 to vector<64x4096xf32>
    %select_n3A_503 = arith.select %eq3A_494, %broadcast_in_dim3A_502, %select_n3A_481 : vector<64x4096xi1>, vector<64x4096xf32>
    %reduce_max3A_504 = arith.constant dense<0xFF800000> : vector<64xf32>
    %reduce_max3A_505 = vector.multi_reduction <maximumf>, %select_n3A_503, %reduce_max3A_504 [1] : vector<64x4096xf32> to vector<64xf32>
    %broadcast_in_dim3A_506 = vector.shape_cast %reduce_max3A_505 : vector<64xf32> to vector<64x1xf32>
    %eq3A_507 = vector.broadcast %broadcast_in_dim3A_506 : vector<64x1xf32> to vector<64x4096xf32>
    %eq3A_508 = arith.cmpf oeq, %select_n3A_503, %eq3A_507 : vector<64x4096xf32>
    %jit3A_509 = arith.constant 1073741824 : i32
    %broadcast_in_dim3A_510 = vector.broadcast %jit3A_509 : i32 to vector<64x4096xi32>
    %select_n3A_511 = arith.select %eq3A_508, %iota3A, %broadcast_in_dim3A_510 : vector<64x4096xi1>, vector<64x4096xi32>
    %reduce_min3A_512 = arith.constant dense<2147483647> : vector<64xi32>
    %reduce_min3A_513 = vector.multi_reduction <minsi>, %select_n3A_511, %reduce_min3A_512 [1] : vector<64x4096xi32> to vector<64xi32>
    %broadcast_in_dim3A_514 = vector.shape_cast %reduce_min3A_513 : vector<64xi32> to vector<64x1xi32>
    %eq3A_515 = vector.broadcast %broadcast_in_dim3A_514 : vector<64x1xi32> to vector<64x4096xi32>
    %eq3A_516 = arith.cmpi eq, %iota3A, %eq3A_515 : vector<64x4096xi32>
    %jit3A_517 = arith.constant 0 : i32
    %broadcast_in_dim3A_518 = vector.broadcast %jit3A_517 : i32 to vector<64x4096xi32>
    %select_n3A_519 = arith.select %eq3A_516, %get3A_4, %broadcast_in_dim3A_518 : vector<64x4096xi1>, vector<64x4096xi32>
    %reduce_sum3A_520 = arith.constant dense<0> : vector<64xi32>
    %reduce_sum3A_521 = vector.multi_reduction <add>, %select_n3A_519, %reduce_sum3A_520 [1] : vector<64x4096xi32> to vector<64xi32>
    %broadcast_in_dim3A_522 = vector.shape_cast %reduce_sum3A_521 : vector<64xi32> to vector<64x1xi32>
    %jit3A_523 = arith.constant -1.000000e+30 : f32
    %broadcast_in_dim3A_524 = vector.broadcast %jit3A_523 : f32 to vector<64x4096xf32>
    %select_n3A_525 = arith.select %eq3A_516, %broadcast_in_dim3A_524, %select_n3A_503 : vector<64x4096xi1>, vector<64x4096xf32>
    %reduce_max3A_526 = arith.constant dense<0xFF800000> : vector<64xf32>
    %reduce_max3A_527 = vector.multi_reduction <maximumf>, %select_n3A_525, %reduce_max3A_526 [1] : vector<64x4096xf32> to vector<64xf32>
    %broadcast_in_dim3A_528 = vector.shape_cast %reduce_max3A_527 : vector<64xf32> to vector<64x1xf32>
    %eq3A_529 = vector.broadcast %broadcast_in_dim3A_528 : vector<64x1xf32> to vector<64x4096xf32>
    %eq3A_530 = arith.cmpf oeq, %select_n3A_525, %eq3A_529 : vector<64x4096xf32>
    %jit3A_531 = arith.constant 1073741824 : i32
    %broadcast_in_dim3A_532 = vector.broadcast %jit3A_531 : i32 to vector<64x4096xi32>
    %select_n3A_533 = arith.select %eq3A_530, %iota3A, %broadcast_in_dim3A_532 : vector<64x4096xi1>, vector<64x4096xi32>
    %reduce_min3A_534 = arith.constant dense<2147483647> : vector<64xi32>
    %reduce_min3A_535 = vector.multi_reduction <minsi>, %select_n3A_533, %reduce_min3A_534 [1] : vector<64x4096xi32> to vector<64xi32>
    %broadcast_in_dim3A_536 = vector.shape_cast %reduce_min3A_535 : vector<64xi32> to vector<64x1xi32>
    %eq3A_537 = vector.broadcast %broadcast_in_dim3A_536 : vector<64x1xi32> to vector<64x4096xi32>
    %eq3A_538 = arith.cmpi eq, %iota3A, %eq3A_537 : vector<64x4096xi32>
    %jit3A_539 = arith.constant 0 : i32
    %broadcast_in_dim3A_540 = vector.broadcast %jit3A_539 : i32 to vector<64x4096xi32>
    %select_n3A_541 = arith.select %eq3A_538, %get3A_4, %broadcast_in_dim3A_540 : vector<64x4096xi1>, vector<64x4096xi32>
    %reduce_sum3A_542 = arith.constant dense<0> : vector<64xi32>
    %reduce_sum3A_543 = vector.multi_reduction <add>, %select_n3A_541, %reduce_sum3A_542 [1] : vector<64x4096xi32> to vector<64xi32>
    %broadcast_in_dim3A_544 = vector.shape_cast %reduce_sum3A_543 : vector<64xi32> to vector<64x1xi32>
    %jit3A_545 = arith.constant -1.000000e+30 : f32
    %broadcast_in_dim3A_546 = vector.broadcast %jit3A_545 : f32 to vector<64x4096xf32>
    %select_n3A_547 = arith.select %eq3A_538, %broadcast_in_dim3A_546, %select_n3A_525 : vector<64x4096xi1>, vector<64x4096xf32>
    %reduce_max3A_548 = arith.constant dense<0xFF800000> : vector<64xf32>
    %reduce_max3A_549 = vector.multi_reduction <maximumf>, %select_n3A_547, %reduce_max3A_548 [1] : vector<64x4096xf32> to vector<64xf32>
    %broadcast_in_dim3A_550 = vector.shape_cast %reduce_max3A_549 : vector<64xf32> to vector<64x1xf32>
    %eq3A_551 = vector.broadcast %broadcast_in_dim3A_550 : vector<64x1xf32> to vector<64x4096xf32>
    %eq3A_552 = arith.cmpf oeq, %select_n3A_547, %eq3A_551 : vector<64x4096xf32>
    %jit3A_553 = arith.constant 1073741824 : i32
    %broadcast_in_dim3A_554 = vector.broadcast %jit3A_553 : i32 to vector<64x4096xi32>
    %select_n3A_555 = arith.select %eq3A_552, %iota3A, %broadcast_in_dim3A_554 : vector<64x4096xi1>, vector<64x4096xi32>
    %reduce_min3A_556 = arith.constant dense<2147483647> : vector<64xi32>
    %reduce_min3A_557 = vector.multi_reduction <minsi>, %select_n3A_555, %reduce_min3A_556 [1] : vector<64x4096xi32> to vector<64xi32>
    %broadcast_in_dim3A_558 = vector.shape_cast %reduce_min3A_557 : vector<64xi32> to vector<64x1xi32>
    %eq3A_559 = vector.broadcast %broadcast_in_dim3A_558 : vector<64x1xi32> to vector<64x4096xi32>
    %eq3A_560 = arith.cmpi eq, %iota3A, %eq3A_559 : vector<64x4096xi32>
    %jit3A_561 = arith.constant 0 : i32
    %broadcast_in_dim3A_562 = vector.broadcast %jit3A_561 : i32 to vector<64x4096xi32>
    %select_n3A_563 = arith.select %eq3A_560, %get3A_4, %broadcast_in_dim3A_562 : vector<64x4096xi1>, vector<64x4096xi32>
    %reduce_sum3A_564 = arith.constant dense<0> : vector<64xi32>
    %reduce_sum3A_565 = vector.multi_reduction <add>, %select_n3A_563, %reduce_sum3A_564 [1] : vector<64x4096xi32> to vector<64xi32>
    %broadcast_in_dim3A_566 = vector.shape_cast %reduce_sum3A_565 : vector<64xi32> to vector<64x1xi32>
    %jit3A_567 = arith.constant -1.000000e+30 : f32
    %broadcast_in_dim3A_568 = vector.broadcast %jit3A_567 : f32 to vector<64x4096xf32>
    %select_n3A_569 = arith.select %eq3A_560, %broadcast_in_dim3A_568, %select_n3A_547 : vector<64x4096xi1>, vector<64x4096xf32>
    %reduce_max3A_570 = arith.constant dense<0xFF800000> : vector<64xf32>
    %reduce_max3A_571 = vector.multi_reduction <maximumf>, %select_n3A_569, %reduce_max3A_570 [1] : vector<64x4096xf32> to vector<64xf32>
    %broadcast_in_dim3A_572 = vector.shape_cast %reduce_max3A_571 : vector<64xf32> to vector<64x1xf32>
    %eq3A_573 = vector.broadcast %broadcast_in_dim3A_572 : vector<64x1xf32> to vector<64x4096xf32>
    %eq3A_574 = arith.cmpf oeq, %select_n3A_569, %eq3A_573 : vector<64x4096xf32>
    %jit3A_575 = arith.constant 1073741824 : i32
    %broadcast_in_dim3A_576 = vector.broadcast %jit3A_575 : i32 to vector<64x4096xi32>
    %select_n3A_577 = arith.select %eq3A_574, %iota3A, %broadcast_in_dim3A_576 : vector<64x4096xi1>, vector<64x4096xi32>
    %reduce_min3A_578 = arith.constant dense<2147483647> : vector<64xi32>
    %reduce_min3A_579 = vector.multi_reduction <minsi>, %select_n3A_577, %reduce_min3A_578 [1] : vector<64x4096xi32> to vector<64xi32>
    %broadcast_in_dim3A_580 = vector.shape_cast %reduce_min3A_579 : vector<64xi32> to vector<64x1xi32>
    %eq3A_581 = vector.broadcast %broadcast_in_dim3A_580 : vector<64x1xi32> to vector<64x4096xi32>
    %eq3A_582 = arith.cmpi eq, %iota3A, %eq3A_581 : vector<64x4096xi32>
    %jit3A_583 = arith.constant 0 : i32
    %broadcast_in_dim3A_584 = vector.broadcast %jit3A_583 : i32 to vector<64x4096xi32>
    %select_n3A_585 = arith.select %eq3A_582, %get3A_4, %broadcast_in_dim3A_584 : vector<64x4096xi1>, vector<64x4096xi32>
    %reduce_sum3A_586 = arith.constant dense<0> : vector<64xi32>
    %reduce_sum3A_587 = vector.multi_reduction <add>, %select_n3A_585, %reduce_sum3A_586 [1] : vector<64x4096xi32> to vector<64xi32>
    %broadcast_in_dim3A_588 = vector.shape_cast %reduce_sum3A_587 : vector<64xi32> to vector<64x1xi32>
    %jit3A_589 = arith.constant -1.000000e+30 : f32
    %broadcast_in_dim3A_590 = vector.broadcast %jit3A_589 : f32 to vector<64x4096xf32>
    %select_n3A_591 = arith.select %eq3A_582, %broadcast_in_dim3A_590, %select_n3A_569 : vector<64x4096xi1>, vector<64x4096xf32>
    %reduce_max3A_592 = arith.constant dense<0xFF800000> : vector<64xf32>
    %reduce_max3A_593 = vector.multi_reduction <maximumf>, %select_n3A_591, %reduce_max3A_592 [1] : vector<64x4096xf32> to vector<64xf32>
    %broadcast_in_dim3A_594 = vector.shape_cast %reduce_max3A_593 : vector<64xf32> to vector<64x1xf32>
    %eq3A_595 = vector.broadcast %broadcast_in_dim3A_594 : vector<64x1xf32> to vector<64x4096xf32>
    %eq3A_596 = arith.cmpf oeq, %select_n3A_591, %eq3A_595 : vector<64x4096xf32>
    %jit3A_597 = arith.constant 1073741824 : i32
    %broadcast_in_dim3A_598 = vector.broadcast %jit3A_597 : i32 to vector<64x4096xi32>
    %select_n3A_599 = arith.select %eq3A_596, %iota3A, %broadcast_in_dim3A_598 : vector<64x4096xi1>, vector<64x4096xi32>
    %reduce_min3A_600 = arith.constant dense<2147483647> : vector<64xi32>
    %reduce_min3A_601 = vector.multi_reduction <minsi>, %select_n3A_599, %reduce_min3A_600 [1] : vector<64x4096xi32> to vector<64xi32>
    %broadcast_in_dim3A_602 = vector.shape_cast %reduce_min3A_601 : vector<64xi32> to vector<64x1xi32>
    %eq3A_603 = vector.broadcast %broadcast_in_dim3A_602 : vector<64x1xi32> to vector<64x4096xi32>
    %eq3A_604 = arith.cmpi eq, %iota3A, %eq3A_603 : vector<64x4096xi32>
    %jit3A_605 = arith.constant 0 : i32
    %broadcast_in_dim3A_606 = vector.broadcast %jit3A_605 : i32 to vector<64x4096xi32>
    %select_n3A_607 = arith.select %eq3A_604, %get3A_4, %broadcast_in_dim3A_606 : vector<64x4096xi1>, vector<64x4096xi32>
    %reduce_sum3A_608 = arith.constant dense<0> : vector<64xi32>
    %reduce_sum3A_609 = vector.multi_reduction <add>, %select_n3A_607, %reduce_sum3A_608 [1] : vector<64x4096xi32> to vector<64xi32>
    %broadcast_in_dim3A_610 = vector.shape_cast %reduce_sum3A_609 : vector<64xi32> to vector<64x1xi32>
    %jit3A_611 = arith.constant -1.000000e+30 : f32
    %broadcast_in_dim3A_612 = vector.broadcast %jit3A_611 : f32 to vector<64x4096xf32>
    %select_n3A_613 = arith.select %eq3A_604, %broadcast_in_dim3A_612, %select_n3A_591 : vector<64x4096xi1>, vector<64x4096xf32>
    %reduce_max3A_614 = arith.constant dense<0xFF800000> : vector<64xf32>
    %reduce_max3A_615 = vector.multi_reduction <maximumf>, %select_n3A_613, %reduce_max3A_614 [1] : vector<64x4096xf32> to vector<64xf32>
    %broadcast_in_dim3A_616 = vector.shape_cast %reduce_max3A_615 : vector<64xf32> to vector<64x1xf32>
    %eq3A_617 = vector.broadcast %broadcast_in_dim3A_616 : vector<64x1xf32> to vector<64x4096xf32>
    %eq3A_618 = arith.cmpf oeq, %select_n3A_613, %eq3A_617 : vector<64x4096xf32>
    %jit3A_619 = arith.constant 1073741824 : i32
    %broadcast_in_dim3A_620 = vector.broadcast %jit3A_619 : i32 to vector<64x4096xi32>
    %select_n3A_621 = arith.select %eq3A_618, %iota3A, %broadcast_in_dim3A_620 : vector<64x4096xi1>, vector<64x4096xi32>
    %reduce_min3A_622 = arith.constant dense<2147483647> : vector<64xi32>
    %reduce_min3A_623 = vector.multi_reduction <minsi>, %select_n3A_621, %reduce_min3A_622 [1] : vector<64x4096xi32> to vector<64xi32>
    %broadcast_in_dim3A_624 = vector.shape_cast %reduce_min3A_623 : vector<64xi32> to vector<64x1xi32>
    %eq3A_625 = vector.broadcast %broadcast_in_dim3A_624 : vector<64x1xi32> to vector<64x4096xi32>
    %eq3A_626 = arith.cmpi eq, %iota3A, %eq3A_625 : vector<64x4096xi32>
    %jit3A_627 = arith.constant 0 : i32
    %broadcast_in_dim3A_628 = vector.broadcast %jit3A_627 : i32 to vector<64x4096xi32>
    %select_n3A_629 = arith.select %eq3A_626, %get3A_4, %broadcast_in_dim3A_628 : vector<64x4096xi1>, vector<64x4096xi32>
    %reduce_sum3A_630 = arith.constant dense<0> : vector<64xi32>
    %reduce_sum3A_631 = vector.multi_reduction <add>, %select_n3A_629, %reduce_sum3A_630 [1] : vector<64x4096xi32> to vector<64xi32>
    %broadcast_in_dim3A_632 = vector.shape_cast %reduce_sum3A_631 : vector<64xi32> to vector<64x1xi32>
    %jit3A_633 = arith.constant -1.000000e+30 : f32
    %broadcast_in_dim3A_634 = vector.broadcast %jit3A_633 : f32 to vector<64x4096xf32>
    %select_n3A_635 = arith.select %eq3A_626, %broadcast_in_dim3A_634, %select_n3A_613 : vector<64x4096xi1>, vector<64x4096xf32>
    %reduce_max3A_636 = arith.constant dense<0xFF800000> : vector<64xf32>
    %reduce_max3A_637 = vector.multi_reduction <maximumf>, %select_n3A_635, %reduce_max3A_636 [1] : vector<64x4096xf32> to vector<64xf32>
    %broadcast_in_dim3A_638 = vector.shape_cast %reduce_max3A_637 : vector<64xf32> to vector<64x1xf32>
    %eq3A_639 = vector.broadcast %broadcast_in_dim3A_638 : vector<64x1xf32> to vector<64x4096xf32>
    %eq3A_640 = arith.cmpf oeq, %select_n3A_635, %eq3A_639 : vector<64x4096xf32>
    %jit3A_641 = arith.constant 1073741824 : i32
    %broadcast_in_dim3A_642 = vector.broadcast %jit3A_641 : i32 to vector<64x4096xi32>
    %select_n3A_643 = arith.select %eq3A_640, %iota3A, %broadcast_in_dim3A_642 : vector<64x4096xi1>, vector<64x4096xi32>
    %reduce_min3A_644 = arith.constant dense<2147483647> : vector<64xi32>
    %reduce_min3A_645 = vector.multi_reduction <minsi>, %select_n3A_643, %reduce_min3A_644 [1] : vector<64x4096xi32> to vector<64xi32>
    %broadcast_in_dim3A_646 = vector.shape_cast %reduce_min3A_645 : vector<64xi32> to vector<64x1xi32>
    %eq3A_647 = vector.broadcast %broadcast_in_dim3A_646 : vector<64x1xi32> to vector<64x4096xi32>
    %eq3A_648 = arith.cmpi eq, %iota3A, %eq3A_647 : vector<64x4096xi32>
    %jit3A_649 = arith.constant 0 : i32
    %broadcast_in_dim3A_650 = vector.broadcast %jit3A_649 : i32 to vector<64x4096xi32>
    %select_n3A_651 = arith.select %eq3A_648, %get3A_4, %broadcast_in_dim3A_650 : vector<64x4096xi1>, vector<64x4096xi32>
    %reduce_sum3A_652 = arith.constant dense<0> : vector<64xi32>
    %reduce_sum3A_653 = vector.multi_reduction <add>, %select_n3A_651, %reduce_sum3A_652 [1] : vector<64x4096xi32> to vector<64xi32>
    %broadcast_in_dim3A_654 = vector.shape_cast %reduce_sum3A_653 : vector<64xi32> to vector<64x1xi32>
    %jit3A_655 = arith.constant -1.000000e+30 : f32
    %broadcast_in_dim3A_656 = vector.broadcast %jit3A_655 : f32 to vector<64x4096xf32>
    %select_n3A_657 = arith.select %eq3A_648, %broadcast_in_dim3A_656, %select_n3A_635 : vector<64x4096xi1>, vector<64x4096xf32>
    %reduce_max3A_658 = arith.constant dense<0xFF800000> : vector<64xf32>
    %reduce_max3A_659 = vector.multi_reduction <maximumf>, %select_n3A_657, %reduce_max3A_658 [1] : vector<64x4096xf32> to vector<64xf32>
    %broadcast_in_dim3A_660 = vector.shape_cast %reduce_max3A_659 : vector<64xf32> to vector<64x1xf32>
    %eq3A_661 = vector.broadcast %broadcast_in_dim3A_660 : vector<64x1xf32> to vector<64x4096xf32>
    %eq3A_662 = arith.cmpf oeq, %select_n3A_657, %eq3A_661 : vector<64x4096xf32>
    %jit3A_663 = arith.constant 1073741824 : i32
    %broadcast_in_dim3A_664 = vector.broadcast %jit3A_663 : i32 to vector<64x4096xi32>
    %select_n3A_665 = arith.select %eq3A_662, %iota3A, %broadcast_in_dim3A_664 : vector<64x4096xi1>, vector<64x4096xi32>
    %reduce_min3A_666 = arith.constant dense<2147483647> : vector<64xi32>
    %reduce_min3A_667 = vector.multi_reduction <minsi>, %select_n3A_665, %reduce_min3A_666 [1] : vector<64x4096xi32> to vector<64xi32>
    %broadcast_in_dim3A_668 = vector.shape_cast %reduce_min3A_667 : vector<64xi32> to vector<64x1xi32>
    %eq3A_669 = vector.broadcast %broadcast_in_dim3A_668 : vector<64x1xi32> to vector<64x4096xi32>
    %eq3A_670 = arith.cmpi eq, %iota3A, %eq3A_669 : vector<64x4096xi32>
    %jit3A_671 = arith.constant 0 : i32
    %broadcast_in_dim3A_672 = vector.broadcast %jit3A_671 : i32 to vector<64x4096xi32>
    %select_n3A_673 = arith.select %eq3A_670, %get3A_4, %broadcast_in_dim3A_672 : vector<64x4096xi1>, vector<64x4096xi32>
    %reduce_sum3A_674 = arith.constant dense<0> : vector<64xi32>
    %reduce_sum3A_675 = vector.multi_reduction <add>, %select_n3A_673, %reduce_sum3A_674 [1] : vector<64x4096xi32> to vector<64xi32>
    %broadcast_in_dim3A_676 = vector.shape_cast %reduce_sum3A_675 : vector<64xi32> to vector<64x1xi32>
    %jit3A_677 = arith.constant -1.000000e+30 : f32
    %broadcast_in_dim3A_678 = vector.broadcast %jit3A_677 : f32 to vector<64x4096xf32>
    %select_n3A_679 = arith.select %eq3A_670, %broadcast_in_dim3A_678, %select_n3A_657 : vector<64x4096xi1>, vector<64x4096xf32>
    %reduce_max3A_680 = arith.constant dense<0xFF800000> : vector<64xf32>
    %reduce_max3A_681 = vector.multi_reduction <maximumf>, %select_n3A_679, %reduce_max3A_680 [1] : vector<64x4096xf32> to vector<64xf32>
    %broadcast_in_dim3A_682 = vector.shape_cast %reduce_max3A_681 : vector<64xf32> to vector<64x1xf32>
    %eq3A_683 = vector.broadcast %broadcast_in_dim3A_682 : vector<64x1xf32> to vector<64x4096xf32>
    %eq3A_684 = arith.cmpf oeq, %select_n3A_679, %eq3A_683 : vector<64x4096xf32>
    %jit3A_685 = arith.constant 1073741824 : i32
    %broadcast_in_dim3A_686 = vector.broadcast %jit3A_685 : i32 to vector<64x4096xi32>
    %select_n3A_687 = arith.select %eq3A_684, %iota3A, %broadcast_in_dim3A_686 : vector<64x4096xi1>, vector<64x4096xi32>
    %reduce_min3A_688 = arith.constant dense<2147483647> : vector<64xi32>
    %reduce_min3A_689 = vector.multi_reduction <minsi>, %select_n3A_687, %reduce_min3A_688 [1] : vector<64x4096xi32> to vector<64xi32>
    %broadcast_in_dim3A_690 = vector.shape_cast %reduce_min3A_689 : vector<64xi32> to vector<64x1xi32>
    %eq3A_691 = vector.broadcast %broadcast_in_dim3A_690 : vector<64x1xi32> to vector<64x4096xi32>
    %eq3A_692 = arith.cmpi eq, %iota3A, %eq3A_691 : vector<64x4096xi32>
    %jit3A_693 = arith.constant 0 : i32
    %broadcast_in_dim3A_694 = vector.broadcast %jit3A_693 : i32 to vector<64x4096xi32>
    %select_n3A_695 = arith.select %eq3A_692, %get3A_4, %broadcast_in_dim3A_694 : vector<64x4096xi1>, vector<64x4096xi32>
    %reduce_sum3A_696 = arith.constant dense<0> : vector<64xi32>
    %reduce_sum3A_697 = vector.multi_reduction <add>, %select_n3A_695, %reduce_sum3A_696 [1] : vector<64x4096xi32> to vector<64xi32>
    %broadcast_in_dim3A_698 = vector.shape_cast %reduce_sum3A_697 : vector<64xi32> to vector<64x1xi32>
    %concatenate3A = tpu.concatenate %broadcast_in_dim3A, %broadcast_in_dim3A_22, %broadcast_in_dim3A_44, %broadcast_in_dim3A_66, %broadcast_in_dim3A_88, %broadcast_in_dim3A_110, %broadcast_in_dim3A_132, %broadcast_in_dim3A_154, %broadcast_in_dim3A_176, %broadcast_in_dim3A_198, %broadcast_in_dim3A_220, %broadcast_in_dim3A_242, %broadcast_in_dim3A_264, %broadcast_in_dim3A_286, %broadcast_in_dim3A_308, %broadcast_in_dim3A_330, %broadcast_in_dim3A_352, %broadcast_in_dim3A_374, %broadcast_in_dim3A_396, %broadcast_in_dim3A_418, %broadcast_in_dim3A_440, %broadcast_in_dim3A_462, %broadcast_in_dim3A_484, %broadcast_in_dim3A_506, %broadcast_in_dim3A_528, %broadcast_in_dim3A_550, %broadcast_in_dim3A_572, %broadcast_in_dim3A_594, %broadcast_in_dim3A_616, %broadcast_in_dim3A_638, %broadcast_in_dim3A_660, %broadcast_in_dim3A_682 in 1 : vector<64x1xf32>, vector<64x1xf32>, vector<64x1xf32>, vector<64x1xf32>, vector<64x1xf32>, vector<64x1xf32>, vector<64x1xf32>, vector<64x1xf32>, vector<64x1xf32>, vector<64x1xf32>, vector<64x1xf32>, vector<64x1xf32>, vector<64x1xf32>, vector<64x1xf32>, vector<64x1xf32>, vector<64x1xf32>, vector<64x1xf32>, vector<64x1xf32>, vector<64x1xf32>, vector<64x1xf32>, vector<64x1xf32>, vector<64x1xf32>, vector<64x1xf32>, vector<64x1xf32>, vector<64x1xf32>, vector<64x1xf32>, vector<64x1xf32>, vector<64x1xf32>, vector<64x1xf32>, vector<64x1xf32>, vector<64x1xf32>, vector<64x1xf32> -> vector<64x32xf32>
    %concatenate3A_699 = tpu.concatenate %broadcast_in_dim3A_16, %broadcast_in_dim3A_38, %broadcast_in_dim3A_60, %broadcast_in_dim3A_82, %broadcast_in_dim3A_104, %broadcast_in_dim3A_126, %broadcast_in_dim3A_148, %broadcast_in_dim3A_170, %broadcast_in_dim3A_192, %broadcast_in_dim3A_214, %broadcast_in_dim3A_236, %broadcast_in_dim3A_258, %broadcast_in_dim3A_280, %broadcast_in_dim3A_302, %broadcast_in_dim3A_324, %broadcast_in_dim3A_346, %broadcast_in_dim3A_368, %broadcast_in_dim3A_390, %broadcast_in_dim3A_412, %broadcast_in_dim3A_434, %broadcast_in_dim3A_456, %broadcast_in_dim3A_478, %broadcast_in_dim3A_500, %broadcast_in_dim3A_522, %broadcast_in_dim3A_544, %broadcast_in_dim3A_566, %broadcast_in_dim3A_588, %broadcast_in_dim3A_610, %broadcast_in_dim3A_632, %broadcast_in_dim3A_654, %broadcast_in_dim3A_676, %broadcast_in_dim3A_698 in 1 : vector<64x1xi32>, vector<64x1xi32>, vector<64x1xi32>, vector<64x1xi32>, vector<64x1xi32>, vector<64x1xi32>, vector<64x1xi32>, vector<64x1xi32>, vector<64x1xi32>, vector<64x1xi32>, vector<64x1xi32>, vector<64x1xi32>, vector<64x1xi32>, vector<64x1xi32>, vector<64x1xi32>, vector<64x1xi32>, vector<64x1xi32>, vector<64x1xi32>, vector<64x1xi32>, vector<64x1xi32>, vector<64x1xi32>, vector<64x1xi32>, vector<64x1xi32>, vector<64x1xi32>, vector<64x1xi32>, vector<64x1xi32>, vector<64x1xi32>, vector<64x1xi32>, vector<64x1xi32>, vector<64x1xi32>, vector<64x1xi32>, vector<64x1xi32> -> vector<64x32xi32>
    %reduce_max3A_700 = arith.constant dense<0xFF800000> : vector<64xf32>
    %reduce_max3A_701 = vector.multi_reduction <maximumf>, %concatenate3A, %reduce_max3A_700 [1] : vector<64x32xf32> to vector<64xf32>
    %broadcast_in_dim3A_702 = vector.shape_cast %reduce_max3A_701 : vector<64xf32> to vector<64x1xf32>
    %sub3A = vector.broadcast %broadcast_in_dim3A_702 : vector<64x1xf32> to vector<64x32xf32>
    %sub3A_703 = arith.subf %concatenate3A, %sub3A : vector<64x32xf32>
    %exp3A = math.exp %sub3A_703 : vector<64x32xf32>
    %reduce_sum3A_704 = arith.constant dense<0.000000e+00> : vector<64xf32>
    %reduce_sum3A_705 = vector.multi_reduction <add>, %exp3A, %reduce_sum3A_704 [1] : vector<64x32xf32> to vector<64xf32>
    %broadcast_in_dim3A_706 = vector.shape_cast %reduce_sum3A_705 : vector<64xf32> to vector<64x1xf32>
    %div3A = vector.broadcast %broadcast_in_dim3A_706 : vector<64x1xf32> to vector<64x32xf32>
    %div3A_707 = arith.divf %exp3A, %div3A : vector<64x32xf32>
    %swap3A = arith.constant 0 : index
    %swap3A_708 = arith.constant 0 : index
    %swap3A_709 = vector.load %arg2[%swap3A, %swap3A_708] : memref<64x32xf32, #tpu.memory_space<vmem>>, vector<64x32xf32>
    tpu.vector_store %arg2[%swap3A, %swap3A_708], %div3A_707 {strides = array<i32>} : memref<64x32xf32, #tpu.memory_space<vmem>>, vector<64x32xf32>,
    %swap3A_710 = arith.constant 0 : index
    %swap3A_711 = arith.constant 0 : index
    %swap3A_712 = vector.load %arg3[%swap3A_710, %swap3A_711] : memref<64x32xi32, #tpu.memory_space<vmem>>, vector<64x32xi32>
    tpu.vector_store %arg3[%swap3A_710, %swap3A_711], %concatenate3A_699 {strides = array<i32>} : memref<64x32xi32, #tpu.memory_space<vmem>>, vector<64x32xi32>,
    return
  }
}

</mosaic_0001>

<sc_bundles>
// kernel: gather_offload_async_start
scs
__scs_entry_jumppad:
0x0: {  	(pc) =	sbr.rel $0x88, $3  }
0x1: {  	(tag) =	ssettag $0x0;
	lr =	simm.s32 $0x1  }
0x2: {  	[smem:$0x3F9B] =	sst lr;
	_ =	strace $0xD0000000  }
0x3: {  	_ = 	snop  }
0x4: {  	_ = 	snop  }
0x5: {  	_ = 	snop  }
0x6: {  	_ = 	snop  }
0x7: {  	_ = 	snop  }
__scs_overlays_trampoline_lowered:
0x8: {  	[smem:$0x3FAA] =	sst s0  }
0x9: {  	[smem:$0x3FAB] =	sst s1  }
0xa: {  	[smem:$0x3FAC] =	sst s2  }
0xb: {  	[smem:$0x3FAD] =	sst s3  }
0xc: {  	[smem:$0x3FAE] =	sst s4  }
0xd: {  	[smem:$0x3FAF] =	sst s5  }
0xe: {  	[smem:$0x3FB0] =	sst s6  }
0xf: {  	[smem:$0x3FB1] =	sst s7  }
0x10: {  	[smem:$0x3FB2] =	sst s8  }
0x11: {  	[smem:$0x3FB3] =	sst s9;
	s0 =	simm.s32 @!p0 $0x0  }
0x12: {  	s1 =	sld [smem:$0x3F99];
	s0 =	simm.s32 @p0 $0x1  }
0x13: {  	[smem:$0x3FB4] =	sst s0;
	s0 =	simm.s32 @!p1 $0x0  }
0x14: {  	s2 =	sld [smem:$0x3F98];
	s0 =	simm.s32 @p1 $0x1  }
0x15: {  	[smem:$0x3FB5] =	sst s0;
	s0 =	simm.s32 @!p2 $0x0  }
0x16: {  	s3 =	sld [smem:$0x3FDB];
	s0 =	simm.s32 @p2 $0x1  }
0x17: {  	s4 =	simm.s32 $0x1BF5;
	[smem:$0x3FB7] =	sst s0  }
0x18: {  	s0 =	sld [smem:$0x3F9A];
	_ =	swait.ge [sflag:s4], $0x0  }
0x19: {  	s7 =	sld [smem:$0x3F9B]  }
0x1a: {  	s8 =	sadd.s32 $0xFFFFE003, lr  }
0x1b: {  	s9 =	sadd.s32 $0xFFFFFEF7, lr;
	s5 =	simm.s32 $0xFFFFFFFF;
	p2 =	slt.u32 s8, $0xFFFFF086  }
0x1c: {  	p1 =	slt.u32 s9, $0xF7A;
	s5 =	simm.s32 @!p2 $0x0  }
0x1d: {  	s5 =	simm.s32 @p1 $0x1;
	p0 =	seq.s32 s7, s2  }
0x1e: {  	s7 =	smul.u32 @!p0 $0xF7A, s2;
	p2 =	seq.s32 @!p0 s5, $0x0  }
0x1f: {  	s9 =	smul.u32 $0xF7A, s1;
	s8 =	simm.s32 @!p0 $0x1BF5;
	p2 =	por !p2, p0  }
0x20: {  	[sflag:s8] =	ssyncset.s32 @!p0 $0xFFFFF086;
	s6 =	sadd.s32 @!p0 s3, s7;
	s7 =	simm.s32 @!p0 $0x108  }
0x21: {  	s3 =	sadd.s32 s3, s9;
	s6 =	sadd.s32 @!p0 $0x88, s6;
	s7 =	simm.s32 @p2 $0x1082  }
0x22: {  	[simem:s7], [sflag:s8] =	dma.local @!p0 [hbm:s6], $0xF7A  }
0x23: {  	s9 =	sor.u32 $0xD0000000, s2;
	s6 =	simm.s32 $0x108;
	_ =	swait.ge @!p0 [sflag:s8], $0x0  }
0x24: {  	s3 =	sadd.s32 $0x88, s3;
	s6 =	simm.s32 @!p1 $0x1082;
	[sflag:s4] =	ssyncset.s32 $0xFFFFF086  }
0x25: {  	[simem:s6], [sflag:s4] =	dma.local [hbm:s3], $0xF7A  }
0x26: {  	[smem:$0x3F9B] =	sst s1;
	(tag) =	ssettag s2;
	_ =	strace s9  }
0x27: {  	s1 =	sld [smem:$0x3FAB]  }
0x28: {  	s2 =	sld [smem:$0x3FAC]  }
0x29: {  	s4 =	sld [smem:$0x3FAE]  }
0x2a: {  	p0 =	seq.s32 s5, $0x0;
	s5 =	sld [smem:$0x3FAF]  }
0x2b: {  	s6 =	sld [smem:$0x3FB0]  }
0x2c: {  	s7 =	sld [smem:$0x3FB1]  }
0x2d: {  	s3 =	simm.s32 $0x108;
	s8 =	sld [smem:$0x3FB2]  }
0x2e: {  	s3 =	simm.s32 @!p0 $0x1082;
	s9 =	sld [smem:$0x3FB3]  }
0x2f: {  	lr =	sadd.s32 s0, s3;
	s0 =	sld [smem:$0x3FAA]  }
0x30: {  	s3 =	sld [smem:$0x3FAD]  }
0x31: {  	[smem:$0x3FB6] =	sst s10  }
0x32: {  	s10 =	sld [smem:$0x3FB4];
	_ =	sdelay $0x3  }
0x33: {  	p0 =	seq.s32 s10, $0x1;
	s10 =	sld [smem:$0x3FB6];
	_ =	sdelay $0x3  }
0x34: {  	[smem:$0x3FB6] =	sst s10  }
0x35: {  	s10 =	sld [smem:$0x3FB5];
	_ =	sdelay $0x3  }
0x36: {  	p1 =	seq.s32 s10, $0x1;
	s10 =	sld [smem:$0x3FB6];
	_ =	sdelay $0x3  }
0x37: {  	[smem:$0x3FB6] =	sst s10  }
0x38: {  	s10 =	sld [smem:$0x3FB7]  }
0x39: {  	_ = 	snop;
	(pc) =	sbr.ind lr, $3  }
0x3a: {  	_ = 	snop  }
0x3b: {  	_ = 	snop  }
0x3c: {  	p2 =	seq.s32 s10, $0x1;
	s10 =	sld [smem:$0x3FB6]  }
0x3d: {  	_ =	shalt  }
0x3e: {  	_ =	shalt  }
0x3f: {  	_ =	shalt  }
0x40: {  	_ =	shalt  }
0x41: {  	_ =	shalt  }
0x42: {  	_ =	shalt  }
0x43: {  	_ =	shalt  }
0x44: {  	_ =	shalt  }
0x45: {  	_ =	shalt  }
0x46: {  	_ =	shalt  }
0x47: {  	_ =	shalt  }
0x48: {  	_ =	shalt  }
0x49: {  	_ =	shalt  }
0x4a: {  	_ =	shalt  }
0x4b: {  	_ =	shalt  }
0x4c: {  	_ =	shalt  }
0x4d: {  	_ =	shalt  }
0x4e: {  	_ =	shalt  }
0x4f: {  	_ =	shalt  }
0x50: {  	_ =	shalt  }
0x51: {  	_ =	shalt  }
0x52: {  	_ =	shalt  }
0x53: {  	_ =	shalt  }
0x54: {  	_ =	shalt  }
0x55: {  	_ =	shalt  }
0x56: {  	_ =	shalt  }
0x57: {  	_ =	shalt  }
0x58: {  	_ =	shalt  }
0x59: {  	_ =	shalt  }
0x5a: {  	_ =	shalt  }
0x5b: {  	_ =	shalt  }
0x5c: {  	_ =	shalt  }
0x5d: {  	_ =	shalt  }
0x5e: {  	_ =	shalt  }
0x5f: {  	_ =	shalt  }
0x60: {  	_ =	shalt  }
0x61: {  	_ =	shalt  }
0x62: {  	_ =	shalt  }
0x63: {  	_ =	shalt  }
0x64: {  	_ =	shalt  }
0x65: {  	_ =	shalt  }
0x66: {  	_ =	shalt  }
0x67: {  	_ =	shalt  }
0x68: {  	_ =	shalt  }
0x69: {  	_ =	shalt  }
0x6a: {  	_ =	shalt  }
0x6b: {  	_ =	shalt  }
0x6c: {  	_ =	shalt  }
0x6d: {  	_ =	shalt  }
0x6e: {  	_ =	shalt  }
0x6f: {  	_ =	shalt  }
0x70: {  	_ =	shalt  }
0x71: {  	_ =	shalt  }
0x72: {  	_ =	shalt  }
0x73: {  	_ =	shalt  }
0x74: {  	_ =	shalt  }
0x75: {  	_ =	shalt  }
0x76: {  	_ =	shalt  }
0x77: {  	_ =	shalt  }
0x78: {  	_ =	shalt  }
0x79: {  	_ =	shalt  }
0x7a: {  	_ =	shalt  }
0x7b: {  	_ =	shalt  }
0x7c: {  	_ =	shalt  }
0x7d: {  	_ =	shalt  }
0x7e: {  	_ =	shalt  }
0x7f: {  	_ =	shalt  }
0x80: {  	_ =	shalt  }
0x81: {  	_ =	shalt  }
0x82: {  	_ =	shalt  }
0x83: {  	_ =	shalt  }
0x84: {  	_ =	shalt  }
0x85: {  	_ =	shalt  }
0x86: {  	_ =	shalt  }
0x87: {  	_ =	shalt  }
.Lfunc_end0:
.L_simem_size_0:
called_computation.1_lowered:
.L_overlay_start_0:
0x88: {  	s2 =	sld [smem:$0x3FD9]  }
0x89: {  	s3 =	sld [smem:$0x3FFE];
	_ =	sdelay $0x1  }
0x8a: {  	s1 =	srdreg.scid  }
0x8b: {  	s0 =	sand.u32 $0x1, s1  }
0x8c: {  	s16 =	sshll.u32 s0, $0xA;
	s2 =	sadd.s32 s3, s2  }
0x8d: {  	s2 =	sadd.s32 s2, s16  }
0x8e: {  	[smem:$0x3FC2] =	sst s2  }
0x8f: {  	_ = 	snop  }
0x90: {  	(tm) =	ssettm $0x1  }
0x91: {  	s17 =	sld [smem:$0x3FFB];
	_ =	sdelay $0x3  }
0x92: {  	_ =	strace s17  }
0x93: {  	s2 =	sld [smem:$0x3FFC];
	_ =	sdelay $0x3  }
0x94: {  	_ =	strace s2  }
0x95: {  	s2 =	sld [smem:$0x3FFD];
	_ =	sdelay $0x3  }
0x96: {  	_ =	strace s2  }
0x97: {  	_ =	strace $0x8FFFFFFF  }
0x98: {  	s18 =	sld [smem:$0x3FDB];
	_ =	sdelay $0x1  }
0x99: {  	s19 =	simm.s32 $_scs_section_size  }
0x9a: {  	s4 =	simm.s32 $_size__tile_overlayer_lowered;
	s5 =	simm.s32 $_tile_overlayer_lowered  }
0x9b: {  	s22 =	simm.s32 $0x1BFF;
	s21 =	sshll.u32 s5, $0x1;
	s2 =	sadd.s32 s19, s18  }
0x9c: {  	s6 =	simm.s32 $0x0;
	s20 =	sshll.u32 s4, $0x1;
	s4 =	sadd.s32 s21, s2  }
0x9d: {  	[timem:s6], [sflag:s22] =	dma.local [hbm:s4], s20  }
0x9e: {  	_ =	swait.ge [sflag:s22], s20  }
0x9f: {  	s3 =	ssub.s32 $0x0, s20;
	[sflag:s22] =	ssyncset.done $0x0  }
0xa0: {  	[sflag:s22] =	ssyncadd.s32 s3;
	_ =	sdelay $0x1  }
0xa1: {  	s23 =	simm.s32 $0x1B8B  }
0xa2: {  	_ =	swait.ge [sflag:s23], $0x1  }
0xa3: {  	[sflag:s23] =	ssyncset.done $0x0  }
0xa4: {  	s25 =	simm.s32 $0x1B8E;
	s24 =	sld [smem:$0x3FFE];
	[sflag:s23] =	ssyncadd.s32 $0xFFFFFFFF  }
0xa5: {  	s26 =	simm.s32 $execute0_lowered;
	[smem:$0x3FD2] =	sst s25  }
0xa6: {  	s4 =	sshll.u32 s26, $0x1;
	_ =	strace $0x80000049;
	[dreg:$0x1] =	wrdreg $0xFFFFFFFF  }
0xa7: {  	s28 =	simm.s32 $_size_execute0_lowered;
	s2 =	sadd.s32 s2, s4;
	[dreg:$0x0] =	wrdreg $0x0  }
0xa8: {  	s4 =	sshll.u32 s28, $0x1;
	[dreg:$0x2] =	wrdreg s2  }
0xa9: {  	[dreg:$0x3] =	wrdreg s4  }
0xaa: {  	[dreg:$0x4] =	wrdreg $0xC0  }
0xab: {  	_ =	task [dreg:s6], $0x5FFFF  }
0xac: {  	[dreg:$0x1] =	wrdreg $0xFFFFFFFF  }
0xad: {  	[dreg:$0x0] =	wrdreg $0x60  }
0xae: {  	[dreg:$0x2] =	wrdreg s24  }
0xaf: {  	[dreg:$0x3] =	wrdreg $0x9  }
0xb0: {  	_ =	task.clear_ibuf [dreg:s6], $0x4FFFF;
	_ =	strace $0x90000049  }
0xb1: {  	s29 =	simm.s32 $0x9;
	_ =	strace $0x8000004B  }
0xb2: {  	_ =	swait.ge [sflag:s29], $0x1  }
0xb3: {  	[sflag:s29] =	ssyncadd.s32 $0xFFFFFFFF  }
0xb4: {  	_ =	strace $0x9000004B  }
0xb5: {  	_ =	sfence  }
0xb6: {  	s30 =	sld [smem:$0x0];
	_ =	sdelay $0x2  }
0xb7: {  	s31 =	sshll.u32 s1, $0xD;
	s1 =	sshrl.u32 s1, $0x2  }
0xb8: {  	s3 =	sand.u32 $0x4000, s31;
	s1 =	sadd.s32 s1, s30  }
0xb9: {  	s0 =	sor.u32 s3, s0;
	s1 =	sshll.u32 s1, $0x11  }
0xba: {  	s0 =	sor.u32 s1, s0  }
0xbb: {  	s0 =	sadd.s32 $0x8F2B, s0  }
0xbc: {  	[sflag:s0] =	ssyncadd.remote.s32 $0x1  }
0xbd: {  	_ =	sfence.sel $0xFFFF  }
0xbe: {  	[dreg:$0x0] =	wrdreg $0xFFFFFFFF;
	(pc) =	sbr.abs _section_cstart, $3  }
0xbf: {  	[dreg:$0x1] =	wrdreg $0xFFFFFFFF  }
0xc0: {  	_ =	task.clear_ibuf [dreg:s6], $0x2FFFF;
	_ =	strace $0x9FFFFFFF  }
0xc1: {  	(tm) =	ssettm $0x7FFFFFFF  }
tec
execute0_lowered:
.L_overlay_start_1:
0x0: {  	(tag) =	ssettag $0x1  }
0x1: {  	s0 =	srdreg.scid;
	s5 =	rddreg [dreg:$0x0]  }
0x2: {  	s1 =	stileid.u32;
	s6 =	simm.s32 $0x1;
	s9 =	simm.s32 $0x1  }
0x3: {  	s10 =	simm.s32 $0x3;
	s13 =	simm.s32 $0x0;
	s2 =	sshll.u32 s0, $0x8  }
0x4: {  	s12 =	simm.s32 $0x0;
	s3 =	sshll.u32 s1, $0x9;
	s2 =	sand.u32 $0x100, s2  }
0x5: {  	s0 =	rddreg [dreg:$0x1];
	_ =	strace $0x8000004A;
	s2 =	sor.u32 s3, s2  }
0x6: {  	s4 =	sadd.s32 $0xE00, s5;
	[sflag:s6] =	ssyncpa.u1 $0x0;
	s8 =	ssub.s32 $0x4000, s2  }
.Ltmp0:
0x7: {  	s3 =	sadd.s32 $0x189000, s5;
	s7 =	sand.u32 $0x1F00, s8;
	(pc) =	sbr.rel .LBB2_1-.Ltmp0, $4  }
0x8: {  	s5 =	sadd.s32 $0x188000, s5;
	s11 =	smov.u32 s2;
	p0 =	sne.s32 s7, $0x0  }
0x9: {  	s8 =	sshrl.u32 s8, $0xD;
	s7 =	simm.s32 $0x2;
	s9 =	simm.s32 @!p0 $0x0  }
0xa: {  	[sflag:s7] =	ssyncpa.u1 $0x0;
	p0 =	por $0x0, $0x0;
	s8 =	sadd.s32 s9, s8  }
0xb: {  	vm0 =	vmmov $0xffff;
	[sflag:s10] =	ssyncpa.u1 $0x0;
	s10 =	simm.s32 $0x0;
	s9 =	sadd.s32 $0x1, s8  }
.LBB2_4:
0xc: {  	v2 =	vnsel vm1, $0x0, v2  }
0xd: {  	vm1 =	vgt.s32 v0, $0x0;
	v2 =	vmin.u32 v2, $0x18FFF  }
0xe: {  	v0 =	vnsel vm1, $0x0, v0  }
0xf: {  	v0 =	vmin.u32 v0, $0x18FFF  }
0x10: {  	[tilespmem:s15], [sflag:$0x1] =	stream.indirect_vreg.gather [hbm4b:s3+s10], $0x1, v1, vm0, $0x4038;
	[tilespmem:$0x400] =	vst v63  }
0x11: {  	(ifvalue) =	ssetifvalue $0x7FFFFFFF  }
0x12: {  	[tilespmem:s16], [sflag:$0x1] =	stream.indirect_vreg.gather [hbm4b:s3+s10], $0x1, v2, vm0, $0x4038;
	[tilespmem:$0x400] =	vst v63  }
0x13: {  	s29 =	sadd.s32 $0x10, s16;
	(ifvalue) =	ssetifvalue $0x7FFFFFFF  }
0x14: {  	[tilespmem:s29], [sflag:$0x1] =	stream.indirect_vreg.gather [hbm4b:s3+s10], $0x1, v0, vm0, $0x4038;
	[tilespmem:$0x400] =	vst v63  }
0x15: {  	_ =	swait.ge [sflag:s6], $0x100  }
0x16: {  	s30 =	sshrl.u32 s13, $0x3;
	[sflag:s6] =	ssyncset.done $0x0  }
0x17: {  	s31 =	sand.u32 $0x7, s13;
	s15 =	sadd.s32 s5, s30;
	[sflag:s6] =	ssyncadd.s32 $0xFFFFFF00  }
0x18: {  	[hbm4b:s15+s31] =	stream.linear.scatter [tilespmem:s14], [sflag:$0x3], $0x100, $0x38;
	[tilespmem:$0x400] =	vst v63  }
.LBB2_5:
0x19: {  	s15 =	sadd.s32 $0x2000, s11  }
0x1a: {  	p2 =	sgt.s32 s15, $0x3FFF  }
0x1b: {  	s15 =	smov.u32 @p2 s2;
	p2 =	sne.s32 s12, s9  }
.Ltmp1:
0x1c: {  	p1 =	slt.u32 s12, $0x2;
	(pc) =	sbr.rel @!p2 .LBB2_6-.Ltmp1, $4  }
0x1d: {  	s14 =	simm.s32 @!p1 $0x3  }
0x1e: {  	s16 =	sadd.s32 $0x1, s12;
	_ =	swait.ge @!p1 [sflag:s14], $0x100  }
0x1f: {  	s13 =	smov.u32 s11;
	p0 =	por !p0, !p0;
	[sflag:s14] =	ssyncset.done @!p1 $0x0  }
0x20: {  	s12 =	smov.u32 s16;
	s11 =	smov.u32 s15;
	[sflag:s14] =	ssyncadd.s32 @!p1 $0xFFFFFF00  }
.LBB2_1:
0x21: {  	p1 =	sge.u32 s12, s8  }
0x22: {  	s14 =	sxor.u32 @!p1 $0xFFFFFFFF, s12  }
0x23: {  	s31 =	sadd.s32 $0xFFFFFFFF, s12;
	s15 =	sshrl.u32 @!p1 s11, $0x3;
	s14 =	sshll.u32 @!p1 s14, $0x8  }
0x24: {  	s16 =	sand.u32 @!p1 $0x7, s11;
	s15 =	sadd.s32 @!p1 s4, s15;
	s14 =	sand.u32 @!p1 $0x100, s14  }
0x25: {  	[tilespmem:s14], [sflag:$0x2] =	stream.linear.gather @!p1 [hbm4b:s15+s16], $0x100, $0x38;
	[tilespmem:$0x400] =	vst v63  }
0x26: {  	p1 =	sge.u32 s31, s8  }
.Ltmp2:
0x27: {  	_ = 	snop;
	(pc) =	sbr.rel @p1 .LBB2_5-.Ltmp2, $1  }
0x28: {  	_ =	sdelay $0x3  }
0x29: {  	s14 =	simm.s32 $0x1  }
0x2a: {  	_ =	swait.ge [sflag:s7], $0x100;
	s14 =	simm.s32 @!p0 $0x0  }
0x2b: {  	[sflag:s7] =	ssyncset.done $0x0;
	s14 =	sshll.u32 s14, $0x8  }
0x2c: {  	[sflag:s7] =	ssyncadd.s32 $0xFFFFFF00;
	(ifvalue) =	ssetifvalue $0x7FFFFFFF;
	v0 =	vld.msk [tilespmem:s14+$0x0 ss:$0x1], $0xffff;
	_ =	sdelay $0x4  }
0x2d: {  	s15 =	sadd.s32 $0x10, s14;
	vm1 =	vgt.s32 v0, $0x0  }
0x2e: {  	v2 =	vld.msk [tilespmem:s15+$0x0 ss:$0x1], $0xffff;
	v1 =	vnsel vm1, $0x0, v0  }
0x2f: {  	v1 =	vmin.u32 v1, $0x18FFF;
	_ =	sdelay $0x1  }
0x30: {  	s16 =	sshll.u32 s12, $0x8;
	s18 =	simm.s32 $0x20  }
0x31: {  	s16 =	sand.u32 $0x100, s16;
	s17 =	sadd.s32 $0x10, s15;
	s15 =	sor.u32 $0x200, s14  }
0x32: {  	s14 =	sor.u32 $0x200, s16;
	s16 =	sadd.s32 $0x10, s15;
	v0 =	vld.msk [tilespmem:s17+$0x0 ss:$0x1], $0xffff;
	vm1 =	vgt.s32 v2, $0x0;
	(ifvalue) =	ssetifvalue $0x7FFFFFFF  }
.LBB2_3:
0x33: {  	[tilespmem:s15], [sflag:$0x1] =	stream.indirect_vreg.gather [hbm4b:s3+s10], $0x1, v1, vm0, $0x4038;
	[tilespmem:$0x400] =	vst v63  }
0x34: {  	s18 =	sadd.s32 $0x10, s18  }
0x35: {  	v2 =	vnsel vm1, $0x0, v2;
	p1 =	slt.u32 s18, $0xF0  }
.Ltmp3:
0x36: {  	s15 =	smov.u32 s16;
	v1 =	vmin.u32 v2, $0x18FFF;
	(pc) =	sbr.rel @p1 .LBB2_3-.Ltmp3, $3  }
0x37: {  	_ =	sdelay $0x1  }
0x38: {  	s17 =	sadd.s32 $0x10, s17  }
0x39: {  	vm1 =	vgt.s32 v0, $0x0;
	s16 =	sadd.s32 $0x10, s16;
	v2 =	vmov v0;
	(ifvalue) =	ssetifvalue $0x7FFFFFFF;
	v0 =	vld.msk [tilespmem:s17+$0x0 ss:$0x1], $0xffff  }
.Ltmp4:
0x3a: {  	_ = 	snop;
	(pc) =	sbr.rel .LBB2_4-.Ltmp4, $1  }
0x3b: {  	_ =	sdelay $0x3  }
.LBB2_6:
0x3c: {  	_ =	sfence.sel $0x180000  }
0x3d: {  	s2 =	simm.s32 $0x2;
	[bflag:$0x0] =	sbarrier.arrive $0xFFFF  }
0x3e: {  	s30 =	simm.s32 $0x3;
	[sflag:s2] =	ssyncpa.u1 $0x1  }
0x3f: {  	s31 =	simm.s32 $0x1;
	[sflag:s30] =	ssyncpa.u1 $0x1  }
0x40: {  	[sflag:s31] =	ssyncpa.u1 $0x1  }
0x41: {  	p0 =	sne.s32 s1, $0x0;
	_ =	strace $0x9000004A  }
0x42: {  	s0 =	sadd.s32 @!p0 $0x100000, s0;
	[bflag:$0x2] =	sbarrier.arrive $0xFFFF  }
0x43: {  	[sflag:s0] =	ssyncadd.tile.s32 @!p0 $0x1;
	_ =	shalt  }
.Lfunc_end2:
_tile_overlayer_lowered:
.L_overlay_start_2:
0x44: {  	(tag) =	ssettag $0x2  }
0x45: {  	s0 =	rddreg [dreg:$0x0];
	s2 =	stileid.u32  }
0x46: {  	s1 =	rddreg [dreg:$0x1];
	p0 =	sne.s32 s2, $0x0  }
0x47: {  	s3 =	rddreg [dreg:$0x2];
	[bflag:$0x3] =	sbarrier.arrive $0xFFFF;
	s2 =	simm.s32 @!p0 $0x1C01  }
0x48: {  	[timem:s3], [sflag:s2] =	dma.local @!p0 [hbm:s0], s1  }
0x49: {  	s0 =	simm.s32 @!p0 $0x1  }
0x4a: {  	_ =	swait.ge @!p0 [sflag:s0], s1  }
0x4b: {  	s1 =	ssub.s32 @!p0 $0x0, s1;
	[sflag:s0] =	ssyncset.done @!p0 $0x0  }
0x4c: {  	[sflag:s0] =	ssyncadd.s32 @!p0 s1  }
0x4d: {  	[bflag:$0x3] =	sbarrier.arrive $0xFFFF  }
0x4e: {  	_ =	shalt  }

// kernel: kernel.6.cloned.1.call-start
scs
__scs_entry_jumppad:
0x0: {  	(pc) =	sbr.rel $0x88, $3  }
0x1: {  	(tag) =	ssettag $0x0;
	lr =	simm.s32 $0x1  }
0x2: {  	[smem:$0x3F9B] =	sst lr;
	_ =	strace $0xD0000000  }
0x3: {  	_ = 	snop  }
0x4: {  	_ = 	snop  }
0x5: {  	_ = 	snop  }
0x6: {  	_ = 	snop  }
0x7: {  	_ = 	snop  }
__scs_overlays_trampoline_lowered:
0x8: {  	[smem:$0x3FAA] =	sst s0  }
0x9: {  	[smem:$0x3FAB] =	sst s1  }
0xa: {  	[smem:$0x3FAC] =	sst s2  }
0xb: {  	[smem:$0x3FAD] =	sst s3  }
0xc: {  	[smem:$0x3FAE] =	sst s4  }
0xd: {  	[smem:$0x3FAF] =	sst s5  }
0xe: {  	[smem:$0x3FB0] =	sst s6  }
0xf: {  	[smem:$0x3FB1] =	sst s7  }
0x10: {  	[smem:$0x3FB2] =	sst s8  }
0x11: {  	[smem:$0x3FB3] =	sst s9;
	s0 =	simm.s32 @!p0 $0x0  }
0x12: {  	s1 =	sld [smem:$0x3F99];
	s0 =	simm.s32 @p0 $0x1  }
0x13: {  	[smem:$0x3FB4] =	sst s0;
	s0 =	simm.s32 @!p1 $0x0  }
0x14: {  	s2 =	sld [smem:$0x3F98];
	s0 =	simm.s32 @p1 $0x1  }
0x15: {  	[smem:$0x3FB5] =	sst s0;
	s0 =	simm.s32 @!p2 $0x0  }
0x16: {  	s3 =	sld [smem:$0x3FDB];
	s0 =	simm.s32 @p2 $0x1  }
0x17: {  	s4 =	simm.s32 $0x1BF5;
	[smem:$0x3FB7] =	sst s0  }
0x18: {  	s0 =	sld [smem:$0x3F9A];
	_ =	swait.ge [sflag:s4], $0x0  }
0x19: {  	s7 =	sld [smem:$0x3F9B]  }
0x1a: {  	s8 =	sadd.s32 $0xFFFFE003, lr  }
0x1b: {  	s9 =	sadd.s32 $0xFFFFFEF7, lr;
	s5 =	simm.s32 $0xFFFFFFFF;
	p2 =	slt.u32 s8, $0xFFFFF086  }
0x1c: {  	p1 =	slt.u32 s9, $0xF7A;
	s5 =	simm.s32 @!p2 $0x0  }
0x1d: {  	s5 =	simm.s32 @p1 $0x1;
	p0 =	seq.s32 s7, s2  }
0x1e: {  	s7 =	smul.u32 @!p0 $0xF7A, s2;
	p2 =	seq.s32 @!p0 s5, $0x0  }
0x1f: {  	s9 =	smul.u32 $0xF7A, s1;
	s8 =	simm.s32 @!p0 $0x1BF5;
	p2 =	por !p2, p0  }
0x20: {  	[sflag:s8] =	ssyncset.s32 @!p0 $0xFFFFF086;
	s6 =	sadd.s32 @!p0 s3, s7;
	s7 =	simm.s32 @!p0 $0x108  }
0x21: {  	s3 =	sadd.s32 s3, s9;
	s6 =	sadd.s32 @!p0 $0x88, s6;
	s7 =	simm.s32 @p2 $0x1082  }
0x22: {  	[simem:s7], [sflag:s8] =	dma.local @!p0 [hbm:s6], $0xF7A  }
0x23: {  	s9 =	sor.u32 $0xD0000000, s2;
	s6 =	simm.s32 $0x108;
	_ =	swait.ge @!p0 [sflag:s8], $0x0  }
0x24: {  	s3 =	sadd.s32 $0x88, s3;
	s6 =	simm.s32 @!p1 $0x1082;
	[sflag:s4] =	ssyncset.s32 $0xFFFFF086  }
0x25: {  	[simem:s6], [sflag:s4] =	dma.local [hbm:s3], $0xF7A  }
0x26: {  	[smem:$0x3F9B] =	sst s1;
	(tag) =	ssettag s2;
	_ =	strace s9  }
0x27: {  	s1 =	sld [smem:$0x3FAB]  }
0x28: {  	s2 =	sld [smem:$0x3FAC]  }
0x29: {  	s4 =	sld [smem:$0x3FAE]  }
0x2a: {  	p0 =	seq.s32 s5, $0x0;
	s5 =	sld [smem:$0x3FAF]  }
0x2b: {  	s6 =	sld [smem:$0x3FB0]  }
0x2c: {  	s7 =	sld [smem:$0x3FB1]  }
0x2d: {  	s3 =	simm.s32 $0x108;
	s8 =	sld [smem:$0x3FB2]  }
0x2e: {  	s3 =	simm.s32 @!p0 $0x1082;
	s9 =	sld [smem:$0x3FB3]  }
0x2f: {  	lr =	sadd.s32 s0, s3;
	s0 =	sld [smem:$0x3FAA]  }
0x30: {  	s3 =	sld [smem:$0x3FAD]  }
0x31: {  	[smem:$0x3FB6] =	sst s10  }
0x32: {  	s10 =	sld [smem:$0x3FB4];
	_ =	sdelay $0x3  }
0x33: {  	p0 =	seq.s32 s10, $0x1;
	s10 =	sld [smem:$0x3FB6];
	_ =	sdelay $0x3  }
0x34: {  	[smem:$0x3FB6] =	sst s10  }
0x35: {  	s10 =	sld [smem:$0x3FB5];
	_ =	sdelay $0x3  }
0x36: {  	p1 =	seq.s32 s10, $0x1;
	s10 =	sld [smem:$0x3FB6];
	_ =	sdelay $0x3  }
0x37: {  	[smem:$0x3FB6] =	sst s10  }
0x38: {  	s10 =	sld [smem:$0x3FB7]  }
0x39: {  	_ = 	snop;
	(pc) =	sbr.ind lr, $3  }
0x3a: {  	_ = 	snop  }
0x3b: {  	_ = 	snop  }
0x3c: {  	p2 =	seq.s32 s10, $0x1;
	s10 =	sld [smem:$0x3FB6]  }
0x3d: {  	_ =	shalt  }
0x3e: {  	_ =	shalt  }
0x3f: {  	_ =	shalt  }
0x40: {  	_ =	shalt  }
0x41: {  	_ =	shalt  }
0x42: {  	_ =	shalt  }
0x43: {  	_ =	shalt  }
0x44: {  	_ =	shalt  }
0x45: {  	_ =	shalt  }
0x46: {  	_ =	shalt  }
0x47: {  	_ =	shalt  }
0x48: {  	_ =	shalt  }
0x49: {  	_ =	shalt  }
0x4a: {  	_ =	shalt  }
0x4b: {  	_ =	shalt  }
0x4c: {  	_ =	shalt  }
0x4d: {  	_ =	shalt  }
0x4e: {  	_ =	shalt  }
0x4f: {  	_ =	shalt  }
0x50: {  	_ =	shalt  }
0x51: {  	_ =	shalt  }
0x52: {  	_ =	shalt  }
0x53: {  	_ =	shalt  }
0x54: {  	_ =	shalt  }
0x55: {  	_ =	shalt  }
0x56: {  	_ =	shalt  }
0x57: {  	_ =	shalt  }
0x58: {  	_ =	shalt  }
0x59: {  	_ =	shalt  }
0x5a: {  	_ =	shalt  }
0x5b: {  	_ =	shalt  }
0x5c: {  	_ =	shalt  }
0x5d: {  	_ =	shalt  }
0x5e: {  	_ =	shalt  }
0x5f: {  	_ =	shalt  }
0x60: {  	_ =	shalt  }
0x61: {  	_ =	shalt  }
0x62: {  	_ =	shalt  }
0x63: {  	_ =	shalt  }
0x64: {  	_ =	shalt  }
0x65: {  	_ =	shalt  }
0x66: {  	_ =	shalt  }
0x67: {  	_ =	shalt  }
0x68: {  	_ =	shalt  }
0x69: {  	_ =	shalt  }
0x6a: {  	_ =	shalt  }
0x6b: {  	_ =	shalt  }
0x6c: {  	_ =	shalt  }
0x6d: {  	_ =	shalt  }
0x6e: {  	_ =	shalt  }
0x6f: {  	_ =	shalt  }
0x70: {  	_ =	shalt  }
0x71: {  	_ =	shalt  }
0x72: {  	_ =	shalt  }
0x73: {  	_ =	shalt  }
0x74: {  	_ =	shalt  }
0x75: {  	_ =	shalt  }
0x76: {  	_ =	shalt  }
0x77: {  	_ =	shalt  }
0x78: {  	_ =	shalt  }
0x79: {  	_ =	shalt  }
0x7a: {  	_ =	shalt  }
0x7b: {  	_ =	shalt  }
0x7c: {  	_ =	shalt  }
0x7d: {  	_ =	shalt  }
0x7e: {  	_ =	shalt  }
0x7f: {  	_ =	shalt  }
0x80: {  	_ =	shalt  }
0x81: {  	_ =	shalt  }
0x82: {  	_ =	shalt  }
0x83: {  	_ =	shalt  }
0x84: {  	_ =	shalt  }
0x85: {  	_ =	shalt  }
0x86: {  	_ =	shalt  }
0x87: {  	_ =	shalt  }
.Lfunc_end0:
.L_simem_size_0:
called_computation.2_lowered:
.L_overlay_start_0:
0x88: {  	s2 =	sld [smem:$0x3FD9]  }
0x89: {  	s3 =	sld [smem:$0x3FFE];
	_ =	sdelay $0x1  }
0x8a: {  	s1 =	srdreg.scid  }
0x8b: {  	s0 =	sand.u32 $0x1, s1  }
0x8c: {  	s17 =	sshll.u32 s0, $0xA;
	s2 =	sadd.s32 s3, s2  }
0x8d: {  	s2 =	sadd.s32 s2, s17  }
0x8e: {  	[smem:$0x3FC2] =	sst s2  }
0x8f: {  	_ = 	snop  }
0x90: {  	s2 =	sld [smem:$0x3FD0];
	(tm) =	ssettm $0x1  }
0x91: {  	s18 =	sld [smem:$0x3FFB];
	_ =	sdelay $0x3  }
0x92: {  	_ =	strace s18  }
0x93: {  	s3 =	sld [smem:$0x3FFC];
	_ =	sdelay $0x3  }
0x94: {  	_ =	strace s3  }
0x95: {  	s3 =	sld [smem:$0x3FFD];
	_ =	sdelay $0x3  }
0x96: {  	_ =	strace s3  }
0x97: {  	_ =	strace $0x8FFFFFFF  }
0x98: {  	s19 =	sld [smem:$0x3FDB];
	_ =	sdelay $0x1  }
0x99: {  	s4 =	simm.s32 $_scs_section_size  }
0x9a: {  	s5 =	simm.s32 $_size__tile_overlayer_lowered;
	s6 =	simm.s32 $_tile_overlayer_lowered  }
0x9b: {  	s22 =	simm.s32 $0x1BFF;
	s21 =	sshll.u32 s6, $0x1;
	s3 =	sadd.s32 s4, s19  }
0x9c: {  	s7 =	simm.s32 $0x0;
	s20 =	sshll.u32 s5, $0x1;
	s5 =	sadd.s32 s21, s3  }
0x9d: {  	[timem:s7], [sflag:s22] =	dma.local [hbm:s5], s20  }
0x9e: {  	_ =	swait.ge [sflag:s22], s20  }
0x9f: {  	s4 =	ssub.s32 $0x0, s20;
	[sflag:s22] =	ssyncset.done $0x0  }
0xa0: {  	[sflag:s22] =	ssyncadd.s32 s4;
	_ =	sdelay $0x1  }
0xa1: {  	s23 =	simm.s32 $0x1B8B  }
0xa2: {  	_ =	swait.ge [sflag:s23], $0x1  }
0xa3: {  	[sflag:s23] =	ssyncset.done $0x0  }
0xa4: {  	s25 =	simm.s32 $0x1B8E;
	s24 =	sld [smem:$0x3FFE];
	[sflag:s23] =	ssyncadd.s32 $0xFFFFFFFF  }
0xa5: {  	s26 =	simm.s32 $execute0_lowered;
	[smem:$0x3FD2] =	sst s25  }
0xa6: {  	s5 =	sshll.u32 s26, $0x1;
	_ =	strace $0x8000004C;
	[dreg:$0x1] =	wrdreg $0xFFFFFFFF  }
0xa7: {  	s28 =	simm.s32 $_size_execute0_lowered;
	s3 =	sadd.s32 s3, s5;
	[dreg:$0x0] =	wrdreg $0x0  }
0xa8: {  	s5 =	sshll.u32 s28, $0x1;
	[dreg:$0x2] =	wrdreg s3  }
0xa9: {  	[dreg:$0x3] =	wrdreg s5  }
0xaa: {  	[dreg:$0x4] =	wrdreg $0xC0  }
0xab: {  	_ =	task [dreg:s7], $0x5FFFF  }
0xac: {  	[dreg:$0x1] =	wrdreg $0xFFFFFFFF  }
0xad: {  	[dreg:$0x0] =	wrdreg $0x60  }
0xae: {  	[dreg:$0x2] =	wrdreg s24  }
0xaf: {  	[dreg:$0x3] =	wrdreg s2  }
0xb0: {  	[dreg:$0x4] =	wrdreg $0x9  }
0xb1: {  	_ =	task.clear_ibuf [dreg:s7], $0x5FFFF;
	_ =	strace $0x9000004C  }
0xb2: {  	s29 =	simm.s32 $0x9;
	_ =	strace $0x8000004E  }
0xb3: {  	_ =	swait.ge [sflag:s29], $0x1  }
0xb4: {  	[sflag:s29] =	ssyncadd.s32 $0xFFFFFFFF  }
0xb5: {  	_ =	strace $0x9000004E  }
0xb6: {  	_ =	sfence  }
0xb7: {  	s30 =	sld [smem:$0x0];
	_ =	sdelay $0x2  }
0xb8: {  	s31 =	sshll.u32 s1, $0xD;
	s1 =	sshrl.u32 s1, $0x2  }
0xb9: {  	s3 =	sand.u32 $0x4000, s31;
	s1 =	sadd.s32 s1, s30  }
0xba: {  	s0 =	sor.u32 s3, s0;
	s1 =	sshll.u32 s1, $0x11  }
0xbb: {  	s0 =	sor.u32 s1, s0  }
0xbc: {  	s0 =	sadd.s32 $0x8F2B, s0  }
0xbd: {  	[sflag:s0] =	ssyncadd.remote.s32 $0x1  }
0xbe: {  	_ =	sfence.sel $0xFFFF  }
0xbf: {  	[dreg:$0x0] =	wrdreg $0xFFFFFFFF;
	(pc) =	sbr.abs _section_cstart, $3  }
0xc0: {  	[dreg:$0x1] =	wrdreg $0xFFFFFFFF  }
0xc1: {  	_ =	task.clear_ibuf [dreg:s7], $0x2FFFF;
	_ =	strace $0x9FFFFFFF  }
0xc2: {  	(tm) =	ssettm $0x7FFFFFFF  }
0xc3: {  	_ =	shalt  }
tec
execute0_lowered:
.L_overlay_start_1:
0x0: {  	(tag) =	ssettag $0x1  }
0x1: {  	s1 =	srdreg.scid;
	s9 =	rddreg [dreg:$0x0]  }
0x2: {  	s0 =	stileid.u32;
	s3 =	rddreg [dreg:$0x1]  }
0x3: {  	s2 =	simm.s32 $0x0;
	s7 =	simm.s32 $0x80;
	s6 =	sand.u32 $0x1, s1  }
0x4: {  	s4 =	sshll.u32 s0, $0x7;
	s1 =	rddreg [dreg:$0x2];
	s5 =	sshll.u32 s6, $0x6  }
0x5: {  	s8 =	simm.s32 $0x1;
	[smem:$0x7FF] =	sst s2;
	s10 =	sor.u32 s5, s4  }
0x6: {  	_ =	strace $0x8000004D;
	s11 =	ssub.s32 $0x2, s6;
	s4 =	sshrl.u32 s10, $0x3  }
0x7: {  	s6 =	simm.s32 $0x40;
	s4 =	sadd.s32 s3, s4;
	s3 =	simm.s32 $0x2  }
0x8: {  	[tilespmem:s2], [sflag:$0x2] =	stream.linear.gather [hbm4b:s4+s2], $0x40, $0x38;
	[tilespmem:$0x2080] =	vst v63  }
0x9: {  	s5 =	sadd.s32 $0x188000, s9;
	s12 =	sshrl.u32 s11, $0x1;
	_ =	swait.ge [sflag:s3], $0x40  }
0xa: {  	s10 =	sshll.u32 s10, $0x4;
	s31 =	ssub.s32 s11, s12;
	[sflag:s3] =	ssyncset.done $0x0  }
0xb: {  	s9 =	sadd.s32 s10, s9;
	s10 =	smax.u32 s31, $0x1;
	[sflag:s3] =	ssyncadd.s32 $0xFFFFFFC0  }
0xc: {  	[tilespmem:s7], [sflag:$0x1] =	stream.indirect.gather [hbm4b:s5+s6], $0x80, s2, s6, $0xb8;
	[tilespmem:$0x2080] =	vst v63  }
0xd: {  	p0 =	sne.s32 s10, $0x1;
	_ =	swait.ge [sflag:s8], $0x2000  }
.Ltmp0:
0xe: {  	[sflag:s8] =	ssyncset.done $0x0;
	(pc) =	sbr.rel @!p0 .LBB2_2-.Ltmp0, $4  }
0xf: {  	s9 =	sadd.s32 $0xE00, s9;
	[sflag:s8] =	ssyncadd.s32 $0xFFFFE000  }
0x10: {  	[hbm4b:s9+s2] =	stream.linear.scatter [tilespmem:s7], [sflag:$0x2], $0x2000, $0x38;
	[tilespmem:$0x2080] =	vst v63  }
0x11: {  	_ =	swait.ge [sflag:s3], $0x2000  }
0x12: {  	s10 =	sadd.s32 $0xFFFFFFFF, s10;
	[sflag:s3] =	ssyncset.done $0x0  }
.LBB2_1:
0x13: {  	p0 =	sne.s32 s10, $0x1;
	s10 =	sadd.s32 $0xFFFFFFFF, s10;
	[sflag:s3] =	ssyncadd.s32 $0xFFFFE000  }
0x14: {  	[tilespmem:s2], [sflag:$0x2] =	stream.linear.gather [hbm4b:s4+s2], $0x40, $0x38;
	[tilespmem:$0x2080] =	vst v63  }
0x15: {  	_ =	swait.ge [sflag:s3], $0x40  }
0x16: {  	[sflag:s3] =	ssyncset.done $0x0  }
0x17: {  	[sflag:s3] =	ssyncadd.s32 $0xFFFFFFC0  }
0x18: {  	[tilespmem:s7], [sflag:$0x1] =	stream.indirect.gather [hbm4b:s5+s6], $0x80, s2, s6, $0xb8;
	[tilespmem:$0x2080] =	vst v63  }
0x19: {  	_ =	swait.ge [sflag:s8], $0x2000  }
.Ltmp1:
0x1a: {  	[sflag:s8] =	ssyncset.done $0x0;
	(pc) =	sbr.rel @p0 .LBB2_1-.Ltmp1, $4  }
0x1b: {  	[sflag:s8] =	ssyncadd.s32 $0xFFFFE000  }
0x1c: {  	[hbm4b:s9+s2] =	stream.linear.scatter [tilespmem:s7], [sflag:$0x2], $0x2000, $0x38;
	[tilespmem:$0x2080] =	vst v63  }
0x1d: {  	_ =	swait.ge [sflag:s3], $0x2000  }
0x1e: {  	[sflag:s3] =	ssyncset.done $0x0  }
.LBB2_2:
0x1f: {  	[sflag:s3] =	ssyncadd.s32 $0xFFFFE000  }
0x20: {  	_ =	sfence.sel $0x180000  }
0x21: {  	[bflag:$0x0] =	sbarrier.arrive $0xFFFF  }
0x22: {  	p0 =	sne.s32 s0, $0x0;
	_ =	strace $0x9000004D  }
0x23: {  	s0 =	sadd.s32 @!p0 $0x100000, s1;
	[bflag:$0x2] =	sbarrier.arrive $0xFFFF  }
0x24: {  	[sflag:s0] =	ssyncadd.tile.s32 @!p0 $0x1;
	_ =	shalt  }
.Lfunc_end2:
_tile_overlayer_lowered:
.L_overlay_start_2:
0x25: {  	(tag) =	ssettag $0x2  }
0x26: {  	s0 =	rddreg [dreg:$0x0];
	s2 =	stileid.u32  }
0x27: {  	s1 =	rddreg [dreg:$0x1];
	p0 =	sne.s32 s2, $0x0  }
0x28: {  	s3 =	rddreg [dreg:$0x2];
	[bflag:$0x3] =	sbarrier.arrive $0xFFFF;
	s2 =	simm.s32 @!p0 $0x1C02  }
0x29: {  	[timem:s3], [sflag:s2] =	dma.local @!p0 [hbm:s0], s1  }
0x2a: {  	s0 =	simm.s32 @!p0 $0x2  }
0x2b: {  	_ =	swait.ge @!p0 [sflag:s0], s1  }
0x2c: {  	s1 =	ssub.s32 @!p0 $0x0, s1;
	[sflag:s0] =	ssyncset.done @!p0 $0x0  }
0x2d: {  	[sflag:s0] =	ssyncadd.s32 @!p0 s1  }
0x2e: {  	[bflag:$0x3] =	sbarrier.arrive $0xFFFF  }
0x2f: {  	_ =	shalt  }

// kernel: scatter_offload_async_start
scs
__scs_entry_jumppad:
0x0: {  	(pc) =	sbr.rel $0x88, $3  }
0x1: {  	(tag) =	ssettag $0x0;
	lr =	simm.s32 $0x1  }
0x2: {  	[smem:$0x3F9B] =	sst lr;
	_ =	strace $0xD0000000  }
0x3: {  	_ = 	snop  }
0x4: {  	_ = 	snop  }
0x5: {  	_ = 	snop  }
0x6: {  	_ = 	snop  }
0x7: {  	_ = 	snop  }
__scs_overlays_trampoline_lowered:
0x8: {  	[smem:$0x3FAA] =	sst s0  }
0x9: {  	[smem:$0x3FAB] =	sst s1  }
0xa: {  	[smem:$0x3FAC] =	sst s2  }
0xb: {  	[smem:$0x3FAD] =	sst s3  }
0xc: {  	[smem:$0x3FAE] =	sst s4  }
0xd: {  	[smem:$0x3FAF] =	sst s5  }
0xe: {  	[smem:$0x3FB0] =	sst s6  }
0xf: {  	[smem:$0x3FB1] =	sst s7  }
0x10: {  	[smem:$0x3FB2] =	sst s8  }
0x11: {  	[smem:$0x3FB3] =	sst s9;
	s0 =	simm.s32 @!p0 $0x0  }
0x12: {  	s1 =	sld [smem:$0x3F99];
	s0 =	simm.s32 @p0 $0x1  }
0x13: {  	[smem:$0x3FB4] =	sst s0;
	s0 =	simm.s32 @!p1 $0x0  }
0x14: {  	s2 =	sld [smem:$0x3F98];
	s0 =	simm.s32 @p1 $0x1  }
0x15: {  	[smem:$0x3FB5] =	sst s0;
	s0 =	simm.s32 @!p2 $0x0  }
0x16: {  	s3 =	sld [smem:$0x3FDB];
	s0 =	simm.s32 @p2 $0x1  }
0x17: {  	s4 =	simm.s32 $0x1BF5;
	[smem:$0x3FB7] =	sst s0  }
0x18: {  	s0 =	sld [smem:$0x3F9A];
	_ =	swait.ge [sflag:s4], $0x0  }
0x19: {  	s7 =	sld [smem:$0x3F9B]  }
0x1a: {  	s8 =	sadd.s32 $0xFFFFE003, lr  }
0x1b: {  	s9 =	sadd.s32 $0xFFFFFEF7, lr;
	s5 =	simm.s32 $0xFFFFFFFF;
	p2 =	slt.u32 s8, $0xFFFFF086  }
0x1c: {  	p1 =	slt.u32 s9, $0xF7A;
	s5 =	simm.s32 @!p2 $0x0  }
0x1d: {  	s5 =	simm.s32 @p1 $0x1;
	p0 =	seq.s32 s7, s2  }
0x1e: {  	s7 =	smul.u32 @!p0 $0xF7A, s2;
	p2 =	seq.s32 @!p0 s5, $0x0  }
0x1f: {  	s9 =	smul.u32 $0xF7A, s1;
	s8 =	simm.s32 @!p0 $0x1BF5;
	p2 =	por !p2, p0  }
0x20: {  	[sflag:s8] =	ssyncset.s32 @!p0 $0xFFFFF086;
	s6 =	sadd.s32 @!p0 s3, s7;
	s7 =	simm.s32 @!p0 $0x108  }
0x21: {  	s3 =	sadd.s32 s3, s9;
	s6 =	sadd.s32 @!p0 $0x88, s6;
	s7 =	simm.s32 @p2 $0x1082  }
0x22: {  	[simem:s7], [sflag:s8] =	dma.local @!p0 [hbm:s6], $0xF7A  }
0x23: {  	s9 =	sor.u32 $0xD0000000, s2;
	s6 =	simm.s32 $0x108;
	_ =	swait.ge @!p0 [sflag:s8], $0x0  }
0x24: {  	s3 =	sadd.s32 $0x88, s3;
	s6 =	simm.s32 @!p1 $0x1082;
	[sflag:s4] =	ssyncset.s32 $0xFFFFF086  }
0x25: {  	[simem:s6], [sflag:s4] =	dma.local [hbm:s3], $0xF7A  }
0x26: {  	[smem:$0x3F9B] =	sst s1;
	(tag) =	ssettag s2;
	_ =	strace s9  }
0x27: {  	s1 =	sld [smem:$0x3FAB]  }
0x28: {  	s2 =	sld [smem:$0x3FAC]  }
0x29: {  	s4 =	sld [smem:$0x3FAE]  }
0x2a: {  	p0 =	seq.s32 s5, $0x0;
	s5 =	sld [smem:$0x3FAF]  }
0x2b: {  	s6 =	sld [smem:$0x3FB0]  }
0x2c: {  	s7 =	sld [smem:$0x3FB1]  }
0x2d: {  	s3 =	simm.s32 $0x108;
	s8 =	sld [smem:$0x3FB2]  }
0x2e: {  	s3 =	simm.s32 @!p0 $0x1082;
	s9 =	sld [smem:$0x3FB3]  }
0x2f: {  	lr =	sadd.s32 s0, s3;
	s0 =	sld [smem:$0x3FAA]  }
0x30: {  	s3 =	sld [smem:$0x3FAD]  }
0x31: {  	[smem:$0x3FB6] =	sst s10  }
0x32: {  	s10 =	sld [smem:$0x3FB4];
	_ =	sdelay $0x3  }
0x33: {  	p0 =	seq.s32 s10, $0x1;
	s10 =	sld [smem:$0x3FB6];
	_ =	sdelay $0x3  }
0x34: {  	[smem:$0x3FB6] =	sst s10  }
0x35: {  	s10 =	sld [smem:$0x3FB5];
	_ =	sdelay $0x3  }
0x36: {  	p1 =	seq.s32 s10, $0x1;
	s10 =	sld [smem:$0x3FB6];
	_ =	sdelay $0x3  }
0x37: {  	[smem:$0x3FB6] =	sst s10  }
0x38: {  	s10 =	sld [smem:$0x3FB7]  }
0x39: {  	_ = 	snop;
	(pc) =	sbr.ind lr, $3  }
0x3a: {  	_ = 	snop  }
0x3b: {  	_ = 	snop  }
0x3c: {  	p2 =	seq.s32 s10, $0x1;
	s10 =	sld [smem:$0x3FB6]  }
0x3d: {  	_ =	shalt  }
0x3e: {  	_ =	shalt  }
0x3f: {  	_ =	shalt  }
0x40: {  	_ =	shalt  }
0x41: {  	_ =	shalt  }
0x42: {  	_ =	shalt  }
0x43: {  	_ =	shalt  }
0x44: {  	_ =	shalt  }
0x45: {  	_ =	shalt  }
0x46: {  	_ =	shalt  }
0x47: {  	_ =	shalt  }
0x48: {  	_ =	shalt  }
0x49: {  	_ =	shalt  }
0x4a: {  	_ =	shalt  }
0x4b: {  	_ =	shalt  }
0x4c: {  	_ =	shalt  }
0x4d: {  	_ =	shalt  }
0x4e: {  	_ =	shalt  }
0x4f: {  	_ =	shalt  }
0x50: {  	_ =	shalt  }
0x51: {  	_ =	shalt  }
0x52: {  	_ =	shalt  }
0x53: {  	_ =	shalt  }
0x54: {  	_ =	shalt  }
0x55: {  	_ =	shalt  }
0x56: {  	_ =	shalt  }
0x57: {  	_ =	shalt  }
0x58: {  	_ =	shalt  }
0x59: {  	_ =	shalt  }
0x5a: {  	_ =	shalt  }
0x5b: {  	_ =	shalt  }
0x5c: {  	_ =	shalt  }
0x5d: {  	_ =	shalt  }
0x5e: {  	_ =	shalt  }
0x5f: {  	_ =	shalt  }
0x60: {  	_ =	shalt  }
0x61: {  	_ =	shalt  }
0x62: {  	_ =	shalt  }
0x63: {  	_ =	shalt  }
0x64: {  	_ =	shalt  }
0x65: {  	_ =	shalt  }
0x66: {  	_ =	shalt  }
0x67: {  	_ =	shalt  }
0x68: {  	_ =	shalt  }
0x69: {  	_ =	shalt  }
0x6a: {  	_ =	shalt  }
0x6b: {  	_ =	shalt  }
0x6c: {  	_ =	shalt  }
0x6d: {  	_ =	shalt  }
0x6e: {  	_ =	shalt  }
0x6f: {  	_ =	shalt  }
0x70: {  	_ =	shalt  }
0x71: {  	_ =	shalt  }
0x72: {  	_ =	shalt  }
0x73: {  	_ =	shalt  }
0x74: {  	_ =	shalt  }
0x75: {  	_ =	shalt  }
0x76: {  	_ =	shalt  }
0x77: {  	_ =	shalt  }
0x78: {  	_ =	shalt  }
0x79: {  	_ =	shalt  }
0x7a: {  	_ =	shalt  }
0x7b: {  	_ =	shalt  }
0x7c: {  	_ =	shalt  }
0x7d: {  	_ =	shalt  }
0x7e: {  	_ =	shalt  }
0x7f: {  	_ =	shalt  }
0x80: {  	_ =	shalt  }
0x81: {  	_ =	shalt  }
0x82: {  	_ =	shalt  }
0x83: {  	_ =	shalt  }
0x84: {  	_ =	shalt  }
0x85: {  	_ =	shalt  }
0x86: {  	_ =	shalt  }
0x87: {  	_ =	shalt  }
.Lfunc_end0:
.L_simem_size_0:
called_computation_lowered:
.L_overlay_start_0:
0x88: {  	s0 =	sld [smem:$0x3FD9]  }
0x89: {  	s1 =	sld [smem:$0x3FFE];
	_ =	sdelay $0x3  }
0x8a: {  	s0 =	sadd.s32 s1, s0  }
0x8b: {  	[smem:$0x3FC2] =	sst s0  }
0x8c: {  	_ = 	snop  }
0x8d: {  	(tm) =	ssettm $0x1  }
0x8e: {  	s15 =	sld [smem:$0x3FFB];
	_ =	sdelay $0x3  }
0x8f: {  	_ =	strace s15  }
0x90: {  	s0 =	sld [smem:$0x3FFC];
	_ =	sdelay $0x3  }
0x91: {  	_ =	strace s0  }
0x92: {  	s0 =	sld [smem:$0x3FFD];
	_ =	sdelay $0x3  }
0x93: {  	_ =	strace s0  }
0x94: {  	_ =	strace $0x8FFFFFFF  }
0x95: {  	s16 =	sld [smem:$0x3FDB];
	_ =	sdelay $0x1  }
0x96: {  	s17 =	simm.s32 $_scs_section_size  }
0x97: {  	s2 =	simm.s32 $_size__tile_overlayer_lowered;
	s3 =	simm.s32 $_tile_overlayer_lowered  }
0x98: {  	s20 =	simm.s32 $0x1BFF;
	s19 =	sshll.u32 s3, $0x1;
	s0 =	sadd.s32 s17, s16  }
0x99: {  	s4 =	simm.s32 $0x0;
	s18 =	sshll.u32 s2, $0x1;
	s2 =	sadd.s32 s19, s0  }
0x9a: {  	[timem:s4], [sflag:s20] =	dma.local [hbm:s2], s18  }
0x9b: {  	_ =	swait.ge [sflag:s20], s18  }
0x9c: {  	s1 =	ssub.s32 $0x0, s18;
	[sflag:s20] =	ssyncset.done $0x0  }
0x9d: {  	[sflag:s20] =	ssyncadd.s32 s1;
	_ =	sdelay $0x1  }
0x9e: {  	s21 =	simm.s32 $0x1B8B  }
0x9f: {  	_ =	swait.ge [sflag:s21], $0x1  }
0xa0: {  	[sflag:s21] =	ssyncset.done $0x0  }
0xa1: {  	s23 =	simm.s32 $0x1B8E;
	s22 =	sld [smem:$0x3FFE];
	[sflag:s21] =	ssyncadd.s32 $0xFFFFFFFF  }
0xa2: {  	s24 =	simm.s32 $execute0_lowered;
	[smem:$0x3FD2] =	sst s23  }
0xa3: {  	s2 =	sshll.u32 s24, $0x1;
	_ =	strace $0x80000046;
	[dreg:$0x1] =	wrdreg $0xFFFFFFFF  }
0xa4: {  	s25 =	simm.s32 $_size_execute0_lowered;
	s0 =	sadd.s32 s0, s2;
	[dreg:$0x0] =	wrdreg $0x0  }
0xa5: {  	s2 =	sshll.u32 s25, $0x1;
	[dreg:$0x2] =	wrdreg s0  }
0xa6: {  	[dreg:$0x3] =	wrdreg s2  }
0xa7: {  	[dreg:$0x4] =	wrdreg $0xC0  }
0xa8: {  	_ =	task [dreg:s4], $0x5FFFF  }
0xa9: {  	[dreg:$0x1] =	wrdreg $0xFFFFFFFF  }
0xaa: {  	[dreg:$0x0] =	wrdreg $0x60  }
0xab: {  	[dreg:$0x2] =	wrdreg s22  }
0xac: {  	[dreg:$0x3] =	wrdreg $0x9  }
0xad: {  	_ =	task.clear_ibuf [dreg:s4], $0x4FFFF;
	_ =	strace $0x90000046  }
0xae: {  	s26 =	simm.s32 $0x9;
	_ =	strace $0x80000048  }
0xaf: {  	_ =	swait.ge [sflag:s26], $0x1  }
0xb0: {  	[sflag:s26] =	ssyncadd.s32 $0xFFFFFFFF  }
0xb1: {  	_ =	strace $0x90000048  }
0xb2: {  	_ =	sfence  }
0xb3: {  	s28 =	sld [smem:$0x0];
	_ =	sdelay $0x1  }
0xb4: {  	s29 =	srdreg.scid  }
0xb5: {  	s30 =	sshll.u32 s29, $0xD;
	s31 =	sshrl.u32 s29, $0x2  }
0xb6: {  	s1 =	sand.u32 $0x1, s29;
	s2 =	sand.u32 $0x4000, s30;
	s0 =	sadd.s32 s31, s28  }
0xb7: {  	s1 =	sor.u32 s2, s1;
	s0 =	sshll.u32 s0, $0x11  }
0xb8: {  	s0 =	sor.u32 s0, s1  }
0xb9: {  	s0 =	sadd.s32 $0x8F2B, s0  }
0xba: {  	[sflag:s0] =	ssyncadd.remote.s32 $0x1  }
0xbb: {  	_ =	sfence.sel $0xFFFF  }
0xbc: {  	[dreg:$0x0] =	wrdreg $0xFFFFFFFF;
	(pc) =	sbr.abs _section_cstart, $3  }
0xbd: {  	[dreg:$0x1] =	wrdreg $0xFFFFFFFF  }
0xbe: {  	_ =	task.clear_ibuf [dreg:s4], $0x2FFFF;
	_ =	strace $0x9FFFFFFF  }
0xbf: {  	(tm) =	ssettm $0x7FFFFFFF  }
tec
execute0_lowered:
.L_overlay_start_1:
0x0: {  	(tag) =	ssettag $0x1  }
0x1: {  	s0 =	rddreg [dreg:$0x0];
	_ =	strace $0x80000047;
	s3 =	simm.s32 $0x1  }
0x2: {  	v1 =	vimm.s32 $0xFFFFFFFF;
	[sflag:s3] =	ssyncpa.u1 $0x0  }
0x3: {  	[tilespmem:$0x10] =	vst v1  }
0x4: {  	v0 =	vimm.f32 $-Inf;
	[tilespmem:$0x20] =	vst v1  }
0x5: {  	[tilespmem:$0x30] =	vst v0  }
0x6: {  	s2 =	simm.s32 $0x2;
	s6 =	simm.s32 $0x7;
	[tilespmem:$0x40] =	vst v0  }
0x7: {  	s26 =	stileid.u32;
	s7 =	simm.s32 $0x8;
	s31 =	simm.s32 $0x9;
	[tilespmem:$0x50] =	vst v0  }
0x8: {  	s14 =	simm.s32 $0x0;
	s15 =	simm.s32 $0x100;
	s19 =	simm.s32 $0x2500;
	[tilespmem:$0x60] =	vst v1  }
0x9: {  	s20 =	simm.s32 $0xF;
	s21 =	simm.s32 $0x50;
	s22 =	simm.s32 $0x10FF;
	[tilespmem:$0x70] =	vst v1  }
0xa: {  	s23 =	simm.s32 $0x20;
	s24 =	simm.s32 $0x30;
	s25 =	simm.s32 $0x20FF;
	[tilespmem:$0x80] =	vst v1  }
0xb: {  	s30 =	simm.s32 $0x0;
	s29 =	simm.s32 $0x0;
	s1 =	sadd.s32 $0x189000, s0;
	v1 =	vimm.s32 $0x0;
	[tilespmem:$0xB0] =	vst v0  }
.Ltmp0:
0xc: {  	s4 =	sadd.s32 $0x188000, s0;
	s5 =	sadd.s32 $0x188800, s0;
	[tilespmem:$0x90] =	vst v1;
	(pc) =	sbr.rel .LBB2_1-.Ltmp0, $4  }
0xd: {  	s8 =	sshll.u32 s26, $0xA;
	s10 =	sshll.u32 s26, $0x1;
	[tilespmem:$0xA0] =	vst v1;
	[sflag:s2] =	ssyncpa.u1 $0x0  }
0xe: {  	s12 =	sshllo.u32 s26, $0x1;
	s26 =	simm.s32 $0x80;
	[sflag:s6] =	ssyncpa.u1 $0x0  }
0xf: {  	vm0 =	vmmov $0xffff;
	v2 =	vlaneseq.u32;
	vm1 =	vmxor vm1, vm1;
	s9 =	sadd.s32 $0x400, s8;
	s11 =	sor.u32 $0x81, s10;
	[sflag:s7] =	ssyncpa.u1 $0x0  }
0x10: {  	vm2 =	vmmov $0x1;
	v3 =	vimm.f32 $0.0e+00;
	vm3 =	vcmask $0x3F3C;
	s13 =	sor.u32 $0x80, s10;
	s28 =	smov.u32 s8;
	[sflag:s31] =	ssyncpa.u1 $0x0  }
.LBB2_3:
0x11: {  	s0 =	sshrl.u32 s28, $0x3  }
0x12: {  	s2 =	sand.u32 $0x7, s28;
	s0 =	sadd.s32 s4, s0  }
0x13: {  	[tilespmem:s15], [sflag:$0x7] =	stream.linear.gather [hbm4b:s0+s2], $0x400, $0x38;
	[tilespmem:$0x2520] =	vst v63  }
.LBB2_4:
0x14: {  	s0 =	sadd.s32 $0x400, s28  }
0x15: {  	s2 =	smov.u32 s8;
	s29 =	sadd.s32 $0x1, s29;
	p0 =	slt.s32 s0, s9  }
0x16: {  	s2 =	smov.u32 @p0 s0;
	p0 =	sne.s32 s29, $0x4  }
.Ltmp1:
0x17: {  	_ = 	snop;
	(pc) =	sbr.rel @!p0 .LBB2_13-.Ltmp1, $2  }
0x18: {  	_ =	sdelay $0x2  }
0x19: {  	s30 =	smov.u32 s28;
	s28 =	smov.u32 s2  }
.LBB2_1:
0x1a: {  	p0 =	sgt.s32 s29, $0x1  }
.Ltmp2:
0x1b: {  	_ = 	snop;
	(pc) =	sbr.rel @p0 .LBB2_11-.Ltmp2, $1  }
0x1c: {  	_ =	sdelay $0x3  }
0x1d: {  	p0 =	seq.s32 s29, $0x0  }
.Ltmp3:
0x1e: {  	_ = 	snop;
	(pc) =	sbr.rel @p0 .LBB2_3-.Ltmp3, $1  }
0x1f: {  	_ =	sdelay $0x3  }
0x20: {  	_ =	swait.ge [sflag:s6], $0x400  }
0x21: {  	[sflag:s6] =	ssyncset.done $0x0  }
0x22: {  	[sflag:s6] =	ssyncadd.s32 $0xFFFFFC00;
	(ifvalue) =	ssetifvalue $0xFFFFFFFF;
	v4 =	vld.msk [tilespmem:s15+$0x0 ss:$0x1], $0xffff;
	_ =	sdelay $0x4  }
0x23: {  	v5 =	vperm.xlane v4, v1  }
0x24: {  	vm4 =	vlt.u32 v4, $0x19000  }
0x25: {  	v4 =	vnsel vm4, $0xFFFFFFFE, v4;
	vm4 =	vlt.u32 v5, $0x19000  }
0x26: {  	[tilespmem:$0x70] =	vst v4;
	v4 =	vnsel vm4, $0xFFFFFFFE, v5  }
0x27: {  	s17 =	simm.s32 $0x4F0;
	[tilespmem:$0x80] =	vst v4  }
0x28: {  	v4 =	vld.msk [tilespmem:s17+$0x0 ss:$0x1], $0xffff;
	_ =	sdelay $0x4  }
0x29: {  	(xrf1) =	vunique.msk.u32 $0xffff, v4;
	_ =	sdelay $0xd  }
0x2a: {  	v5 =	vimm.s32 $0xFFFFFFFF;
	v6, _, _ =	vpop (xrf1)  }
0x2b: {  	vm5 =	vne.s32 v4, v5;
	vm4 =	veq.s32 v6, v2  }
0x2c: {  	vm6 =	vlt.u32 v4, $0x19000;
	vm4 =	vmand vm5, vm4  }
0x2d: {  	vm4 =	vmand vm6, vm4  }
0x2e: {  	v5 =	vnsel vm4, $0xFFFFFFFF, v4;
	_ =	sdelay $0x3  }
0x2f: {  	s0 =	simm.s32 $0x10F0;
	(ifvalue) =	ssetifvalue $0xFFFFFFFF  }
0x30: {  	v4 =	vperm.xlane v4, v1;
	[tilespmem:s0], [sflag:$0x8] =	stream.indirect_vreg.gather [hbm4b:s1+s14], $0x1, v5, vm0, $0x4038;
	v5 =	vnsel vm6, $0xFFFFFFFE, v5;
	[tilespmem:$0x2520] =	vst v63  }
0x31: {  	s2 =	simm.s32 $0x0;
	s16 =	simm.s32 $0x4E0;
	[tilespmem:s17+$0x0] =	vst v5  }
.LBB2_6:
0x32: {  	v5 =	vld.msk [tilespmem:s16+$0x0 ss:$0x1], $0xffff;
	s2 =	sadd.s32 $0x10, s2;
	v6 =	vmov v4;
	s17 =	smov.u32 s16  }
0x33: {  	p0 =	slt.u32 s2, $0x3F0;
	_ =	sdelay $0x4  }
0x34: {  	v4 =	vperm.xlane v5, v1;
	(xrf1) =	vunique.msk.u32 $0xffff, v5;
	_ =	sdelay $0xd  }
0x35: {  	v7, _, _ =	vpop (xrf1)  }
0x36: {  	vm5 =	vne.s32 v5, v6;
	vm4 =	veq.s32 v7, v2  }
0x37: {  	vm6 =	vlt.u32 v5, $0x19000;
	vm4 =	vmand vm5, vm4  }
0x38: {  	vm4 =	vmand vm6, vm4  }
0x39: {  	v5 =	vnsel vm4, $0xFFFFFFFF, v5  }
.Ltmp4:
0x3a: {  	v6 =	vnsel vm6, $0xFFFFFFFE, v5;
	(pc) =	sbr.rel @p0 .LBB2_6-.Ltmp4, $3  }
0x3b: {  	_ =	sdelay $0x1  }
0x3c: {  	s16 =	sadd.s32 $0xFFFFFFF0, s16;
	s0 =	sadd.s32 $0xFFFFFFF0, s0;
	(ifvalue) =	ssetifvalue $0xFFFFFFFF  }
0x3d: {  	[tilespmem:s0], [sflag:$0x8] =	stream.indirect_vreg.gather [hbm4b:s1+s14], $0x1, v5, vm0, $0x4038;
	[tilespmem:s17+$0x0] =	vst v6  }
.Ltmp5:
0x3e: {  	(pc) =	sbr.rel .LBB2_4-.Ltmp5, $4  }
0x3f: {  	_ = 	snop  }
0x40: {  	s0 =	sshrl.u32 s30, $0x3  }
0x41: {  	s2 =	simm.s32 $0x1500;
	s0 =	sadd.s32 s5, s0  }
0x42: {  	[tilespmem:s2], [sflag:$0x8] =	stream.linear.gather [hbm:s0], $0x400, $0x38;
	[tilespmem:$0x2520] =	vst v63  }
.LBB2_11:
0x43: {  	p0 =	seq.s32 s29, $0x2  }
.Ltmp6:
0x44: {  	_ = 	snop;
	(pc) =	sbr.rel @!p0 .LBB2_12-.Ltmp6, $1  }
0x45: {  	_ =	sdelay $0x3  }
0x46: {  	_ =	swait.ge [sflag:s7], $0x800  }
0x47: {  	[sflag:s7] =	ssyncset.done $0x0  }
0x48: {  	s0 =	simm.s32 $0x4FF;
	[sflag:s7] =	ssyncadd.s32 $0xFFFFF800  }
0x49: {  	[spmem:s11] =	stream.linear.scatter [tilespmem:s0], [sflag:$0x1], $0x1, $0x38;
	[tilespmem:$0x2520] =	vst v63  }
0x4a: {  	_ =	swait.ge [sflag:s3], $0x1  }
0x4b: {  	[sflag:s3] =	ssyncset.done $0x0  }
0x4c: {  	[sflag:s3] =	ssyncadd.s32 $0xFFFFFFFF  }
0x4d: {  	v5 =	vld [tilespmem:$0x10]  }
0x4e: {  	v6 =	vld [tilespmem:$0x70]  }
0x4f: {  	v4 =	vld [tilespmem:$0x80];
	_ =	sdelay $0x2  }
0x50: {  	(v2sf) =	vpush v5, $0x0  }
0x51: {  	(v2sf) =	vpush v6, $0x0  }
0x52: {  	(v2sf) =	vpush v4, $0x0;
	_ =	sdelay $0xc  }
0x53: {  	s18 =	spop (v2sf)  }
0x54: {  	s2 =	spop (v2sf)  }
0x55: {  	s30 =	spop (v2sf)  }
0x56: {  	p0 =	seq.s32 s18, s2;
	p1 =	seq.s32 s30, s18  }
0x57: {  	p1 =	por p0, p1  }
0x58: {  	s2 =	simm.s32 $0x10;
	v5 =	vpsel p1, $0xFFFFFFFF, v5  }
0x59: {  	[tilespmem:s2+$0x0] =	vst.msk $0x1, v5  }
0x5a: {  	v5 =	vld [tilespmem:$0x30]  }
0x5b: {  	v6 =	vld [tilespmem:$0x1500]  }
0x5c: {  	v7 =	vld [tilespmem:$0x40];
	_ =	sdelay $0x2  }
0x5d: {  	vm4 =	vmmov vm1  }
0x5e: {  	vm5 =	vmmov vm2;
	s16 =	simm.s32 $0x1500;
	vm4 =	vmmov @p0 vm2;
	v6 =	vmax.f32 v5, v6  }
0x5f: {  	vm5 =	vmmov @p1 vm1;
	v5 =	vmax.f32 v5, v7;
	[tilespmem:s16+$0x0] =	vst.msk vm4, v6  }
0x60: {  	[tilespmem:s19+$0x0] =	vst.msk vm5, v5  }
0x61: {  	v5 =	vld [tilespmem:$0x10F0];
	_ =	sdelay $0x4  }
0x62: {  	v5 =	vshift.insert v5, v3, s20;
	_ =	sdelay $0x1  }
0x63: {  	v6 =	vimm.f32 $-Inf;
	[tilespmem:s21+$0x0] =	vst.msk $0x1, v5  }
0x64: {  	[tilespmem:s22+$0x0] =	vst.msk $0x1, v6  }
0x65: {  	v5 =	vld [tilespmem:$0x4F0];
	_ =	sdelay $0x4  }
0x66: {  	v5 =	vshift.insert v5, v1, s20;
	_ =	sdelay $0x1  }
0x67: {  	s17 =	simm.s32 $0x100;
	[tilespmem:s23+$0x0] =	vst.msk $0x1, v5  }
0x68: {  	v7 =	vld [tilespmem:s17+$0x0]  }
0x69: {  	v8 =	vld [tilespmem:s16+$0x0];
	_ =	sdelay $0x4  }
0x6a: {  	vm4 =	vne.s32 v7, $0xFFFFFFFF;
	v6 =	vmax.f32 v8, v6  }
0x6b: {  	(xrf0) =	vmax.seg.scan.f32 vm4, v6  }
0x6c: {  	s18 =	simm.s32 $0xD00;
	v8 =	vld [tilespmem:$0xA0]  }
0x6d: {  	v9 =	vld [tilespmem:s18+$0x0];
	_ =	sdelay $0x1  }
0x6e: {  	v6 =	vperm.xlane v5, v1;
	_ =	sdelay $0x1  }
0x6f: {  	vm6 =	veq.s32 v7, v4;
	vm7 =	veq.s32 v7, v6;
	vm5 =	veq.s32 v8, $0x1;
	v8, _, _ =	vpop (xrf0)  }
0x70: {  	vm8 =	vgt.u32 v7, $0xFFFFFFFD;
	vm7 =	vmor vm7, vm6;
	v9 =	vmax.f32 v8, v9  }
0x71: {  	s31 =	simm.s32 $0x1D00;
	v10 =	vld [tilespmem:$0x90];
	vm7 =	vmor vm7, vm8;
	v9 =	vsel vm6, v8, v9  }
0x72: {  	[tilespmem:s31+$0x0] =	vst v9;
	v9 =	vsel vm7, $0xFFFFFFFF, v7;
	_ =	sdelay $0x1  }
0x73: {  	vm9 =	vmand vm4, vm3  }
0x74: {  	s0 =	simm.s32 $0x0;
	s2 =	simm.s32 $0x1510;
	s16 =	simm.s32 $0x110;
	v11 =	vsel vm9, $0xFF800000, v8  }
0x75: {  	s17 =	simm.s32 $0x1D10;
	s18 =	simm.s32 $0xD10;
	vm4 =	vmor vm5, vm6;
	v7 =	vsel vm6, v8, v10;
	v8 =	vshift.insert v11, v0, s20;
	(ifvalue) =	ssetifvalue $0xFFFFFFFF  }
.LBB2_9:
0x76: {  	[hbm4b:s1+s14] =	stream.indirect_vreg.scatter [tilespmem:s31], [sflag:$0x2], $0x1, v9, vm0, $0x4038;
	[tilespmem:$0x2520] =	vst v63  }
0x77: {  	s0 =	sadd.s32 $0x10, s0;
	s31 =	smov.u32 s17;
	v9 =	vld [tilespmem:s16+$0x0]  }
0x78: {  	p0 =	slt.u32 s0, $0x3F0;
	v10 =	vld [tilespmem:s2+$0x0];
	_ =	sdelay $0x4  }
0x79: {  	vm5 =	vne.s32 v9, $0xFFFFFFFF;
	v8 =	vmax.f32 v10, v8  }
0x7a: {  	(xrf0) =	vmax.seg.scan.f32 vm5, v8;
	_ =	sdelay $0x1  }
0x7b: {  	v8 =	vld [tilespmem:s18+$0x0]  }
0x7c: {  	vm6 =	veq.s32 v9, v4;
	vm7 =	veq.s32 v9, v6  }
0x7d: {  	vm8 =	vgt.u32 v9, $0xFFFFFFFD;
	vm4 =	vmor vm4, vm6;
	vm7 =	vmor vm7, vm6  }
0x7e: {  	vm7 =	vmor vm7, vm8  }
.Ltmp7:
0x7f: {  	vm5 =	vmand vm5, vm3;
	v9 =	vsel vm7, $0xFFFFFFFF, v9;
	v10, _, _ =	vpop (xrf0);
	(pc) =	sbr.rel @p0 .LBB2_9-.Ltmp7, $4  }
0x80: {  	v7 =	vsel vm6, v10, v7;
	v8 =	vmax.f32 v10, v8;
	v11 =	vsel vm5, $0xFF800000, v10  }
0x81: {  	v10 =	vsel vm6, v10, v8;
	v8 =	vshift.insert v11, v0, s20  }
0x82: {  	s16 =	sadd.s32 $0x10, s16;
	s2 =	sadd.s32 $0x10, s2;
	[tilespmem:s17+$0x0] =	vst v10  }
0x83: {  	s18 =	sadd.s32 $0x10, s18;
	s17 =	sadd.s32 $0x10, s17;
	(ifvalue) =	ssetifvalue $0xFFFFFFFF  }
0x84: {  	_ =	sdelay $0x3  }
0x85: {  	[hbm4b:s1+s14] =	stream.indirect_vreg.scatter [tilespmem:s31], [sflag:$0x2], $0x1, v9, vm0, $0x4038;
	[tilespmem:$0x2520] =	vst v63  }
0x86: {  	v4 =	vld [tilespmem:$0x20F0];
	_ =	sdelay $0x4  }
0x87: {  	v4 =	vshift.insert v4, v3, s20;
	_ =	sdelay $0x1  }
0x88: {  	[tilespmem:s24+$0x0] =	vst.msk $0x1, v4  }
0x89: {  	v4 =	vsel vm4, $0x1, v1;
	[tilespmem:$0x90] =	vst v7  }
0x8a: {  	[tilespmem:$0xA0] =	vst v4  }
0x8b: {  	[spmem:s12] =	stream.linear.scatter [tilespmem:s25], [sflag:$0x1], $0x1, $0x38;
	[tilespmem:$0x2520] =	vst v63  }
0x8c: {  	v4 =	vmctz.xlane vm4;
	_ =	swait.ge [sflag:s3], $0x1  }
0x8d: {  	(v2sf) =	vpush v5, $0x0  }
0x8e: {  	(v2sf) =	vpush v4, $0x0;
	_ =	sdelay $0xd  }
0x8f: {  	s0 =	spop (v2sf)  }
0x90: {  	s2 =	spop (v2sf)  }
0x91: {  	[sflag:s3] =	ssyncset.done $0x0;
	p0 =	sne.s32 s30, s0;
	p1 =	slt.s32 s2, $0xF  }
0x92: {  	[sflag:s3] =	ssyncadd.s32 $0xFFFFFFFF;
	v4 =	vimm.s32 @!p0 $0xFFFFFFFF;
	s2 =	simm.s32 @!p1 $0xF  }
0x93: {  	[tilespmem:$0x80] =	vst @!p0 v4;
	s31 =	sadd.s32 $0x90, s2  }
0x94: {  	[spmem:s10] =	stream.linear.scatter [tilespmem:s31], [sflag:$0x1], $0x1, $0x38;
	[tilespmem:$0x2520] =	vst v63  }
0x95: {  	_ =	swait.ge [sflag:s3], $0x1  }
0x96: {  	[sflag:s3] =	ssyncset.done $0x0  }
0x97: {  	[sflag:s3] =	ssyncadd.s32 $0xFFFFFFFF  }
0x98: {  	[spmem:s13] =	stream.linear.scatter [tilespmem:s26], [sflag:$0x1], $0x1, $0x38;
	[tilespmem:$0x2520] =	vst v63  }
0x99: {  	_ =	swait.ge [sflag:s3], $0x1  }
0x9a: {  	[sflag:s3] =	ssyncset.done $0x0  }
0x9b: {  	[sflag:s3] =	ssyncadd.s32 $0xFFFFFFFF;
	(ifvalue) =	ssetifvalue $0xFFFFFFFF;
	v4 =	vld [tilespmem:$0x10];
	_ =	sdelay $0x3  }
.Ltmp8:
0x9c: {  	_ = 	snop;
	(pc) =	sbr.rel .LBB2_4-.Ltmp8, $3  }
0x9d: {  	_ =	sdelay $0x1  }
0x9e: {  	(ifvalue) =	ssetifvalue $0xFFFFFFFF  }
0x9f: {  	[hbm4b:s1+s14] =	stream.indirect_vreg.scatter [tilespmem:s19], [sflag:$0x9], $0x1, v4, vm0, $0x4038;
	[tilespmem:$0x2520] =	vst v63  }
.LBB2_12:
0xa0: {  	s0 =	simm.s32 $0x2  }
0xa1: {  	_ =	swait.ge [sflag:s0], $0x400  }
0xa2: {  	[sflag:s0] =	ssyncset.done $0x0  }
0xa3: {  	s31 =	simm.s32 $0x9;
	[sflag:s0] =	ssyncadd.s32 $0xFFFFFC00  }
0xa4: {  	_ =	swait.ge [sflag:s31], $0x10  }
0xa5: {  	[sflag:s31] =	ssyncset.done $0x0  }
0xa6: {  	[sflag:s31] =	ssyncadd.s32 $0xFFFFFFF0  }
.LBB2_13:
0xa7: {  	_ =	sfence.sel $0x180000  }
0xa8: {  	s0 =	simm.s32 $0x7;
	[bflag:$0x0] =	sbarrier.arrive $0xFFFF  }
0xa9: {  	s26 =	simm.s32 $0x8;
	[sflag:s0] =	ssyncpa.u1 $0x1  }
0xaa: {  	s28 =	simm.s32 $0x9;
	[sflag:s26] =	ssyncpa.u1 $0x1  }
0xab: {  	[sflag:s28] =	ssyncpa.u1 $0x1  }
0xac: {  	_ =	sfence.stream.spmem  }
0xad: {  	s29 =	simm.s32 $0x3;
	[bflag:$0x0] =	sbarrier.arrive $0xFFFF  }
0xae: {  	s30 =	simm.s32 $0x4;
	[sflag:s29] =	ssyncpa.u1 $0x1  }
0xaf: {  	s31 =	simm.s32 $0x3C;
	s2 =	stileid.u32;
	[sflag:s30] =	ssyncpa.u1 $0x1  }
0xb0: {  	p0 =	sne.s32 s2, $0x0;
	[sflag:s31] =	ssyncpa.u1 $0x1  }
0xb1: {  	s0 =	simm.s32 @p0 $0x1;
	_ =	sfence @p0  }
0xb2: {  	[sflag:s0] =	ssyncpa.u1 @p0 $0x1;
	s0 =	simm.s32 @p0 $0x2  }
0xb3: {  	[sflag:s0] =	ssyncpa.u1 @p0 $0x1  }
0xb4: {  	_ =	strace @p0 $0x90000047  }
0xb5: {  	[bflag:$0x2] =	sbarrier.arrive @p0 $0xFFFF  }
0xb6: {  	_ =	shalt @p0  }
.LBB2_14:
0xb7: {  	_ =	sfence.stream.spmem;
	s0 =	simm.s32 $0x5  }
0xb8: {  	s2 =	simm.s32 $0x80;
	s3 =	simm.s32 $0xC0;
	[sflag:s0] =	ssyncpa.u1 $0x0  }
0xb9: {  	[tilespmem:s3], [sflag:$0x5] =	stream.linear.gather [spmem:s2], $0x20, $0x38;
	[tilespmem:$0x2520] =	vst v63  }
0xba: {  	s30 =	simm.s32 $0xE0;
	s2 =	simm.s32 $0x0  }
0xbb: {  	[tilespmem:s30], [sflag:$0x5] =	stream.linear.gather [spmem:s2], $0x20, $0x38;
	[tilespmem:$0x2520] =	vst v63  }
.Ltmp9:
0xbc: {  	_ = 	snop;
	(pc) =	sbr.rel .LBB2_15-.Ltmp9, $4  }
0xbd: {  	_ =	swait.ge [sflag:s0], $0x40  }
0xbe: {  	[sflag:s0] =	ssyncset.done $0x0  }
0xbf: {  	s31 =	simm.s32 $0x6;
	[sflag:s0] =	ssyncadd.s32 $0xFFFFFFC0  }
0xc0: {  	s3 =	simm.s32 $0x0;
	[sflag:s31] =	ssyncpa.u1 $0x0  }
.LBB2_20:
0xc1: {  	p0 =	sgt.u32 s4, $0x18FFF  }
0xc2: {  	s0 =	sshrl.u32 @!p0 s4, $0x3  }
0xc3: {  	s4 =	sand.u32 @!p0 $0x7, s4;
	s5 =	simm.s32 @!p0 $0xB0;
	s0 =	sadd.s32 @!p0 s1, s0  }
0xc4: {  	[tilespmem:s5], [sflag:$0x6] =	stream.linear.gather @!p0 [hbm4b:s0+s4], $0x1, $0x38;
	[tilespmem:$0x2520] =	vst v63  }
0xc5: {  	s0 =	simm.s32 @!p0 $0x6  }
0xc6: {  	_ =	swait.ge @!p0 [sflag:s0], $0x1  }
0xc7: {  	[sflag:s0] =	ssyncset.done @!p0 $0x0  }
0xc8: {  	[sflag:s0] =	ssyncadd.s32 @!p0 $0xFFFFFFFF  }
0xc9: {  	v1 =	vld.msk @!p0 [tilespmem:$0xB0], $0x1  }
0xca: {  	v2 =	vld.msk @!p0 [tilespmem:s3+$0xE0], $0x1;
	_ =	sdelay $0x4  }
0xcb: {  	v1 =	vmax.f32 @!p0 v2, v1  }
0xcc: {  	[tilespmem:s3+$0xE0] =	vst.msk @!p0 $0x1, v1  }
0xcd: {  	[tilespmem:s2+$0xC0] =	vst.msk $0x1, v0  }
0xce: {  	v0 =	vld.msk [tilespmem:s3+$0xE0], $0x1;
	_ =	sdelay $0x4  }
0xcf: {  	[tilespmem:s2+$0xE0] =	vst.msk $0x1, v0;
	s2 =	sadd.s32 $0x1, s2  }
.LBB2_22:
0xd0: {  	s3 =	sadd.s32 $0x1, s3  }
0xd1: {  	p0 =	sne.s32 s3, $0x20  }
.Ltmp10:
0xd2: {  	_ = 	snop;
	(pc) =	sbr.rel @!p0 .LBB2_23-.Ltmp10, $1  }
0xd3: {  	_ =	sdelay $0x3  }
.LBB2_15:
0xd4: {  	v0 =	vld.msk [tilespmem:s3+$0xC0], $0x1;
	_ =	sdelay $0x4  }
0xd5: {  	(v2sf) =	vpush v0, $0x0;
	_ =	sdelay $0xe  }
0xd6: {  	s4 =	spop (v2sf)  }
0xd7: {  	p0 =	seq.s32 s4, $0xFFFFFFFF  }
.Ltmp11:
0xd8: {  	_ = 	snop;
	(pc) =	sbr.rel @p0 .LBB2_22-.Ltmp11, $1  }
0xd9: {  	_ =	sdelay $0x3  }
0xda: {  	p0 =	slt.s32 s2, $0x1  }
.Ltmp12:
0xdb: {  	_ = 	snop;
	(pc) =	sbr.rel @p0 .LBB2_20-.Ltmp12, $1  }
0xdc: {  	_ =	sdelay $0x3  }
0xdd: {  	s0 =	simm.s32 $0xC0;
	p0 =	por $0x0, $0x0  }
0xde: {  	v1 =	vld.msk @!p0 [tilespmem:s0+$0x0], $0x1;
	_ =	sdelay $0x4  }
0xdf: {  	(v2sf) =	vpush @!p0 v1, $0x0;
	_ =	sdelay $0xd  }
0xe0: {  	p2 =	sne.s32 s2, $0x1  }
.Ltmp13:
0xe1: {  	s5 =	spop @!p0 (v2sf);
	(pc) =	sbr.rel @!p2 .LBB2_19-.Ltmp13, $4  }
0xe2: {  	p1 =	seq.s32 @!p0 s4, s5  }
0xe3: {  	s5 =	simm.s32 $0x0;
	p1 =	por !p1, p0  }
0xe4: {  	s7 =	simm.s32 $0xFFFFFFFF;
	s5 =	simm.s32 @p1 $0xFFFFFFFF  }
0xe5: {  	s6 =	simm.s32 $0x1;
	s5 =	smov.u32 @p0 s7  }
.LBB2_18:
0xe6: {  	s7 =	smov.u32 s5;
	p0 =	sne.s32 s5, $0xFFFFFFFF  }
0xe7: {  	s0 =	sadd.s32 $0x1, s0;
	s5 =	smov.u32 s6;
	s6 =	sadd.s32 $0x1, s6  }
0xe8: {  	p1 =	sne.s32 s2, s6;
	v1 =	vld.msk @!p0 [tilespmem:s0+$0x0], $0x1;
	_ =	sdelay $0x4  }
0xe9: {  	(v2sf) =	vpush @!p0 v1, $0x0;
	_ =	sdelay $0xe  }
.Ltmp14:
0xea: {  	s8 =	spop @!p0 (v2sf);
	(pc) =	sbr.rel @p1 .LBB2_18-.Ltmp14, $4  }
0xeb: {  	p2 =	seq.s32 @!p0 s4, s8  }
0xec: {  	p2 =	por !p2, p0  }
0xed: {  	s5 =	simm.s32 @p2 $0xFFFFFFFF  }
0xee: {  	s5 =	smov.u32 @p0 s7  }
.LBB2_19:
0xef: {  	p0 =	sne.s32 s5, $0xFFFFFFFF  }
.Ltmp15:
0xf0: {  	_ = 	snop;
	(pc) =	sbr.rel @!p0 .LBB2_20-.Ltmp15, $1  }
0xf1: {  	_ =	sdelay $0x3  }
0xf2: {  	v0 =	vld.msk [tilespmem:s3+$0xE0], $0x1  }
0xf3: {  	v1 =	vld.msk [tilespmem:s5+$0xE0], $0x1;
	_ =	sdelay $0x1  }
.Ltmp16:
0xf4: {  	_ = 	snop;
	(pc) =	sbr.rel .LBB2_22-.Ltmp16, $3  }
0xf5: {  	_ =	sdelay $0x1  }
0xf6: {  	v0 =	vmax.f32 v1, v0  }
0xf7: {  	[tilespmem:s5+$0xE0] =	vst.msk $0x1, v0  }
.LBB2_23:
0xf8: {  	p0 =	slt.s32 s2, $0x1  }
.Ltmp17:
0xf9: {  	_ = 	snop;
	(pc) =	sbr.rel @p0 .LBB2_27-.Ltmp17, $3  }
0xfa: {  	_ =	sdelay $0x1  }
0xfb: {  	s0 =	simm.s32 $0x6  }
0xfc: {  	s3 =	simm.s32 $0x0;
	[sflag:s0] =	ssyncpa.u1 $0x1  }
0xfd: {  	s0 =	simm.s32 $0xC0  }
0xfe: {  	v0 =	vld.msk [tilespmem:s0+$0x0], $0x1;
	_ =	sdelay $0x4  }
0xff: {  	(v2sf) =	vpush v0, $0x0;
	_ =	sdelay $0xe  }
0x100: {  	s2 =	sadd.s32 $0xFFFFFFFF, s2;
	s4 =	spop (v2sf)  }
0x101: {  	p1 =	sne.s32 s2, $0x0;
	p0 =	sgt.u32 s4, $0x18FFF  }
.Ltmp18:
0x102: {  	s5 =	sshrl.u32 @!p0 s4, $0x3;
	(pc) =	sbr.rel @!p1 .LBB2_26-.Ltmp18, $4  }
0x103: {  	s0 =	simm.s32 $0xE0;
	s4 =	sand.u32 @!p0 $0x7, s4;
	s5 =	sadd.s32 @!p0 s1, s5  }
0x104: {  	[hbm4b:s5+s4] =	stream.linear.scatter @!p0 [tilespmem:s0], [sflag:$0x5], $0x1, $0x38;
	[tilespmem:$0x2520] =	vst v63  }
0x105: {  	s5 =	simm.s32 $0x0  }
0x106: {  	s4 =	simm.s32 $0xC1;
	s5 =	simm.s32 @!p0 $0x4  }
.LBB2_25:
0x107: {  	v0 =	vld.msk [tilespmem:s4+$0x0], $0x1;
	s2 =	sadd.s32 $0xFFFFFFFF, s2;
	s3 =	sadd.s32 s3, s5  }
0x108: {  	p0 =	sne.s32 s2, $0x0;
	_ =	sdelay $0x3  }
0x109: {  	(v2sf) =	vpush v0, $0x0;
	_ =	sdelay $0xe  }
.Ltmp19:
0x10a: {  	s6 =	spop (v2sf);
	(pc) =	sbr.rel @p0 .LBB2_25-.Ltmp19, $4  }
0x10b: {  	s5 =	simm.s32 $0x0;
	p1 =	sgt.u32 s6, $0x18FFF  }
0x10c: {  	s0 =	sadd.s32 $0x1, s0;
	s5 =	simm.s32 @!p1 $0x4;
	s7 =	sshrl.u32 @!p1 s6, $0x3  }
0x10d: {  	s4 =	sadd.s32 $0x1, s4;
	s6 =	sand.u32 @!p1 $0x7, s6;
	s7 =	sadd.s32 @!p1 s1, s7  }
0x10e: {  	[hbm4b:s7+s6] =	stream.linear.scatter @!p1 [tilespmem:s0], [sflag:$0x5], $0x1, $0x38;
	[tilespmem:$0x2520] =	vst v63  }
.LBB2_26:
0x10f: {  	s0 =	sadd.s32 s3, s5  }
0x110: {  	s3 =	sshrl.u32 s0, $0x2  }
.LBB2_27:
0x111: {  	s0 =	simm.s32 $0x5  }
0x112: {  	_ =	swait.ge [sflag:s0], s3  }
0x113: {  	s1 =	ssub.s32 $0x0, s3;
	[sflag:s0] =	ssyncset.done $0x0  }
0x114: {  	[sflag:s0] =	ssyncadd.s32 s1  }
0x115: {  	[sflag:s0] =	ssyncpa.u1 $0x1  }
0x116: {  	s29 =	simm.s32 $0x1;
	_ =	sfence  }
0x117: {  	s30 =	simm.s32 $0x2;
	[sflag:s29] =	ssyncpa.u1 $0x1  }
0x118: {  	[sflag:s30] =	ssyncpa.u1 $0x1  }
0x119: {  	_ =	strace $0x90000047  }
0x11a: {  	[bflag:$0x2] =	sbarrier.arrive $0xFFFF  }
0x11b: {  	s31 =	rddreg [dreg:$0x1]  }
0x11c: {  	s0 =	sadd.s32 $0x100000, s31  }
0x11d: {  	[sflag:s0] =	ssyncadd.tile.s32 $0x1;
	_ =	shalt  }
.Lfunc_end2:
_tile_overlayer_lowered:
.L_overlay_start_2:
0x11e: {  	(tag) =	ssettag $0x2  }
0x11f: {  	s0 =	rddreg [dreg:$0x0];
	s2 =	stileid.u32  }
0x120: {  	s1 =	rddreg [dreg:$0x1];
	p0 =	sne.s32 s2, $0x0  }
0x121: {  	s3 =	rddreg [dreg:$0x2];
	[bflag:$0x3] =	sbarrier.arrive $0xFFFF;
	s2 =	simm.s32 @!p0 $0x1C01  }
0x122: {  	[timem:s3], [sflag:s2] =	dma.local @!p0 [hbm:s0], s1  }
0x123: {  	s0 =	simm.s32 @!p0 $0x1  }
0x124: {  	_ =	swait.ge @!p0 [sflag:s0], s1  }
0x125: {  	s1 =	ssub.s32 @!p0 $0x0, s1;
	[sflag:s0] =	ssyncset.done @!p0 $0x0  }
0x126: {  	[sflag:s0] =	ssyncadd.s32 @!p0 s1  }
0x127: {  	[bflag:$0x3] =	sbarrier.arrive $0xFFFF  }
0x128: {  	_ =	shalt  }

</sc_bundles>
